<compile_context>
chip_gen: v7x
topology: tpu7x:2x2x1
jax: 0.10.2.dev20260603
libtpu: 0.0.44.dev20260713+nightly
codegen_flags: <defaults>
</compile_context>

<pallas_src>
import functools

import jax
import jax.numpy as jnp
from jax import lax
from jax.experimental import pallas as pl
from jax.experimental.pallas import tpu as pltpu
from jax.experimental.pallas import tpu_sc as plsc

NC = 2
NS = 16
NW = NC * NS
LANES = 16
HD = 128
EDGE_CHUNK = 128
IBLK = 20


def _make_deg(EPAD, NPAD):
    nchunks = EPAD // (NW * EDGE_CHUNK)
    rows_t = NPAD // NS
    mesh = plsc.VectorSubcoreMesh(core_axis_name="c", subcore_axis_name="s")

    @functools.partial(
        pl.kernel,
        out_type=jax.ShapeDtypeStruct((NC * NPAD, LANES), jnp.float32),
        mesh=mesh,
        scratch_types=[
            pltpu.VMEM((nchunks, EDGE_CHUNK), jnp.int32),
            pltpu.VMEM((EDGE_CHUNK, LANES), jnp.float32),
            pltpu.VMEM_SHARED((NPAD, LANES), jnp.float32),
        ],
    )
    def deg_kernel(dst_hbm, ones_hbm, zero_hbm, out_hbm, dst_v, ones_v, acc):
        c = lax.axis_index("c")
        s = lax.axis_index("s")
        w = c * NS + s
        pltpu.sync_copy(zero_hbm.at[pl.ds(s * rows_t, rows_t)],
                        acc.at[pl.ds(s * rows_t, rows_t)])
        pltpu.sync_copy(dst_hbm.at[w], dst_v)
        pltpu.sync_copy(ones_hbm, ones_v)
        plsc.subcore_barrier()

        def step(i, carry):
            pltpu.sync_copy(ones_v, acc.at[dst_v.at[i]], add=True)
            return carry

        lax.fori_loop(0, nchunks, step, 0)
        plsc.subcore_barrier()
        pltpu.sync_copy(acc.at[pl.ds(s * rows_t, rows_t)],
                        out_hbm.at[pl.ds(c * NPAD + s * rows_t, rows_t)])

    return deg_kernel


def _make_agg(NPAD, EPAD):
    nchunks = EPAD // (NS * EDGE_CHUNK)
    nblk = nchunks // IBLK
    rows_t = NPAD // NS
    mesh = plsc.VectorSubcoreMesh(core_axis_name="c", subcore_axis_name="s")

    @functools.partial(
        pl.kernel,
        out_type=jax.ShapeDtypeStruct((NC * NPAD, HD), jnp.float32),
        mesh=mesh,
        scratch_types=[
            pltpu.VMEM((IBLK, EDGE_CHUNK), jnp.int32),
            pltpu.VMEM((IBLK, EDGE_CHUNK), jnp.int32),
            pltpu.VMEM((EDGE_CHUNK, HD), jnp.float32),
            pltpu.VMEM_SHARED((NPAD, HD), jnp.float32),
            pltpu.SemaphoreType.DMA,
        ],
    )
    def agg_kernel(tbl_hbm, src_hbm, dst_hbm, zero_hbm, out_hbm,
                   src_v, dst_v, rows_v, acc, sem):
        c = lax.axis_index("c")
        s = lax.axis_index("s")
        pltpu.sync_copy(zero_hbm.at[pl.ds(s * rows_t, rows_t)],
                        acc.at[pl.ds(s * rows_t, rows_t)])
        plsc.subcore_barrier()

        def outer(j, carry):
            pltpu.sync_copy(dst_hbm.at[s].at[j], dst_v)
            pltpu.sync_copy(src_hbm.at[c * NS + s].at[j], src_v)

            def step(i, carry2):
                pltpu.async_copy(tbl_hbm.at[src_v.at[i]], rows_v, sem).wait()
                pltpu.sync_copy(rows_v, acc.at[dst_v.at[i]], add=True)
                return carry2

            lax.fori_loop(0, IBLK, step, 0)
            return carry

        lax.fori_loop(0, nblk, outer, 0)
        plsc.subcore_barrier()
        pltpu.sync_copy(acc.at[pl.ds(s * rows_t, rows_t)],
                        out_hbm.at[pl.ds(c * NPAD + s * rows_t, rows_t)])

    return agg_kernel


def _dk_body(degp_ref, dinv_ref, *, npad):
    deg = (degp_ref[0:npad, 0:1] + degp_ref[npad:, 0:1]) + 1.0
    dinv_ref[...] = lax.rsqrt(deg)


def _ab_body(x_ref, w1_ref, dinv_ref, u1_ref):
    h = jnp.dot(x_ref[...], w1_ref[...], preferred_element_type=jnp.float32)
    dinv = dinv_ref[...]
    u1_ref[0] = h[:, :HD] * dinv
    u1_ref[1] = h[:, HD:] * dinv


def _mid_body(agg_ref, u1_ref, dinv_ref, b1_ref, g1_ref, be1_ref, w2_ref,
              u2_ref, *, d2):
    dinv = dinv_ref[...]
    r0 = jnp.maximum((agg_ref[0] + u1_ref[0]) * dinv + b1_ref[0, :HD], 0.0)
    r1 = jnp.maximum((agg_ref[1] + u1_ref[1]) * dinv + b1_ref[0, HD:], 0.0)
    m = (jnp.sum(r0, -1, keepdims=True) + jnp.sum(r1, -1, keepdims=True)) / d2
    v = (jnp.sum((r0 - m) ** 2, -1, keepdims=True)
         + jnp.sum((r1 - m) ** 2, -1, keepdims=True)) / d2
    inv = lax.rsqrt(v + 1e-5)
    n0 = (r0 - m) * inv * g1_ref[0, :HD] + be1_ref[0, :HD]
    n1 = (r1 - m) * inv * g1_ref[0, HD:] + be1_ref[0, HD:]
    h2 = (jnp.dot(n0, w2_ref[:HD], preferred_element_type=jnp.float32)
          + jnp.dot(n1, w2_ref[HD:], preferred_element_type=jnp.float32))
    u2 = h2 * dinv
    u2_ref[0] = u2
    u2_ref[1] = u2


def _fin_body(p_ref, u2_ref, dinv_ref, b2_ref, o_ref):
    o_ref[...] = (p_ref[0] + u2_ref[0]) * dinv_ref[...] + b2_ref[0]


def kernel(x_list, edge_index_list, W1, b1, gamma1, beta1, W2, b2):
    Gn, N, D1 = x_list.shape
    D2 = W1.shape[1]
    D3 = W2.shape[1]
    E = edge_index_list.shape[2]
    NPAD = -(-N // 256) * 256
    egran = NS * EDGE_CHUNK * IBLK * NC
    EPAD = -(-E // egran) * egran
    R = 1000
    NBLK = N // R

    deg_call = _make_deg(EPAD, NPAD)
    agg_call = _make_agg(NPAD, EPAD)

    dk_call = pl.pallas_call(
        functools.partial(_dk_body, npad=NPAD),
        grid=(1,),
        in_specs=[pl.BlockSpec((NC * NPAD, LANES), lambda i: (0, 0))],
        out_specs=pl.BlockSpec((NPAD, 1), lambda i: (0, 0)),
        out_shape=jax.ShapeDtypeStruct((NPAD, 1), jnp.float32),
    )
    ab_call = pl.pallas_call(
        _ab_body,
        grid=(NBLK,),
        in_specs=[
            pl.BlockSpec((R, D1), lambda i: (i, 0)),
            pl.BlockSpec((D1, D2), lambda i: (0, 0)),
            pl.BlockSpec((R, 1), lambda i: (i, 0)),
        ],
        out_specs=pl.BlockSpec((2, R, HD), lambda i: (0, i, 0)),
        out_shape=jax.ShapeDtypeStruct((2, N, HD), jnp.float32),
    )
    mid_call = pl.pallas_call(
        functools.partial(_mid_body, d2=D2),
        grid=(NBLK,),
        in_specs=[
            pl.BlockSpec((2, R, HD), lambda i: (0, i, 0)),
            pl.BlockSpec((2, R, HD), lambda i: (0, i, 0)),
            pl.BlockSpec((R, 1), lambda i: (i, 0)),
            pl.BlockSpec((1, D2), lambda i: (0, 0)),
            pl.BlockSpec((1, D2), lambda i: (0, 0)),
            pl.BlockSpec((1, D2), lambda i: (0, 0)),
            pl.BlockSpec((D2, D3), lambda i: (0, 0)),
        ],
        out_specs=pl.BlockSpec((2, R, D3), lambda i: (0, i, 0)),
        out_shape=jax.ShapeDtypeStruct((2, N, D3), jnp.float32),
    )
    fin_call = pl.pallas_call(
        _fin_body,
        grid=(NBLK,),
        in_specs=[
            pl.BlockSpec((1, R, D3), lambda i: (0, i, 0)),
            pl.BlockSpec((1, R, D3), lambda i: (0, i, 0)),
            pl.BlockSpec((R, 1), lambda i: (i, 0)),
            pl.BlockSpec((1, D3), lambda i: (0, 0)),
        ],
        out_specs=pl.BlockSpec((R, D3), lambda i: (i, 0)),
        out_shape=jax.ShapeDtypeStruct((N, D3), jnp.float32),
    )

    zeros_tbl = jnp.zeros((NPAD, HD), jnp.float32)
    ones16 = jnp.ones((EDGE_CHUNK, LANES), jnp.float32)
    zeros16 = jnp.zeros((NPAD, LANES), jnp.float32)
    b1r = b1.reshape(1, D2)
    g1r = gamma1.reshape(1, D2)
    be1r = beta1.reshape(1, D2)
    b2r = b2.reshape(1, D3)
    npadlen = EPAD - E

    outs = []
    for g in range(Gn):
        x = x_list[g]
        src = edge_index_list[g, 0]
        dst = edge_index_list[g, 1]
        src_p = jnp.concatenate([src, jnp.zeros((npadlen,), jnp.int32)])
        dst_p = jnp.concatenate([dst, jnp.full((npadlen,), N, jnp.int32)])
        nblk = EPAD // (NS * EDGE_CHUNK * IBLK)
        dst_s = dst_p.reshape(NS, nblk, IBLK, EDGE_CHUNK)
        dst_w = dst_p.reshape(NW, EPAD // (NW * EDGE_CHUNK), EDGE_CHUNK)
        src_l = jnp.concatenate([src_p, src_p + N]).reshape(
            2 * NS, nblk, IBLK, EDGE_CHUNK)

        degp = deg_call(dst_w, ones16, zeros16)
        dinv = dk_call(degp)
        u1 = ab_call(x, W1, dinv)
        agg1 = agg_call(u1.reshape(2 * N, HD), src_l, dst_s,
                        zeros_tbl).reshape(2, NPAD, HD)
        u2 = mid_call(agg1, u1, dinv, b1r, g1r, be1r, W2)
        p = agg_call(u2.reshape(2 * N, D3), src_l, dst_s,
                     zeros_tbl).reshape(2, NPAD, D3)
        outs.append(fin_call(p, u2, dinv, b2r))
    return jnp.stack(outs)

# --- scband reference (transcript-rebuilt; emitter-appended) ---
"""Pipeline reference for scband-gcnmodel-20246475833483 (READ-ONLY COPY).

The authoritative reference and input builder live on the scoring server;
editing this copy changes nothing except your own understanding.
"""

import jax, jax.numpy as jnp
import numpy as np

G, N, E = 2, 10000, 320000
D_IN, D_HID, D_OUT = 128, 256, 128


def gcn_conv(x, edge_index, W, b):
    num_nodes = x.shape[0]
    loop = jnp.arange(num_nodes, dtype=edge_index.dtype)
    src = jnp.concatenate([edge_index[0], loop])
    dst = jnp.concatenate([edge_index[1], loop])
    deg = jnp.zeros((num_nodes,), x.dtype).at[dst].add(1.0)
    dinv = jnp.where(deg > 0, 1.0 / jnp.sqrt(deg), 0.0)
    norm = dinv[src] * dinv[dst]
    h = x @ W
    msg = h[src] * norm[:, None]
    out = jnp.zeros((num_nodes, W.shape[1]), x.dtype).at[dst].add(msg)
    return out + b


def layer_norm(x, g, b, eps=1e-5):
    m = jnp.mean(x, axis=-1, keepdims=True)
    v = jnp.mean((x - m) ** 2, axis=-1, keepdims=True)
    return (x - m) / jnp.sqrt(v + eps) * g + b


def setup_inputs(seed: int = 0):
    key = jax.random.key(seed)
    ks = jax.random.split(key, 8)
    x_list = jax.random.normal(ks[0], (G, N, D_IN), dtype=jnp.float32)
    edge_index_list = jax.random.randint(ks[1], (G, 2, E), 0, N, dtype=jnp.int32)
    W1 = jax.random.normal(ks[2], (D_IN, D_HID), dtype=jnp.float32) * 0.05
    b1 = jnp.zeros((D_HID,), dtype=jnp.float32)
    gamma1 = jnp.ones((D_HID,), dtype=jnp.float32)
    beta1 = jnp.zeros((D_HID,), dtype=jnp.float32)
    W2 = jax.random.normal(ks[3], (D_HID, D_OUT), dtype=jnp.float32) * 0.05
    b2 = jnp.zeros((D_OUT,), dtype=jnp.float32)
    return {"x_list": x_list, "edge_index_list": edge_index_list, "W1": W1, "b1": b1, "gamma1": gamma1, "beta1": beta1, "W2": W2, "b2": b2}


def reference(x_list, edge_index_list, W1, b1, gamma1, beta1, W2, b2):
    outs = []
    for i in range(x_list.shape[0]):
        h = gcn_conv(x_list[i], edge_index_list[i], W1, b1)
        h = jax.nn.relu(h)
        h = layer_norm(h, gamma1, beta1)
        h = gcn_conv(h, edge_index_list[i], W2, b2)
        outs.append(h)
    return jnp.stack(outs)

if __name__ == "__main__":
    import jax
    _d = setup_inputs()
    print(jax.jit(kernel)(*tuple(_d.values())))

</pallas_src>

<mosaic_0001>
#map = affine_map<(d0, d1) -> (0, 0, 0)>
#map1 = affine_map<(d0, d1) -> (0, 0)>
module attributes {stable_mosaic.version = 14 : i64} {
  func.func @deg_kernel(%arg0: i32, %arg1: i32, %arg2: memref<32x80x128xi32, #tpu.memory_space<hbm>>, %arg3: memref<128x16xf32, #tpu.memory_space<hbm>>, %arg4: memref<10240x16xf32, #tpu.memory_space<hbm>>, %arg5: memref<20480x16xf32, #tpu.memory_space<hbm>>, %arg6: memref<80x128xi32, #tpu.memory_space<vmem>>, %arg7: memref<128x16xf32, #tpu.memory_space<vmem>>, %arg8: memref<10240x16xf32, #tpu.memory_space<vmem_shared>>) attributes {dimension_semantics = [#tpu.dimension_semantics<core_parallel>, #tpu.dimension_semantics<subcore_parallel>], iteration_bounds = array<i64: 2, 16>, scalar_prefetch = 0 : i64, scratch_operands = 3 : i64, tpu.core_type = #tpu.core_type<sc_vector_subcore>, window_params = [{transform_indices = #map}, {transform_indices = #map1}, {transform_indices = #map1}, {transform_indices = #map1}]} {
    %mul3A = arith.constant 16 : i32
    %mul3A_0 = arith.muli %arg0, %mul3A : i32
    %add3A = arith.addi %mul3A_0, %arg1 : i32
    %mul3A_1 = arith.constant 640 : i32
    %mul3A_2 = arith.muli %arg1, %mul3A_1 : i32
    %mul3A_3 = arith.constant 640 : i32
    %mul3A_4 = arith.muli %arg1, %mul3A_3 : i32
    "tpu.region"() ({
      %run_scoped3A = tpu.sem_alloc : memref<!tpu.dma_semaphore, #tpu.memory_space<semaphore_mem>>
      %dma_start3A = arith.constant 0 : i32
      %dma_start3A_18 = tpu.memref_slice %arg8[%mul3A_4, %dma_start3A] : memref<10240x16xf32, #tpu.memory_space<vmem_shared>> -> memref<640x16xf32, #tpu.memory_space<vmem_shared>>
      %dma_start3A_19 = arith.constant 0 : i32
      %dma_start3A_20 = tpu.memref_slice %arg4[%mul3A_2, %dma_start3A_19] : memref<10240x16xf32, #tpu.memory_space<hbm>> -> memref<640x16xf32, #tpu.memory_space<hbm>>
      tpu.enqueue_dma source(%dma_start3A_20 : memref<640x16xf32, #tpu.memory_space<hbm>>) target(%dma_start3A_18 : memref<640x16xf32, #tpu.memory_space<vmem_shared>>) target_semaphore(%run_scoped3A : memref<!tpu.dma_semaphore, #tpu.memory_space<semaphore_mem>>)
      %dma_wait3A = arith.constant 0 : i32
      %dma_wait3A_21 = tpu.memref_slice %arg8[%mul3A_4, %dma_wait3A] : memref<10240x16xf32, #tpu.memory_space<vmem_shared>> -> memref<640x16xf32, #tpu.memory_space<vmem_shared>>
      %dma_wait3A_22 = arith.constant 0 : i32
      %dma_wait3A_23 = tpu.memref_slice %arg4[%mul3A_2, %dma_wait3A_22] : memref<10240x16xf32, #tpu.memory_space<hbm>> -> memref<640x16xf32, #tpu.memory_space<hbm>>
      tpu.wait_dma2 semaphore(%run_scoped3A : memref<!tpu.dma_semaphore, #tpu.memory_space<semaphore_mem>>) src(%dma_wait3A_23 : memref<640x16xf32, #tpu.memory_space<hbm>>) dst(%dma_wait3A_21 : memref<640x16xf32, #tpu.memory_space<vmem_shared>>)
      tpu.yield
    }) : () -> ()
    "tpu.region"() ({
      %run_scoped3A = tpu.sem_alloc : memref<!tpu.dma_semaphore, #tpu.memory_space<semaphore_mem>>
      %dma_start3A = arith.constant 0 : i32
      %dma_start3A_18 = arith.constant 0 : i32
      %dma_start3A_19 = tpu.memref_slice %arg2[%add3A, %dma_start3A, %dma_start3A_18] : memref<32x80x128xi32, #tpu.memory_space<hbm>> -> memref<1x80x128xi32, #tpu.memory_space<hbm>>
      %dma_start3A_20 = tpu.memref_squeeze %dma_start3A_19 : memref<1x80x128xi32, #tpu.memory_space<hbm>> -> memref<80x128xi32, #tpu.memory_space<hbm>>
      %dma_start3A_21 = arith.constant 0 : i32
      %dma_start3A_22 = arith.constant 0 : i32
      %dma_start3A_23 = tpu.memref_slice %arg2[%add3A, %dma_start3A_21, %dma_start3A_22] : memref<32x80x128xi32, #tpu.memory_space<hbm>> -> memref<1x80x128xi32, #tpu.memory_space<hbm>>
      %dma_start3A_24 = tpu.memref_squeeze %dma_start3A_23 : memref<1x80x128xi32, #tpu.memory_space<hbm>> -> memref<80x128xi32, #tpu.memory_space<hbm>>
      tpu.enqueue_dma source(%dma_start3A_24 : memref<80x128xi32, #tpu.memory_space<hbm>>) target(%arg6 : memref<80x128xi32, #tpu.memory_space<vmem>>) target_semaphore(%run_scoped3A : memref<!tpu.dma_semaphore, #tpu.memory_space<semaphore_mem>>)
      %dma_wait3A = arith.constant 0 : i32
      %dma_wait3A_25 = arith.constant 0 : i32
      %dma_wait3A_26 = tpu.memref_slice %arg2[%add3A, %dma_wait3A, %dma_wait3A_25] : memref<32x80x128xi32, #tpu.memory_space<hbm>> -> memref<1x80x128xi32, #tpu.memory_space<hbm>>
      %dma_wait3A_27 = tpu.memref_squeeze %dma_wait3A_26 : memref<1x80x128xi32, #tpu.memory_space<hbm>> -> memref<80x128xi32, #tpu.memory_space<hbm>>
      %dma_wait3A_28 = arith.constant 0 : i32
      %dma_wait3A_29 = arith.constant 0 : i32
      %dma_wait3A_30 = tpu.memref_slice %arg2[%add3A, %dma_wait3A_28, %dma_wait3A_29] : memref<32x80x128xi32, #tpu.memory_space<hbm>> -> memref<1x80x128xi32, #tpu.memory_space<hbm>>
      %dma_wait3A_31 = tpu.memref_squeeze %dma_wait3A_30 : memref<1x80x128xi32, #tpu.memory_space<hbm>> -> memref<80x128xi32, #tpu.memory_space<hbm>>
      tpu.wait_dma2 semaphore(%run_scoped3A : memref<!tpu.dma_semaphore, #tpu.memory_space<semaphore_mem>>) src(%dma_wait3A_31 : memref<80x128xi32, #tpu.memory_space<hbm>>) dst(%arg6 : memref<80x128xi32, #tpu.memory_space<vmem>>)
      tpu.yield
    }) : () -> ()
    "tpu.region"() ({
      %run_scoped3A = tpu.sem_alloc : memref<!tpu.dma_semaphore, #tpu.memory_space<semaphore_mem>>
      tpu.enqueue_dma source(%arg3 : memref<128x16xf32, #tpu.memory_space<hbm>>) target(%arg7 : memref<128x16xf32, #tpu.memory_space<vmem>>) target_semaphore(%run_scoped3A : memref<!tpu.dma_semaphore, #tpu.memory_space<semaphore_mem>>)
      tpu.wait_dma2 semaphore(%run_scoped3A : memref<!tpu.dma_semaphore, #tpu.memory_space<semaphore_mem>>) src(%arg3 : memref<128x16xf32, #tpu.memory_space<hbm>>) dst(%arg7 : memref<128x16xf32, #tpu.memory_space<vmem>>)
      tpu.yield
    }) : () -> ()
    %barrier3A = arith.constant 0 : index
    tpu.barrier barrier_id(%barrier3A)
    %scan3A = arith.constant 0 : i32
    %scan3A_5 = arith.constant 0 : i32
    %scan3A_6 = arith.constant 80 : i32
    %scan3A_7 = arith.addi %scan3A_5, %scan3A_6 : i32
    %scan3A_8 = arith.constant 1 : i32
    scf.for %scan3A_18 = %scan3A_5 to %scan3A_7 step %scan3A_8  : i32 {
      "tpu.region"() ({
        %run_scoped3A = tpu.sem_alloc : memref<!tpu.dma_semaphore, #tpu.memory_space<semaphore_mem>>
        %dma_start3A = arith.constant 0 : i32
        %dma_start3A_19 = tpu.memref_slice %arg6[%scan3A_18, %dma_start3A] : memref<80x128xi32, #tpu.memory_space<vmem>> -> memref<1x128xi32, #tpu.memory_space<vmem>>
        %dma_start3A_20 = tpu.memref_squeeze %dma_start3A_19 : memref<1x128xi32, #tpu.memory_space<vmem>> -> memref<128xi32, #tpu.memory_space<vmem>>
        %dma_start3A_21 = arith.constant 0 : i32
        %dma_start3A_22 = arith.constant 0 : i32
        %dma_start3A_23 = tpu.memref_slice %arg8[%dma_start3A_21, %dma_start3A_22] : memref<10240x16xf32, #tpu.memory_space<vmem_shared>> -> memref<10240x16xf32, #tpu.memory_space<vmem_shared>>
        tpu.enqueue_indirect_dma source(%arg7 : memref<128x16xf32, #tpu.memory_space<vmem>>) target(%dma_start3A_23 : memref<10240x16xf32, #tpu.memory_space<vmem_shared>>) offsets(%dma_start3A_20 : memref<128xi32, #tpu.memory_space<vmem>>) semaphore(%run_scoped3A : memref<!tpu.dma_semaphore, #tpu.memory_space<semaphore_mem>>) {add = true}
        %dma_wait3A = arith.constant 0 : i32
        %dma_wait3A_24 = tpu.memref_slice %arg6[%scan3A_18, %dma_wait3A] : memref<80x128xi32, #tpu.memory_space<vmem>> -> memref<1x128xi32, #tpu.memory_space<vmem>>
        %dma_wait3A_25 = tpu.memref_squeeze %dma_wait3A_24 : memref<1x128xi32, #tpu.memory_space<vmem>> -> memref<128xi32, #tpu.memory_space<vmem>>
        %dma_wait3A_26 = arith.constant 0 : i32
        %dma_wait3A_27 = arith.constant 0 : i32
        %dma_wait3A_28 = tpu.memref_slice %arg8[%dma_wait3A_26, %dma_wait3A_27] : memref<10240x16xf32, #tpu.memory_space<vmem_shared>> -> memref<10240x16xf32, #tpu.memory_space<vmem_shared>>
        tpu.wait_indirect_dma semaphore(%run_scoped3A : memref<!tpu.dma_semaphore, #tpu.memory_space<semaphore_mem>>) src(%arg7 : memref<128x16xf32, #tpu.memory_space<vmem>>) dst(%dma_wait3A_28 : memref<10240x16xf32, #tpu.memory_space<vmem_shared>>)
        tpu.yield
      }) : () -> ()
    }
    %scan3A_9 = arith.constant 80 : i32
    %barrier3A_10 = arith.constant 0 : index
    tpu.barrier barrier_id(%barrier3A_10)
    %mul3A_11 = arith.constant 640 : i32
    %mul3A_12 = arith.muli %arg1, %mul3A_11 : i32
    %mul3A_13 = arith.constant 10240 : i32
    %mul3A_14 = arith.muli %arg0, %mul3A_13 : i32
    %mul3A_15 = arith.constant 640 : i32
    %mul3A_16 = arith.muli %arg1, %mul3A_15 : i32
    %add3A_17 = arith.addi %mul3A_14, %mul3A_16 : i32
    "tpu.region"() ({
      %run_scoped3A = tpu.sem_alloc : memref<!tpu.dma_semaphore, #tpu.memory_space<semaphore_mem>>
      %dma_start3A = arith.constant 0 : i32
      %dma_start3A_18 = tpu.memref_slice %arg5[%add3A_17, %dma_start3A] : memref<20480x16xf32, #tpu.memory_space<hbm>> -> memref<640x16xf32, #tpu.memory_space<hbm>>
      %dma_start3A_19 = arith.constant 0 : i32
      %dma_start3A_20 = tpu.memref_slice %arg8[%mul3A_12, %dma_start3A_19] : memref<10240x16xf32, #tpu.memory_space<vmem_shared>> -> memref<640x16xf32, #tpu.memory_space<vmem_shared>>
      tpu.enqueue_dma source(%dma_start3A_20 : memref<640x16xf32, #tpu.memory_space<vmem_shared>>) target(%dma_start3A_18 : memref<640x16xf32, #tpu.memory_space<hbm>>) target_semaphore(%run_scoped3A : memref<!tpu.dma_semaphore, #tpu.memory_space<semaphore_mem>>)
      %dma_wait3A = arith.constant 0 : i32
      %dma_wait3A_21 = tpu.memref_slice %arg5[%add3A_17, %dma_wait3A] : memref<20480x16xf32, #tpu.memory_space<hbm>> -> memref<640x16xf32, #tpu.memory_space<hbm>>
      %dma_wait3A_22 = arith.constant 0 : i32
      %dma_wait3A_23 = tpu.memref_slice %arg8[%mul3A_12, %dma_wait3A_22] : memref<10240x16xf32, #tpu.memory_space<vmem_shared>> -> memref<640x16xf32, #tpu.memory_space<vmem_shared>>
      tpu.wait_dma2 semaphore(%run_scoped3A : memref<!tpu.dma_semaphore, #tpu.memory_space<semaphore_mem>>) src(%dma_wait3A_23 : memref<640x16xf32, #tpu.memory_space<vmem_shared>>) dst(%dma_wait3A_21 : memref<640x16xf32, #tpu.memory_space<hbm>>)
      tpu.yield
    }) : () -> ()
    return
  }
}

#map = affine_map<(d0, d1) -> (0, 0)>
#map1 = affine_map<(d0, d1) -> (0, 0, 0, 0)>
module attributes {stable_mosaic.version = 14 : i64} {
  func.func @agg_kernel(%arg0: i32, %arg1: i32, %arg2: memref<20000x128xf32, #tpu.memory_space<hbm>>, %arg3: memref<32x8x20x128xi32, #tpu.memory_space<hbm>>, %arg4: memref<16x8x20x128xi32, #tpu.memory_space<hbm>>, %arg5: memref<10240x128xf32, #tpu.memory_space<hbm>>, %arg6: memref<20480x128xf32, #tpu.memory_space<hbm>>, %arg7: memref<20x128xi32, #tpu.memory_space<vmem>>, %arg8: memref<20x128xi32, #tpu.memory_space<vmem>>, %arg9: memref<128x128xf32, #tpu.memory_space<vmem>>, %arg10: memref<10240x128xf32, #tpu.memory_space<vmem_shared>>, %arg11: memref<!tpu.dma_semaphore, #tpu.memory_space<semaphore_mem>>) attributes {dimension_semantics = [#tpu.dimension_semantics<core_parallel>, #tpu.dimension_semantics<subcore_parallel>], iteration_bounds = array<i64: 2, 16>, scalar_prefetch = 0 : i64, scratch_operands = 5 : i64, tpu.core_type = #tpu.core_type<sc_vector_subcore>, window_params = [{transform_indices = #map}, {transform_indices = #map1}, {transform_indices = #map1}, {transform_indices = #map}, {transform_indices = #map}]} {
    %mul3A = arith.constant 640 : i32
    %mul3A_0 = arith.muli %arg1, %mul3A : i32
    %mul3A_1 = arith.constant 640 : i32
    %mul3A_2 = arith.muli %arg1, %mul3A_1 : i32
    "tpu.region"() ({
      %run_scoped3A = tpu.sem_alloc : memref<!tpu.dma_semaphore, #tpu.memory_space<semaphore_mem>>
      %dma_start3A = arith.constant 0 : i32
      %dma_start3A_15 = tpu.memref_slice %arg10[%mul3A_2, %dma_start3A] : memref<10240x128xf32, #tpu.memory_space<vmem_shared>> -> memref<640x128xf32, #tpu.memory_space<vmem_shared>>
      %dma_start3A_16 = arith.constant 0 : i32
      %dma_start3A_17 = tpu.memref_slice %arg5[%mul3A_0, %dma_start3A_16] : memref<10240x128xf32, #tpu.memory_space<hbm>> -> memref<640x128xf32, #tpu.memory_space<hbm>>
      tpu.enqueue_dma source(%dma_start3A_17 : memref<640x128xf32, #tpu.memory_space<hbm>>) target(%dma_start3A_15 : memref<640x128xf32, #tpu.memory_space<vmem_shared>>) target_semaphore(%run_scoped3A : memref<!tpu.dma_semaphore, #tpu.memory_space<semaphore_mem>>)
      %dma_wait3A = arith.constant 0 : i32
      %dma_wait3A_18 = tpu.memref_slice %arg10[%mul3A_2, %dma_wait3A] : memref<10240x128xf32, #tpu.memory_space<vmem_shared>> -> memref<640x128xf32, #tpu.memory_space<vmem_shared>>
      %dma_wait3A_19 = arith.constant 0 : i32
      %dma_wait3A_20 = tpu.memref_slice %arg5[%mul3A_0, %dma_wait3A_19] : memref<10240x128xf32, #tpu.memory_space<hbm>> -> memref<640x128xf32, #tpu.memory_space<hbm>>
      tpu.wait_dma2 semaphore(%run_scoped3A : memref<!tpu.dma_semaphore, #tpu.memory_space<semaphore_mem>>) src(%dma_wait3A_20 : memref<640x128xf32, #tpu.memory_space<hbm>>) dst(%dma_wait3A_18 : memref<640x128xf32, #tpu.memory_space<vmem_shared>>)
      tpu.yield
    }) : () -> ()
    %barrier3A = arith.constant 0 : index
    tpu.barrier barrier_id(%barrier3A)
    %scan3A = arith.constant 0 : i32
    %scan3A_3 = arith.constant 0 : i32
    %scan3A_4 = arith.constant 8 : i32
    %scan3A_5 = arith.addi %scan3A_3, %scan3A_4 : i32
    %scan3A_6 = arith.constant 1 : i32
    scf.for %scan3A_15 = %scan3A_3 to %scan3A_5 step %scan3A_6  : i32 {
      "tpu.region"() ({
        %run_scoped3A = tpu.sem_alloc : memref<!tpu.dma_semaphore, #tpu.memory_space<semaphore_mem>>
        %dma_start3A = arith.constant 0 : i32
        %dma_start3A_25 = arith.constant 0 : i32
        %dma_start3A_26 = arith.constant 0 : i32
        %dma_start3A_27 = tpu.memref_slice %arg4[%arg1, %dma_start3A, %dma_start3A_25, %dma_start3A_26] : memref<16x8x20x128xi32, #tpu.memory_space<hbm>> -> memref<1x8x20x128xi32, #tpu.memory_space<hbm>>
        %dma_start3A_28 = tpu.memref_squeeze %dma_start3A_27 : memref<1x8x20x128xi32, #tpu.memory_space<hbm>> -> memref<8x20x128xi32, #tpu.memory_space<hbm>>
        %dma_start3A_29 = arith.constant 0 : i32
        %dma_start3A_30 = arith.constant 0 : i32
        %dma_start3A_31 = tpu.memref_slice %dma_start3A_28[%scan3A_15, %dma_start3A_29, %dma_start3A_30] : memref<8x20x128xi32, #tpu.memory_space<hbm>> -> memref<1x20x128xi32, #tpu.memory_space<hbm>>
        %dma_start3A_32 = tpu.memref_squeeze %dma_start3A_31 : memref<1x20x128xi32, #tpu.memory_space<hbm>> -> memref<20x128xi32, #tpu.memory_space<hbm>>
        %dma_start3A_33 = arith.constant 0 : i32
        %dma_start3A_34 = arith.constant 0 : i32
        %dma_start3A_35 = arith.constant 0 : i32
        %dma_start3A_36 = tpu.memref_slice %arg4[%arg1, %dma_start3A_33, %dma_start3A_34, %dma_start3A_35] : memref<16x8x20x128xi32, #tpu.memory_space<hbm>> -> memref<1x8x20x128xi32, #tpu.memory_space<hbm>>
        %dma_start3A_37 = tpu.memref_squeeze %dma_start3A_36 : memref<1x8x20x128xi32, #tpu.memory_space<hbm>> -> memref<8x20x128xi32, #tpu.memory_space<hbm>>
        %dma_start3A_38 = arith.constant 0 : i32
        %dma_start3A_39 = arith.constant 0 : i32
        %dma_start3A_40 = tpu.memref_slice %dma_start3A_37[%scan3A_15, %dma_start3A_38, %dma_start3A_39] : memref<8x20x128xi32, #tpu.memory_space<hbm>> -> memref<1x20x128xi32, #tpu.memory_space<hbm>>
        %dma_start3A_41 = tpu.memref_squeeze %dma_start3A_40 : memref<1x20x128xi32, #tpu.memory_space<hbm>> -> memref<20x128xi32, #tpu.memory_space<hbm>>
        tpu.enqueue_dma source(%dma_start3A_41 : memref<20x128xi32, #tpu.memory_space<hbm>>) target(%arg8 : memref<20x128xi32, #tpu.memory_space<vmem>>) target_semaphore(%run_scoped3A : memref<!tpu.dma_semaphore, #tpu.memory_space<semaphore_mem>>)
        %dma_wait3A = arith.constant 0 : i32
        %dma_wait3A_42 = arith.constant 0 : i32
        %dma_wait3A_43 = arith.constant 0 : i32
        %dma_wait3A_44 = tpu.memref_slice %arg4[%arg1, %dma_wait3A, %dma_wait3A_42, %dma_wait3A_43] : memref<16x8x20x128xi32, #tpu.memory_space<hbm>> -> memref<1x8x20x128xi32, #tpu.memory_space<hbm>>
        %dma_wait3A_45 = tpu.memref_squeeze %dma_wait3A_44 : memref<1x8x20x128xi32, #tpu.memory_space<hbm>> -> memref<8x20x128xi32, #tpu.memory_space<hbm>>
        %dma_wait3A_46 = arith.constant 0 : i32
        %dma_wait3A_47 = arith.constant 0 : i32
        %dma_wait3A_48 = tpu.memref_slice %dma_wait3A_45[%scan3A_15, %dma_wait3A_46, %dma_wait3A_47] : memref<8x20x128xi32, #tpu.memory_space<hbm>> -> memref<1x20x128xi32, #tpu.memory_space<hbm>>
        %dma_wait3A_49 = tpu.memref_squeeze %dma_wait3A_48 : memref<1x20x128xi32, #tpu.memory_space<hbm>> -> memref<20x128xi32, #tpu.memory_space<hbm>>
        %dma_wait3A_50 = arith.constant 0 : i32
        %dma_wait3A_51 = arith.constant 0 : i32
        %dma_wait3A_52 = arith.constant 0 : i32
        %dma_wait3A_53 = tpu.memref_slice %arg4[%arg1, %dma_wait3A_50, %dma_wait3A_51, %dma_wait3A_52] : memref<16x8x20x128xi32, #tpu.memory_space<hbm>> -> memref<1x8x20x128xi32, #tpu.memory_space<hbm>>
        %dma_wait3A_54 = tpu.memref_squeeze %dma_wait3A_53 : memref<1x8x20x128xi32, #tpu.memory_space<hbm>> -> memref<8x20x128xi32, #tpu.memory_space<hbm>>
        %dma_wait3A_55 = arith.constant 0 : i32
        %dma_wait3A_56 = arith.constant 0 : i32
        %dma_wait3A_57 = tpu.memref_slice %dma_wait3A_54[%scan3A_15, %dma_wait3A_55, %dma_wait3A_56] : memref<8x20x128xi32, #tpu.memory_space<hbm>> -> memref<1x20x128xi32, #tpu.memory_space<hbm>>
        %dma_wait3A_58 = tpu.memref_squeeze %dma_wait3A_57 : memref<1x20x128xi32, #tpu.memory_space<hbm>> -> memref<20x128xi32, #tpu.memory_space<hbm>>
        tpu.wait_dma2 semaphore(%run_scoped3A : memref<!tpu.dma_semaphore, #tpu.memory_space<semaphore_mem>>) src(%dma_wait3A_58 : memref<20x128xi32, #tpu.memory_space<hbm>>) dst(%arg8 : memref<20x128xi32, #tpu.memory_space<vmem>>)
        tpu.yield
      }) : () -> ()
      %mul3A_16 = arith.constant 16 : i32
      %mul3A_17 = arith.muli %arg0, %mul3A_16 : i32
      %add3A_18 = arith.addi %mul3A_17, %arg1 : i32
      "tpu.region"() ({
        %run_scoped3A = tpu.sem_alloc : memref<!tpu.dma_semaphore, #tpu.memory_space<semaphore_mem>>
        %dma_start3A = arith.constant 0 : i32
        %dma_start3A_25 = arith.constant 0 : i32
        %dma_start3A_26 = arith.constant 0 : i32
        %dma_start3A_27 = tpu.memref_slice %arg3[%add3A_18, %dma_start3A, %dma_start3A_25, %dma_start3A_26] : memref<32x8x20x128xi32, #tpu.memory_space<hbm>> -> memref<1x8x20x128xi32, #tpu.memory_space<hbm>>
        %dma_start3A_28 = tpu.memref_squeeze %dma_start3A_27 : memref<1x8x20x128xi32, #tpu.memory_space<hbm>> -> memref<8x20x128xi32, #tpu.memory_space<hbm>>
        %dma_start3A_29 = arith.constant 0 : i32
        %dma_start3A_30 = arith.constant 0 : i32
        %dma_start3A_31 = tpu.memref_slice %dma_start3A_28[%scan3A_15, %dma_start3A_29, %dma_start3A_30] : memref<8x20x128xi32, #tpu.memory_space<hbm>> -> memref<1x20x128xi32, #tpu.memory_space<hbm>>
        %dma_start3A_32 = tpu.memref_squeeze %dma_start3A_31 : memref<1x20x128xi32, #tpu.memory_space<hbm>> -> memref<20x128xi32, #tpu.memory_space<hbm>>
        %dma_start3A_33 = arith.constant 0 : i32
        %dma_start3A_34 = arith.constant 0 : i32
        %dma_start3A_35 = arith.constant 0 : i32
        %dma_start3A_36 = tpu.memref_slice %arg3[%add3A_18, %dma_start3A_33, %dma_start3A_34, %dma_start3A_35] : memref<32x8x20x128xi32, #tpu.memory_space<hbm>> -> memref<1x8x20x128xi32, #tpu.memory_space<hbm>>
        %dma_start3A_37 = tpu.memref_squeeze %dma_start3A_36 : memref<1x8x20x128xi32, #tpu.memory_space<hbm>> -> memref<8x20x128xi32, #tpu.memory_space<hbm>>
        %dma_start3A_38 = arith.constant 0 : i32
        %dma_start3A_39 = arith.constant 0 : i32
        %dma_start3A_40 = tpu.memref_slice %dma_start3A_37[%scan3A_15, %dma_start3A_38, %dma_start3A_39] : memref<8x20x128xi32, #tpu.memory_space<hbm>> -> memref<1x20x128xi32, #tpu.memory_space<hbm>>
        %dma_start3A_41 = tpu.memref_squeeze %dma_start3A_40 : memref<1x20x128xi32, #tpu.memory_space<hbm>> -> memref<20x128xi32, #tpu.memory_space<hbm>>
        tpu.enqueue_dma source(%dma_start3A_41 : memref<20x128xi32, #tpu.memory_space<hbm>>) target(%arg7 : memref<20x128xi32, #tpu.memory_space<vmem>>) target_semaphore(%run_scoped3A : memref<!tpu.dma_semaphore, #tpu.memory_space<semaphore_mem>>)
        %dma_wait3A = arith.constant 0 : i32
        %dma_wait3A_42 = arith.constant 0 : i32
        %dma_wait3A_43 = arith.constant 0 : i32
        %dma_wait3A_44 = tpu.memref_slice %arg3[%add3A_18, %dma_wait3A, %dma_wait3A_42, %dma_wait3A_43] : memref<32x8x20x128xi32, #tpu.memory_space<hbm>> -> memref<1x8x20x128xi32, #tpu.memory_space<hbm>>
        %dma_wait3A_45 = tpu.memref_squeeze %dma_wait3A_44 : memref<1x8x20x128xi32, #tpu.memory_space<hbm>> -> memref<8x20x128xi32, #tpu.memory_space<hbm>>
        %dma_wait3A_46 = arith.constant 0 : i32
        %dma_wait3A_47 = arith.constant 0 : i32
        %dma_wait3A_48 = tpu.memref_slice %dma_wait3A_45[%scan3A_15, %dma_wait3A_46, %dma_wait3A_47] : memref<8x20x128xi32, #tpu.memory_space<hbm>> -> memref<1x20x128xi32, #tpu.memory_space<hbm>>
        %dma_wait3A_49 = tpu.memref_squeeze %dma_wait3A_48 : memref<1x20x128xi32, #tpu.memory_space<hbm>> -> memref<20x128xi32, #tpu.memory_space<hbm>>
        %dma_wait3A_50 = arith.constant 0 : i32
        %dma_wait3A_51 = arith.constant 0 : i32
        %dma_wait3A_52 = arith.constant 0 : i32
        %dma_wait3A_53 = tpu.memref_slice %arg3[%add3A_18, %dma_wait3A_50, %dma_wait3A_51, %dma_wait3A_52] : memref<32x8x20x128xi32, #tpu.memory_space<hbm>> -> memref<1x8x20x128xi32, #tpu.memory_space<hbm>>
        %dma_wait3A_54 = tpu.memref_squeeze %dma_wait3A_53 : memref<1x8x20x128xi32, #tpu.memory_space<hbm>> -> memref<8x20x128xi32, #tpu.memory_space<hbm>>
        %dma_wait3A_55 = arith.constant 0 : i32
        %dma_wait3A_56 = arith.constant 0 : i32
        %dma_wait3A_57 = tpu.memref_slice %dma_wait3A_54[%scan3A_15, %dma_wait3A_55, %dma_wait3A_56] : memref<8x20x128xi32, #tpu.memory_space<hbm>> -> memref<1x20x128xi32, #tpu.memory_space<hbm>>
        %dma_wait3A_58 = tpu.memref_squeeze %dma_wait3A_57 : memref<1x20x128xi32, #tpu.memory_space<hbm>> -> memref<20x128xi32, #tpu.memory_space<hbm>>
        tpu.wait_dma2 semaphore(%run_scoped3A : memref<!tpu.dma_semaphore, #tpu.memory_space<semaphore_mem>>) src(%dma_wait3A_58 : memref<20x128xi32, #tpu.memory_space<hbm>>) dst(%arg7 : memref<20x128xi32, #tpu.memory_space<vmem>>)
        tpu.yield
      }) : () -> ()
      %scan3A_19 = arith.constant 0 : i32
      %scan3A_20 = arith.constant 0 : i32
      %scan3A_21 = arith.constant 20 : i32
      %scan3A_22 = arith.addi %scan3A_20, %scan3A_21 : i32
      %scan3A_23 = arith.constant 1 : i32
      scf.for %scan3A_25 = %scan3A_20 to %scan3A_22 step %scan3A_23  : i32 {
        %dma_start3A = arith.constant 0 : i32
        %dma_start3A_26 = tpu.memref_slice %arg7[%scan3A_25, %dma_start3A] : memref<20x128xi32, #tpu.memory_space<vmem>> -> memref<1x128xi32, #tpu.memory_space<vmem>>
        %dma_start3A_27 = tpu.memref_squeeze %dma_start3A_26 : memref<1x128xi32, #tpu.memory_space<vmem>> -> memref<128xi32, #tpu.memory_space<vmem>>
        %dma_start3A_28 = arith.constant 0 : i32
        %dma_start3A_29 = arith.constant 0 : i32
        %dma_start3A_30 = tpu.memref_slice %arg2[%dma_start3A_28, %dma_start3A_29] : memref<20000x128xf32, #tpu.memory_space<hbm>> -> memref<20000x128xf32, #tpu.memory_space<hbm>>
        tpu.enqueue_indirect_dma source(%dma_start3A_30 : memref<20000x128xf32, #tpu.memory_space<hbm>>) target(%arg9 : memref<128x128xf32, #tpu.memory_space<vmem>>) offsets(%dma_start3A_27 : memref<128xi32, #tpu.memory_space<vmem>>) semaphore(%arg11 : memref<!tpu.dma_semaphore, #tpu.memory_space<semaphore_mem>>)
        %dma_wait3A = arith.constant 0 : i32
        %dma_wait3A_31 = tpu.memref_slice %arg7[%scan3A_25, %dma_wait3A] : memref<20x128xi32, #tpu.memory_space<vmem>> -> memref<1x128xi32, #tpu.memory_space<vmem>>
        %dma_wait3A_32 = tpu.memref_squeeze %dma_wait3A_31 : memref<1x128xi32, #tpu.memory_space<vmem>> -> memref<128xi32, #tpu.memory_space<vmem>>
        %dma_wait3A_33 = arith.constant 0 : i32
        %dma_wait3A_34 = arith.constant 0 : i32
        %dma_wait3A_35 = tpu.memref_slice %arg2[%dma_wait3A_33, %dma_wait3A_34] : memref<20000x128xf32, #tpu.memory_space<hbm>> -> memref<20000x128xf32, #tpu.memory_space<hbm>>
        tpu.wait_indirect_dma semaphore(%arg11 : memref<!tpu.dma_semaphore, #tpu.memory_space<semaphore_mem>>) src(%dma_wait3A_35 : memref<20000x128xf32, #tpu.memory_space<hbm>>) dst(%arg9 : memref<128x128xf32, #tpu.memory_space<vmem>>)
        "tpu.region"() ({
          %run_scoped3A = tpu.sem_alloc : memref<!tpu.dma_semaphore, #tpu.memory_space<semaphore_mem>>
          %dma_start3A_36 = arith.constant 0 : i32
          %dma_start3A_37 = tpu.memref_slice %arg8[%scan3A_25, %dma_start3A_36] : memref<20x128xi32, #tpu.memory_space<vmem>> -> memref<1x128xi32, #tpu.memory_space<vmem>>
          %dma_start3A_38 = tpu.memref_squeeze %dma_start3A_37 : memref<1x128xi32, #tpu.memory_space<vmem>> -> memref<128xi32, #tpu.memory_space<vmem>>
          %dma_start3A_39 = arith.constant 0 : i32
          %dma_start3A_40 = arith.constant 0 : i32
          %dma_start3A_41 = tpu.memref_slice %arg10[%dma_start3A_39, %dma_start3A_40] : memref<10240x128xf32, #tpu.memory_space<vmem_shared>> -> memref<10240x128xf32, #tpu.memory_space<vmem_shared>>
          tpu.enqueue_indirect_dma source(%arg9 : memref<128x128xf32, #tpu.memory_space<vmem>>) target(%dma_start3A_41 : memref<10240x128xf32, #tpu.memory_space<vmem_shared>>) offsets(%dma_start3A_38 : memref<128xi32, #tpu.memory_space<vmem>>) semaphore(%run_scoped3A : memref<!tpu.dma_semaphore, #tpu.memory_space<semaphore_mem>>) {add = true}
          %dma_wait3A_42 = arith.constant 0 : i32
          %dma_wait3A_43 = tpu.memref_slice %arg8[%scan3A_25, %dma_wait3A_42] : memref<20x128xi32, #tpu.memory_space<vmem>> -> memref<1x128xi32, #tpu.memory_space<vmem>>
          %dma_wait3A_44 = tpu.memref_squeeze %dma_wait3A_43 : memref<1x128xi32, #tpu.memory_space<vmem>> -> memref<128xi32, #tpu.memory_space<vmem>>
          %dma_wait3A_45 = arith.constant 0 : i32
          %dma_wait3A_46 = arith.constant 0 : i32
          %dma_wait3A_47 = tpu.memref_slice %arg10[%dma_wait3A_45, %dma_wait3A_46] : memref<10240x128xf32, #tpu.memory_space<vmem_shared>> -> memref<10240x128xf32, #tpu.memory_space<vmem_shared>>
          tpu.wait_indirect_dma semaphore(%run_scoped3A : memref<!tpu.dma_semaphore, #tpu.memory_space<semaphore_mem>>) src(%arg9 : memref<128x128xf32, #tpu.memory_space<vmem>>) dst(%dma_wait3A_47 : memref<10240x128xf32, #tpu.memory_space<vmem_shared>>)
          tpu.yield
        }) : () -> ()
      }
      %scan3A_24 = arith.constant 20 : i32
    }
    %scan3A_7 = arith.constant 8 : i32
    %barrier3A_8 = arith.constant 0 : index
    tpu.barrier barrier_id(%barrier3A_8)
    %mul3A_9 = arith.constant 640 : i32
    %mul3A_10 = arith.muli %arg1, %mul3A_9 : i32
    %mul3A_11 = arith.constant 10240 : i32
    %mul3A_12 = arith.muli %arg0, %mul3A_11 : i32
    %mul3A_13 = arith.constant 640 : i32
    %mul3A_14 = arith.muli %arg1, %mul3A_13 : i32
    %add3A = arith.addi %mul3A_12, %mul3A_14 : i32
    "tpu.region"() ({
      %run_scoped3A = tpu.sem_alloc : memref<!tpu.dma_semaphore, #tpu.memory_space<semaphore_mem>>
      %dma_start3A = arith.constant 0 : i32
      %dma_start3A_15 = tpu.memref_slice %arg6[%add3A, %dma_start3A] : memref<20480x128xf32, #tpu.memory_space<hbm>> -> memref<640x128xf32, #tpu.memory_space<hbm>>
      %dma_start3A_16 = arith.constant 0 : i32
      %dma_start3A_17 = tpu.memref_slice %arg10[%mul3A_10, %dma_start3A_16] : memref<10240x128xf32, #tpu.memory_space<vmem_shared>> -> memref<640x128xf32, #tpu.memory_space<vmem_shared>>
      tpu.enqueue_dma source(%dma_start3A_17 : memref<640x128xf32, #tpu.memory_space<vmem_shared>>) target(%dma_start3A_15 : memref<640x128xf32, #tpu.memory_space<hbm>>) target_semaphore(%run_scoped3A : memref<!tpu.dma_semaphore, #tpu.memory_space<semaphore_mem>>)
      %dma_wait3A = arith.constant 0 : i32
      %dma_wait3A_18 = tpu.memref_slice %arg6[%add3A, %dma_wait3A] : memref<20480x128xf32, #tpu.memory_space<hbm>> -> memref<640x128xf32, #tpu.memory_space<hbm>>
      %dma_wait3A_19 = arith.constant 0 : i32
      %dma_wait3A_20 = tpu.memref_slice %arg10[%mul3A_10, %dma_wait3A_19] : memref<10240x128xf32, #tpu.memory_space<vmem_shared>> -> memref<640x128xf32, #tpu.memory_space<vmem_shared>>
      tpu.wait_dma2 semaphore(%run_scoped3A : memref<!tpu.dma_semaphore, #tpu.memory_space<semaphore_mem>>) src(%dma_wait3A_20 : memref<640x128xf32, #tpu.memory_space<vmem_shared>>) dst(%dma_wait3A_18 : memref<640x128xf32, #tpu.memory_space<hbm>>)
      tpu.yield
    }) : () -> ()
    return
  }
}

#map = affine_map<(d0, d1) -> (0, 0)>
#map1 = affine_map<(d0, d1) -> (0, 0, 0, 0)>
module attributes {stable_mosaic.version = 14 : i64} {
  func.func @agg_kernel(%arg0: i32, %arg1: i32, %arg2: memref<20000x128xf32, #tpu.memory_space<hbm>>, %arg3: memref<32x8x20x128xi32, #tpu.memory_space<hbm>>, %arg4: memref<16x8x20x128xi32, #tpu.memory_space<hbm>>, %arg5: memref<10240x128xf32, #tpu.memory_space<hbm>>, %arg6: memref<20480x128xf32, #tpu.memory_space<hbm>>, %arg7: memref<20x128xi32, #tpu.memory_space<vmem>>, %arg8: memref<20x128xi32, #tpu.memory_space<vmem>>, %arg9: memref<128x128xf32, #tpu.memory_space<vmem>>, %arg10: memref<10240x128xf32, #tpu.memory_space<vmem_shared>>, %arg11: memref<!tpu.dma_semaphore, #tpu.memory_space<semaphore_mem>>) attributes {dimension_semantics = [#tpu.dimension_semantics<core_parallel>, #tpu.dimension_semantics<subcore_parallel>], iteration_bounds = array<i64: 2, 16>, scalar_prefetch = 0 : i64, scratch_operands = 5 : i64, tpu.core_type = #tpu.core_type<sc_vector_subcore>, window_params = [{transform_indices = #map}, {transform_indices = #map1}, {transform_indices = #map1}, {transform_indices = #map}, {transform_indices = #map}]} {
    %mul3A = arith.constant 640 : i32
    %mul3A_0 = arith.muli %arg1, %mul3A : i32
    %mul3A_1 = arith.constant 640 : i32
    %mul3A_2 = arith.muli %arg1, %mul3A_1 : i32
    "tpu.region"() ({
      %run_scoped3A = tpu.sem_alloc : memref<!tpu.dma_semaphore, #tpu.memory_space<semaphore_mem>>
      %dma_start3A = arith.constant 0 : i32
      %dma_start3A_15 = tpu.memref_slice %arg10[%mul3A_2, %dma_start3A] : memref<10240x128xf32, #tpu.memory_space<vmem_shared>> -> memref<640x128xf32, #tpu.memory_space<vmem_shared>>
      %dma_start3A_16 = arith.constant 0 : i32
      %dma_start3A_17 = tpu.memref_slice %arg5[%mul3A_0, %dma_start3A_16] : memref<10240x128xf32, #tpu.memory_space<hbm>> -> memref<640x128xf32, #tpu.memory_space<hbm>>
      tpu.enqueue_dma source(%dma_start3A_17 : memref<640x128xf32, #tpu.memory_space<hbm>>) target(%dma_start3A_15 : memref<640x128xf32, #tpu.memory_space<vmem_shared>>) target_semaphore(%run_scoped3A : memref<!tpu.dma_semaphore, #tpu.memory_space<semaphore_mem>>)
      %dma_wait3A = arith.constant 0 : i32
      %dma_wait3A_18 = tpu.memref_slice %arg10[%mul3A_2, %dma_wait3A] : memref<10240x128xf32, #tpu.memory_space<vmem_shared>> -> memref<640x128xf32, #tpu.memory_space<vmem_shared>>
      %dma_wait3A_19 = arith.constant 0 : i32
      %dma_wait3A_20 = tpu.memref_slice %arg5[%mul3A_0, %dma_wait3A_19] : memref<10240x128xf32, #tpu.memory_space<hbm>> -> memref<640x128xf32, #tpu.memory_space<hbm>>
      tpu.wait_dma2 semaphore(%run_scoped3A : memref<!tpu.dma_semaphore, #tpu.memory_space<semaphore_mem>>) src(%dma_wait3A_20 : memref<640x128xf32, #tpu.memory_space<hbm>>) dst(%dma_wait3A_18 : memref<640x128xf32, #tpu.memory_space<vmem_shared>>)
      tpu.yield
    }) : () -> ()
    %barrier3A = arith.constant 0 : index
    tpu.barrier barrier_id(%barrier3A)
    %scan3A = arith.constant 0 : i32
    %scan3A_3 = arith.constant 0 : i32
    %scan3A_4 = arith.constant 8 : i32
    %scan3A_5 = arith.addi %scan3A_3, %scan3A_4 : i32
    %scan3A_6 = arith.constant 1 : i32
    scf.for %scan3A_15 = %scan3A_3 to %scan3A_5 step %scan3A_6  : i32 {
      "tpu.region"() ({
        %run_scoped3A = tpu.sem_alloc : memref<!tpu.dma_semaphore, #tpu.memory_space<semaphore_mem>>
        %dma_start3A = arith.constant 0 : i32
        %dma_start3A_25 = arith.constant 0 : i32
        %dma_start3A_26 = arith.constant 0 : i32
        %dma_start3A_27 = tpu.memref_slice %arg4[%arg1, %dma_start3A, %dma_start3A_25, %dma_start3A_26] : memref<16x8x20x128xi32, #tpu.memory_space<hbm>> -> memref<1x8x20x128xi32, #tpu.memory_space<hbm>>
        %dma_start3A_28 = tpu.memref_squeeze %dma_start3A_27 : memref<1x8x20x128xi32, #tpu.memory_space<hbm>> -> memref<8x20x128xi32, #tpu.memory_space<hbm>>
        %dma_start3A_29 = arith.constant 0 : i32
        %dma_start3A_30 = arith.constant 0 : i32
        %dma_start3A_31 = tpu.memref_slice %dma_start3A_28[%scan3A_15, %dma_start3A_29, %dma_start3A_30] : memref<8x20x128xi32, #tpu.memory_space<hbm>> -> memref<1x20x128xi32, #tpu.memory_space<hbm>>
        %dma_start3A_32 = tpu.memref_squeeze %dma_start3A_31 : memref<1x20x128xi32, #tpu.memory_space<hbm>> -> memref<20x128xi32, #tpu.memory_space<hbm>>
        %dma_start3A_33 = arith.constant 0 : i32
        %dma_start3A_34 = arith.constant 0 : i32
        %dma_start3A_35 = arith.constant 0 : i32
        %dma_start3A_36 = tpu.memref_slice %arg4[%arg1, %dma_start3A_33, %dma_start3A_34, %dma_start3A_35] : memref<16x8x20x128xi32, #tpu.memory_space<hbm>> -> memref<1x8x20x128xi32, #tpu.memory_space<hbm>>
        %dma_start3A_37 = tpu.memref_squeeze %dma_start3A_36 : memref<1x8x20x128xi32, #tpu.memory_space<hbm>> -> memref<8x20x128xi32, #tpu.memory_space<hbm>>
        %dma_start3A_38 = arith.constant 0 : i32
        %dma_start3A_39 = arith.constant 0 : i32
        %dma_start3A_40 = tpu.memref_slice %dma_start3A_37[%scan3A_15, %dma_start3A_38, %dma_start3A_39] : memref<8x20x128xi32, #tpu.memory_space<hbm>> -> memref<1x20x128xi32, #tpu.memory_space<hbm>>
        %dma_start3A_41 = tpu.memref_squeeze %dma_start3A_40 : memref<1x20x128xi32, #tpu.memory_space<hbm>> -> memref<20x128xi32, #tpu.memory_space<hbm>>
        tpu.enqueue_dma source(%dma_start3A_41 : memref<20x128xi32, #tpu.memory_space<hbm>>) target(%arg8 : memref<20x128xi32, #tpu.memory_space<vmem>>) target_semaphore(%run_scoped3A : memref<!tpu.dma_semaphore, #tpu.memory_space<semaphore_mem>>)
        %dma_wait3A = arith.constant 0 : i32
        %dma_wait3A_42 = arith.constant 0 : i32
        %dma_wait3A_43 = arith.constant 0 : i32
        %dma_wait3A_44 = tpu.memref_slice %arg4[%arg1, %dma_wait3A, %dma_wait3A_42, %dma_wait3A_43] : memref<16x8x20x128xi32, #tpu.memory_space<hbm>> -> memref<1x8x20x128xi32, #tpu.memory_space<hbm>>
        %dma_wait3A_45 = tpu.memref_squeeze %dma_wait3A_44 : memref<1x8x20x128xi32, #tpu.memory_space<hbm>> -> memref<8x20x128xi32, #tpu.memory_space<hbm>>
        %dma_wait3A_46 = arith.constant 0 : i32
        %dma_wait3A_47 = arith.constant 0 : i32
        %dma_wait3A_48 = tpu.memref_slice %dma_wait3A_45[%scan3A_15, %dma_wait3A_46, %dma_wait3A_47] : memref<8x20x128xi32, #tpu.memory_space<hbm>> -> memref<1x20x128xi32, #tpu.memory_space<hbm>>
        %dma_wait3A_49 = tpu.memref_squeeze %dma_wait3A_48 : memref<1x20x128xi32, #tpu.memory_space<hbm>> -> memref<20x128xi32, #tpu.memory_space<hbm>>
        %dma_wait3A_50 = arith.constant 0 : i32
        %dma_wait3A_51 = arith.constant 0 : i32
        %dma_wait3A_52 = arith.constant 0 : i32
        %dma_wait3A_53 = tpu.memref_slice %arg4[%arg1, %dma_wait3A_50, %dma_wait3A_51, %dma_wait3A_52] : memref<16x8x20x128xi32, #tpu.memory_space<hbm>> -> memref<1x8x20x128xi32, #tpu.memory_space<hbm>>
        %dma_wait3A_54 = tpu.memref_squeeze %dma_wait3A_53 : memref<1x8x20x128xi32, #tpu.memory_space<hbm>> -> memref<8x20x128xi32, #tpu.memory_space<hbm>>
        %dma_wait3A_55 = arith.constant 0 : i32
        %dma_wait3A_56 = arith.constant 0 : i32
        %dma_wait3A_57 = tpu.memref_slice %dma_wait3A_54[%scan3A_15, %dma_wait3A_55, %dma_wait3A_56] : memref<8x20x128xi32, #tpu.memory_space<hbm>> -> memref<1x20x128xi32, #tpu.memory_space<hbm>>
        %dma_wait3A_58 = tpu.memref_squeeze %dma_wait3A_57 : memref<1x20x128xi32, #tpu.memory_space<hbm>> -> memref<20x128xi32, #tpu.memory_space<hbm>>
        tpu.wait_dma2 semaphore(%run_scoped3A : memref<!tpu.dma_semaphore, #tpu.memory_space<semaphore_mem>>) src(%dma_wait3A_58 : memref<20x128xi32, #tpu.memory_space<hbm>>) dst(%arg8 : memref<20x128xi32, #tpu.memory_space<vmem>>)
        tpu.yield
      }) : () -> ()
      %mul3A_16 = arith.constant 16 : i32
      %mul3A_17 = arith.muli %arg0, %mul3A_16 : i32
      %add3A_18 = arith.addi %mul3A_17, %arg1 : i32
      "tpu.region"() ({
        %run_scoped3A = tpu.sem_alloc : memref<!tpu.dma_semaphore, #tpu.memory_space<semaphore_mem>>
        %dma_start3A = arith.constant 0 : i32
        %dma_start3A_25 = arith.constant 0 : i32
        %dma_start3A_26 = arith.constant 0 : i32
        %dma_start3A_27 = tpu.memref_slice %arg3[%add3A_18, %dma_start3A, %dma_start3A_25, %dma_start3A_26] : memref<32x8x20x128xi32, #tpu.memory_space<hbm>> -> memref<1x8x20x128xi32, #tpu.memory_space<hbm>>
        %dma_start3A_28 = tpu.memref_squeeze %dma_start3A_27 : memref<1x8x20x128xi32, #tpu.memory_space<hbm>> -> memref<8x20x128xi32, #tpu.memory_space<hbm>>
        %dma_start3A_29 = arith.constant 0 : i32
        %dma_start3A_30 = arith.constant 0 : i32
        %dma_start3A_31 = tpu.memref_slice %dma_start3A_28[%scan3A_15, %dma_start3A_29, %dma_start3A_30] : memref<8x20x128xi32, #tpu.memory_space<hbm>> -> memref<1x20x128xi32, #tpu.memory_space<hbm>>
        %dma_start3A_32 = tpu.memref_squeeze %dma_start3A_31 : memref<1x20x128xi32, #tpu.memory_space<hbm>> -> memref<20x128xi32, #tpu.memory_space<hbm>>
        %dma_start3A_33 = arith.constant 0 : i32
        %dma_start3A_34 = arith.constant 0 : i32
        %dma_start3A_35 = arith.constant 0 : i32
        %dma_start3A_36 = tpu.memref_slice %arg3[%add3A_18, %dma_start3A_33, %dma_start3A_34, %dma_start3A_35] : memref<32x8x20x128xi32, #tpu.memory_space<hbm>> -> memref<1x8x20x128xi32, #tpu.memory_space<hbm>>
        %dma_start3A_37 = tpu.memref_squeeze %dma_start3A_36 : memref<1x8x20x128xi32, #tpu.memory_space<hbm>> -> memref<8x20x128xi32, #tpu.memory_space<hbm>>
        %dma_start3A_38 = arith.constant 0 : i32
        %dma_start3A_39 = arith.constant 0 : i32
        %dma_start3A_40 = tpu.memref_slice %dma_start3A_37[%scan3A_15, %dma_start3A_38, %dma_start3A_39] : memref<8x20x128xi32, #tpu.memory_space<hbm>> -> memref<1x20x128xi32, #tpu.memory_space<hbm>>
        %dma_start3A_41 = tpu.memref_squeeze %dma_start3A_40 : memref<1x20x128xi32, #tpu.memory_space<hbm>> -> memref<20x128xi32, #tpu.memory_space<hbm>>
        tpu.enqueue_dma source(%dma_start3A_41 : memref<20x128xi32, #tpu.memory_space<hbm>>) target(%arg7 : memref<20x128xi32, #tpu.memory_space<vmem>>) target_semaphore(%run_scoped3A : memref<!tpu.dma_semaphore, #tpu.memory_space<semaphore_mem>>)
        %dma_wait3A = arith.constant 0 : i32
        %dma_wait3A_42 = arith.constant 0 : i32
        %dma_wait3A_43 = arith.constant 0 : i32
        %dma_wait3A_44 = tpu.memref_slice %arg3[%add3A_18, %dma_wait3A, %dma_wait3A_42, %dma_wait3A_43] : memref<32x8x20x128xi32, #tpu.memory_space<hbm>> -> memref<1x8x20x128xi32, #tpu.memory_space<hbm>>
        %dma_wait3A_45 = tpu.memref_squeeze %dma_wait3A_44 : memref<1x8x20x128xi32, #tpu.memory_space<hbm>> -> memref<8x20x128xi32, #tpu.memory_space<hbm>>
        %dma_wait3A_46 = arith.constant 0 : i32
        %dma_wait3A_47 = arith.constant 0 : i32
        %dma_wait3A_48 = tpu.memref_slice %dma_wait3A_45[%scan3A_15, %dma_wait3A_46, %dma_wait3A_47] : memref<8x20x128xi32, #tpu.memory_space<hbm>> -> memref<1x20x128xi32, #tpu.memory_space<hbm>>
        %dma_wait3A_49 = tpu.memref_squeeze %dma_wait3A_48 : memref<1x20x128xi32, #tpu.memory_space<hbm>> -> memref<20x128xi32, #tpu.memory_space<hbm>>
        %dma_wait3A_50 = arith.constant 0 : i32
        %dma_wait3A_51 = arith.constant 0 : i32
        %dma_wait3A_52 = arith.constant 0 : i32
        %dma_wait3A_53 = tpu.memref_slice %arg3[%add3A_18, %dma_wait3A_50, %dma_wait3A_51, %dma_wait3A_52] : memref<32x8x20x128xi32, #tpu.memory_space<hbm>> -> memref<1x8x20x128xi32, #tpu.memory_space<hbm>>
        %dma_wait3A_54 = tpu.memref_squeeze %dma_wait3A_53 : memref<1x8x20x128xi32, #tpu.memory_space<hbm>> -> memref<8x20x128xi32, #tpu.memory_space<hbm>>
        %dma_wait3A_55 = arith.constant 0 : i32
        %dma_wait3A_56 = arith.constant 0 : i32
        %dma_wait3A_57 = tpu.memref_slice %dma_wait3A_54[%scan3A_15, %dma_wait3A_55, %dma_wait3A_56] : memref<8x20x128xi32, #tpu.memory_space<hbm>> -> memref<1x20x128xi32, #tpu.memory_space<hbm>>
        %dma_wait3A_58 = tpu.memref_squeeze %dma_wait3A_57 : memref<1x20x128xi32, #tpu.memory_space<hbm>> -> memref<20x128xi32, #tpu.memory_space<hbm>>
        tpu.wait_dma2 semaphore(%run_scoped3A : memref<!tpu.dma_semaphore, #tpu.memory_space<semaphore_mem>>) src(%dma_wait3A_58 : memref<20x128xi32, #tpu.memory_space<hbm>>) dst(%arg7 : memref<20x128xi32, #tpu.memory_space<vmem>>)
        tpu.yield
      }) : () -> ()
      %scan3A_19 = arith.constant 0 : i32
      %scan3A_20 = arith.constant 0 : i32
      %scan3A_21 = arith.constant 20 : i32
      %scan3A_22 = arith.addi %scan3A_20, %scan3A_21 : i32
      %scan3A_23 = arith.constant 1 : i32
      scf.for %scan3A_25 = %scan3A_20 to %scan3A_22 step %scan3A_23  : i32 {
        %dma_start3A = arith.constant 0 : i32
        %dma_start3A_26 = tpu.memref_slice %arg7[%scan3A_25, %dma_start3A] : memref<20x128xi32, #tpu.memory_space<vmem>> -> memref<1x128xi32, #tpu.memory_space<vmem>>
        %dma_start3A_27 = tpu.memref_squeeze %dma_start3A_26 : memref<1x128xi32, #tpu.memory_space<vmem>> -> memref<128xi32, #tpu.memory_space<vmem>>
        %dma_start3A_28 = arith.constant 0 : i32
        %dma_start3A_29 = arith.constant 0 : i32
        %dma_start3A_30 = tpu.memref_slice %arg2[%dma_start3A_28, %dma_start3A_29] : memref<20000x128xf32, #tpu.memory_space<hbm>> -> memref<20000x128xf32, #tpu.memory_space<hbm>>
        tpu.enqueue_indirect_dma source(%dma_start3A_30 : memref<20000x128xf32, #tpu.memory_space<hbm>>) target(%arg9 : memref<128x128xf32, #tpu.memory_space<vmem>>) offsets(%dma_start3A_27 : memref<128xi32, #tpu.memory_space<vmem>>) semaphore(%arg11 : memref<!tpu.dma_semaphore, #tpu.memory_space<semaphore_mem>>)
        %dma_wait3A = arith.constant 0 : i32
        %dma_wait3A_31 = tpu.memref_slice %arg7[%scan3A_25, %dma_wait3A] : memref<20x128xi32, #tpu.memory_space<vmem>> -> memref<1x128xi32, #tpu.memory_space<vmem>>
        %dma_wait3A_32 = tpu.memref_squeeze %dma_wait3A_31 : memref<1x128xi32, #tpu.memory_space<vmem>> -> memref<128xi32, #tpu.memory_space<vmem>>
        %dma_wait3A_33 = arith.constant 0 : i32
        %dma_wait3A_34 = arith.constant 0 : i32
        %dma_wait3A_35 = tpu.memref_slice %arg2[%dma_wait3A_33, %dma_wait3A_34] : memref<20000x128xf32, #tpu.memory_space<hbm>> -> memref<20000x128xf32, #tpu.memory_space<hbm>>
        tpu.wait_indirect_dma semaphore(%arg11 : memref<!tpu.dma_semaphore, #tpu.memory_space<semaphore_mem>>) src(%dma_wait3A_35 : memref<20000x128xf32, #tpu.memory_space<hbm>>) dst(%arg9 : memref<128x128xf32, #tpu.memory_space<vmem>>)
        "tpu.region"() ({
          %run_scoped3A = tpu.sem_alloc : memref<!tpu.dma_semaphore, #tpu.memory_space<semaphore_mem>>
          %dma_start3A_36 = arith.constant 0 : i32
          %dma_start3A_37 = tpu.memref_slice %arg8[%scan3A_25, %dma_start3A_36] : memref<20x128xi32, #tpu.memory_space<vmem>> -> memref<1x128xi32, #tpu.memory_space<vmem>>
          %dma_start3A_38 = tpu.memref_squeeze %dma_start3A_37 : memref<1x128xi32, #tpu.memory_space<vmem>> -> memref<128xi32, #tpu.memory_space<vmem>>
          %dma_start3A_39 = arith.constant 0 : i32
          %dma_start3A_40 = arith.constant 0 : i32
          %dma_start3A_41 = tpu.memref_slice %arg10[%dma_start3A_39, %dma_start3A_40] : memref<10240x128xf32, #tpu.memory_space<vmem_shared>> -> memref<10240x128xf32, #tpu.memory_space<vmem_shared>>
          tpu.enqueue_indirect_dma source(%arg9 : memref<128x128xf32, #tpu.memory_space<vmem>>) target(%dma_start3A_41 : memref<10240x128xf32, #tpu.memory_space<vmem_shared>>) offsets(%dma_start3A_38 : memref<128xi32, #tpu.memory_space<vmem>>) semaphore(%run_scoped3A : memref<!tpu.dma_semaphore, #tpu.memory_space<semaphore_mem>>) {add = true}
          %dma_wait3A_42 = arith.constant 0 : i32
          %dma_wait3A_43 = tpu.memref_slice %arg8[%scan3A_25, %dma_wait3A_42] : memref<20x128xi32, #tpu.memory_space<vmem>> -> memref<1x128xi32, #tpu.memory_space<vmem>>
          %dma_wait3A_44 = tpu.memref_squeeze %dma_wait3A_43 : memref<1x128xi32, #tpu.memory_space<vmem>> -> memref<128xi32, #tpu.memory_space<vmem>>
          %dma_wait3A_45 = arith.constant 0 : i32
          %dma_wait3A_46 = arith.constant 0 : i32
          %dma_wait3A_47 = tpu.memref_slice %arg10[%dma_wait3A_45, %dma_wait3A_46] : memref<10240x128xf32, #tpu.memory_space<vmem_shared>> -> memref<10240x128xf32, #tpu.memory_space<vmem_shared>>
          tpu.wait_indirect_dma semaphore(%run_scoped3A : memref<!tpu.dma_semaphore, #tpu.memory_space<semaphore_mem>>) src(%arg9 : memref<128x128xf32, #tpu.memory_space<vmem>>) dst(%dma_wait3A_47 : memref<10240x128xf32, #tpu.memory_space<vmem_shared>>)
          tpu.yield
        }) : () -> ()
      }
      %scan3A_24 = arith.constant 20 : i32
    }
    %scan3A_7 = arith.constant 8 : i32
    %barrier3A_8 = arith.constant 0 : index
    tpu.barrier barrier_id(%barrier3A_8)
    %mul3A_9 = arith.constant 640 : i32
    %mul3A_10 = arith.muli %arg1, %mul3A_9 : i32
    %mul3A_11 = arith.constant 10240 : i32
    %mul3A_12 = arith.muli %arg0, %mul3A_11 : i32
    %mul3A_13 = arith.constant 640 : i32
    %mul3A_14 = arith.muli %arg1, %mul3A_13 : i32
    %add3A = arith.addi %mul3A_12, %mul3A_14 : i32
    "tpu.region"() ({
      %run_scoped3A = tpu.sem_alloc : memref<!tpu.dma_semaphore, #tpu.memory_space<semaphore_mem>>
      %dma_start3A = arith.constant 0 : i32
      %dma_start3A_15 = tpu.memref_slice %arg6[%add3A, %dma_start3A] : memref<20480x128xf32, #tpu.memory_space<hbm>> -> memref<640x128xf32, #tpu.memory_space<hbm>>
      %dma_start3A_16 = arith.constant 0 : i32
      %dma_start3A_17 = tpu.memref_slice %arg10[%mul3A_10, %dma_start3A_16] : memref<10240x128xf32, #tpu.memory_space<vmem_shared>> -> memref<640x128xf32, #tpu.memory_space<vmem_shared>>
      tpu.enqueue_dma source(%dma_start3A_17 : memref<640x128xf32, #tpu.memory_space<vmem_shared>>) target(%dma_start3A_15 : memref<640x128xf32, #tpu.memory_space<hbm>>) target_semaphore(%run_scoped3A : memref<!tpu.dma_semaphore, #tpu.memory_space<semaphore_mem>>)
      %dma_wait3A = arith.constant 0 : i32
      %dma_wait3A_18 = tpu.memref_slice %arg6[%add3A, %dma_wait3A] : memref<20480x128xf32, #tpu.memory_space<hbm>> -> memref<640x128xf32, #tpu.memory_space<hbm>>
      %dma_wait3A_19 = arith.constant 0 : i32
      %dma_wait3A_20 = tpu.memref_slice %arg10[%mul3A_10, %dma_wait3A_19] : memref<10240x128xf32, #tpu.memory_space<vmem_shared>> -> memref<640x128xf32, #tpu.memory_space<vmem_shared>>
      tpu.wait_dma2 semaphore(%run_scoped3A : memref<!tpu.dma_semaphore, #tpu.memory_space<semaphore_mem>>) src(%dma_wait3A_20 : memref<640x128xf32, #tpu.memory_space<vmem_shared>>) dst(%dma_wait3A_18 : memref<640x128xf32, #tpu.memory_space<hbm>>)
      tpu.yield
    }) : () -> ()
    return
  }
}

#map = affine_map<(d0, d1) -> (0, 0, 0)>
#map1 = affine_map<(d0, d1) -> (0, 0)>
module attributes {stable_mosaic.version = 14 : i64} {
  func.func @deg_kernel(%arg0: i32, %arg1: i32, %arg2: memref<32x80x128xi32, #tpu.memory_space<hbm>>, %arg3: memref<128x16xf32, #tpu.memory_space<hbm>>, %arg4: memref<10240x16xf32, #tpu.memory_space<hbm>>, %arg5: memref<20480x16xf32, #tpu.memory_space<hbm>>, %arg6: memref<80x128xi32, #tpu.memory_space<vmem>>, %arg7: memref<128x16xf32, #tpu.memory_space<vmem>>, %arg8: memref<10240x16xf32, #tpu.memory_space<vmem_shared>>) attributes {dimension_semantics = [#tpu.dimension_semantics<core_parallel>, #tpu.dimension_semantics<subcore_parallel>], iteration_bounds = array<i64: 2, 16>, scalar_prefetch = 0 : i64, scratch_operands = 3 : i64, tpu.core_type = #tpu.core_type<sc_vector_subcore>, window_params = [{transform_indices = #map}, {transform_indices = #map1}, {transform_indices = #map1}, {transform_indices = #map1}]} {
    %mul3A = arith.constant 16 : i32
    %mul3A_0 = arith.muli %arg0, %mul3A : i32
    %add3A = arith.addi %mul3A_0, %arg1 : i32
    %mul3A_1 = arith.constant 640 : i32
    %mul3A_2 = arith.muli %arg1, %mul3A_1 : i32
    %mul3A_3 = arith.constant 640 : i32
    %mul3A_4 = arith.muli %arg1, %mul3A_3 : i32
    "tpu.region"() ({
      %run_scoped3A = tpu.sem_alloc : memref<!tpu.dma_semaphore, #tpu.memory_space<semaphore_mem>>
      %dma_start3A = arith.constant 0 : i32
      %dma_start3A_18 = tpu.memref_slice %arg8[%mul3A_4, %dma_start3A] : memref<10240x16xf32, #tpu.memory_space<vmem_shared>> -> memref<640x16xf32, #tpu.memory_space<vmem_shared>>
      %dma_start3A_19 = arith.constant 0 : i32
      %dma_start3A_20 = tpu.memref_slice %arg4[%mul3A_2, %dma_start3A_19] : memref<10240x16xf32, #tpu.memory_space<hbm>> -> memref<640x16xf32, #tpu.memory_space<hbm>>
      tpu.enqueue_dma source(%dma_start3A_20 : memref<640x16xf32, #tpu.memory_space<hbm>>) target(%dma_start3A_18 : memref<640x16xf32, #tpu.memory_space<vmem_shared>>) target_semaphore(%run_scoped3A : memref<!tpu.dma_semaphore, #tpu.memory_space<semaphore_mem>>)
      %dma_wait3A = arith.constant 0 : i32
      %dma_wait3A_21 = tpu.memref_slice %arg8[%mul3A_4, %dma_wait3A] : memref<10240x16xf32, #tpu.memory_space<vmem_shared>> -> memref<640x16xf32, #tpu.memory_space<vmem_shared>>
      %dma_wait3A_22 = arith.constant 0 : i32
      %dma_wait3A_23 = tpu.memref_slice %arg4[%mul3A_2, %dma_wait3A_22] : memref<10240x16xf32, #tpu.memory_space<hbm>> -> memref<640x16xf32, #tpu.memory_space<hbm>>
      tpu.wait_dma2 semaphore(%run_scoped3A : memref<!tpu.dma_semaphore, #tpu.memory_space<semaphore_mem>>) src(%dma_wait3A_23 : memref<640x16xf32, #tpu.memory_space<hbm>>) dst(%dma_wait3A_21 : memref<640x16xf32, #tpu.memory_space<vmem_shared>>)
      tpu.yield
    }) : () -> ()
    "tpu.region"() ({
      %run_scoped3A = tpu.sem_alloc : memref<!tpu.dma_semaphore, #tpu.memory_space<semaphore_mem>>
      %dma_start3A = arith.constant 0 : i32
      %dma_start3A_18 = arith.constant 0 : i32
      %dma_start3A_19 = tpu.memref_slice %arg2[%add3A, %dma_start3A, %dma_start3A_18] : memref<32x80x128xi32, #tpu.memory_space<hbm>> -> memref<1x80x128xi32, #tpu.memory_space<hbm>>
      %dma_start3A_20 = tpu.memref_squeeze %dma_start3A_19 : memref<1x80x128xi32, #tpu.memory_space<hbm>> -> memref<80x128xi32, #tpu.memory_space<hbm>>
      %dma_start3A_21 = arith.constant 0 : i32
      %dma_start3A_22 = arith.constant 0 : i32
      %dma_start3A_23 = tpu.memref_slice %arg2[%add3A, %dma_start3A_21, %dma_start3A_22] : memref<32x80x128xi32, #tpu.memory_space<hbm>> -> memref<1x80x128xi32, #tpu.memory_space<hbm>>
      %dma_start3A_24 = tpu.memref_squeeze %dma_start3A_23 : memref<1x80x128xi32, #tpu.memory_space<hbm>> -> memref<80x128xi32, #tpu.memory_space<hbm>>
      tpu.enqueue_dma source(%dma_start3A_24 : memref<80x128xi32, #tpu.memory_space<hbm>>) target(%arg6 : memref<80x128xi32, #tpu.memory_space<vmem>>) target_semaphore(%run_scoped3A : memref<!tpu.dma_semaphore, #tpu.memory_space<semaphore_mem>>)
      %dma_wait3A = arith.constant 0 : i32
      %dma_wait3A_25 = arith.constant 0 : i32
      %dma_wait3A_26 = tpu.memref_slice %arg2[%add3A, %dma_wait3A, %dma_wait3A_25] : memref<32x80x128xi32, #tpu.memory_space<hbm>> -> memref<1x80x128xi32, #tpu.memory_space<hbm>>
      %dma_wait3A_27 = tpu.memref_squeeze %dma_wait3A_26 : memref<1x80x128xi32, #tpu.memory_space<hbm>> -> memref<80x128xi32, #tpu.memory_space<hbm>>
      %dma_wait3A_28 = arith.constant 0 : i32
      %dma_wait3A_29 = arith.constant 0 : i32
      %dma_wait3A_30 = tpu.memref_slice %arg2[%add3A, %dma_wait3A_28, %dma_wait3A_29] : memref<32x80x128xi32, #tpu.memory_space<hbm>> -> memref<1x80x128xi32, #tpu.memory_space<hbm>>
      %dma_wait3A_31 = tpu.memref_squeeze %dma_wait3A_30 : memref<1x80x128xi32, #tpu.memory_space<hbm>> -> memref<80x128xi32, #tpu.memory_space<hbm>>
      tpu.wait_dma2 semaphore(%run_scoped3A : memref<!tpu.dma_semaphore, #tpu.memory_space<semaphore_mem>>) src(%dma_wait3A_31 : memref<80x128xi32, #tpu.memory_space<hbm>>) dst(%arg6 : memref<80x128xi32, #tpu.memory_space<vmem>>)
      tpu.yield
    }) : () -> ()
    "tpu.region"() ({
      %run_scoped3A = tpu.sem_alloc : memref<!tpu.dma_semaphore, #tpu.memory_space<semaphore_mem>>
      tpu.enqueue_dma source(%arg3 : memref<128x16xf32, #tpu.memory_space<hbm>>) target(%arg7 : memref<128x16xf32, #tpu.memory_space<vmem>>) target_semaphore(%run_scoped3A : memref<!tpu.dma_semaphore, #tpu.memory_space<semaphore_mem>>)
      tpu.wait_dma2 semaphore(%run_scoped3A : memref<!tpu.dma_semaphore, #tpu.memory_space<semaphore_mem>>) src(%arg3 : memref<128x16xf32, #tpu.memory_space<hbm>>) dst(%arg7 : memref<128x16xf32, #tpu.memory_space<vmem>>)
      tpu.yield
    }) : () -> ()
    %barrier3A = arith.constant 0 : index
    tpu.barrier barrier_id(%barrier3A)
    %scan3A = arith.constant 0 : i32
    %scan3A_5 = arith.constant 0 : i32
    %scan3A_6 = arith.constant 80 : i32
    %scan3A_7 = arith.addi %scan3A_5, %scan3A_6 : i32
    %scan3A_8 = arith.constant 1 : i32
    scf.for %scan3A_18 = %scan3A_5 to %scan3A_7 step %scan3A_8  : i32 {
      "tpu.region"() ({
        %run_scoped3A = tpu.sem_alloc : memref<!tpu.dma_semaphore, #tpu.memory_space<semaphore_mem>>
        %dma_start3A = arith.constant 0 : i32
        %dma_start3A_19 = tpu.memref_slice %arg6[%scan3A_18, %dma_start3A] : memref<80x128xi32, #tpu.memory_space<vmem>> -> memref<1x128xi32, #tpu.memory_space<vmem>>
        %dma_start3A_20 = tpu.memref_squeeze %dma_start3A_19 : memref<1x128xi32, #tpu.memory_space<vmem>> -> memref<128xi32, #tpu.memory_space<vmem>>
        %dma_start3A_21 = arith.constant 0 : i32
        %dma_start3A_22 = arith.constant 0 : i32
        %dma_start3A_23 = tpu.memref_slice %arg8[%dma_start3A_21, %dma_start3A_22] : memref<10240x16xf32, #tpu.memory_space<vmem_shared>> -> memref<10240x16xf32, #tpu.memory_space<vmem_shared>>
        tpu.enqueue_indirect_dma source(%arg7 : memref<128x16xf32, #tpu.memory_space<vmem>>) target(%dma_start3A_23 : memref<10240x16xf32, #tpu.memory_space<vmem_shared>>) offsets(%dma_start3A_20 : memref<128xi32, #tpu.memory_space<vmem>>) semaphore(%run_scoped3A : memref<!tpu.dma_semaphore, #tpu.memory_space<semaphore_mem>>) {add = true}
        %dma_wait3A = arith.constant 0 : i32
        %dma_wait3A_24 = tpu.memref_slice %arg6[%scan3A_18, %dma_wait3A] : memref<80x128xi32, #tpu.memory_space<vmem>> -> memref<1x128xi32, #tpu.memory_space<vmem>>
        %dma_wait3A_25 = tpu.memref_squeeze %dma_wait3A_24 : memref<1x128xi32, #tpu.memory_space<vmem>> -> memref<128xi32, #tpu.memory_space<vmem>>
        %dma_wait3A_26 = arith.constant 0 : i32
        %dma_wait3A_27 = arith.constant 0 : i32
        %dma_wait3A_28 = tpu.memref_slice %arg8[%dma_wait3A_26, %dma_wait3A_27] : memref<10240x16xf32, #tpu.memory_space<vmem_shared>> -> memref<10240x16xf32, #tpu.memory_space<vmem_shared>>
        tpu.wait_indirect_dma semaphore(%run_scoped3A : memref<!tpu.dma_semaphore, #tpu.memory_space<semaphore_mem>>) src(%arg7 : memref<128x16xf32, #tpu.memory_space<vmem>>) dst(%dma_wait3A_28 : memref<10240x16xf32, #tpu.memory_space<vmem_shared>>)
        tpu.yield
      }) : () -> ()
    }
    %scan3A_9 = arith.constant 80 : i32
    %barrier3A_10 = arith.constant 0 : index
    tpu.barrier barrier_id(%barrier3A_10)
    %mul3A_11 = arith.constant 640 : i32
    %mul3A_12 = arith.muli %arg1, %mul3A_11 : i32
    %mul3A_13 = arith.constant 10240 : i32
    %mul3A_14 = arith.muli %arg0, %mul3A_13 : i32
    %mul3A_15 = arith.constant 640 : i32
    %mul3A_16 = arith.muli %arg1, %mul3A_15 : i32
    %add3A_17 = arith.addi %mul3A_14, %mul3A_16 : i32
    "tpu.region"() ({
      %run_scoped3A = tpu.sem_alloc : memref<!tpu.dma_semaphore, #tpu.memory_space<semaphore_mem>>
      %dma_start3A = arith.constant 0 : i32
      %dma_start3A_18 = tpu.memref_slice %arg5[%add3A_17, %dma_start3A] : memref<20480x16xf32, #tpu.memory_space<hbm>> -> memref<640x16xf32, #tpu.memory_space<hbm>>
      %dma_start3A_19 = arith.constant 0 : i32
      %dma_start3A_20 = tpu.memref_slice %arg8[%mul3A_12, %dma_start3A_19] : memref<10240x16xf32, #tpu.memory_space<vmem_shared>> -> memref<640x16xf32, #tpu.memory_space<vmem_shared>>
      tpu.enqueue_dma source(%dma_start3A_20 : memref<640x16xf32, #tpu.memory_space<vmem_shared>>) target(%dma_start3A_18 : memref<640x16xf32, #tpu.memory_space<hbm>>) target_semaphore(%run_scoped3A : memref<!tpu.dma_semaphore, #tpu.memory_space<semaphore_mem>>)
      %dma_wait3A = arith.constant 0 : i32
      %dma_wait3A_21 = tpu.memref_slice %arg5[%add3A_17, %dma_wait3A] : memref<20480x16xf32, #tpu.memory_space<hbm>> -> memref<640x16xf32, #tpu.memory_space<hbm>>
      %dma_wait3A_22 = arith.constant 0 : i32
      %dma_wait3A_23 = tpu.memref_slice %arg8[%mul3A_12, %dma_wait3A_22] : memref<10240x16xf32, #tpu.memory_space<vmem_shared>> -> memref<640x16xf32, #tpu.memory_space<vmem_shared>>
      tpu.wait_dma2 semaphore(%run_scoped3A : memref<!tpu.dma_semaphore, #tpu.memory_space<semaphore_mem>>) src(%dma_wait3A_23 : memref<640x16xf32, #tpu.memory_space<vmem_shared>>) dst(%dma_wait3A_21 : memref<640x16xf32, #tpu.memory_space<hbm>>)
      tpu.yield
    }) : () -> ()
    return
  }
}

#map = affine_map<(d0, d1) -> (0, 0)>
#map1 = affine_map<(d0, d1) -> (0, 0, 0, 0)>
module attributes {stable_mosaic.version = 14 : i64} {
  func.func @agg_kernel(%arg0: i32, %arg1: i32, %arg2: memref<20000x128xf32, #tpu.memory_space<hbm>>, %arg3: memref<32x8x20x128xi32, #tpu.memory_space<hbm>>, %arg4: memref<16x8x20x128xi32, #tpu.memory_space<hbm>>, %arg5: memref<10240x128xf32, #tpu.memory_space<hbm>>, %arg6: memref<20480x128xf32, #tpu.memory_space<hbm>>, %arg7: memref<20x128xi32, #tpu.memory_space<vmem>>, %arg8: memref<20x128xi32, #tpu.memory_space<vmem>>, %arg9: memref<128x128xf32, #tpu.memory_space<vmem>>, %arg10: memref<10240x128xf32, #tpu.memory_space<vmem_shared>>, %arg11: memref<!tpu.dma_semaphore, #tpu.memory_space<semaphore_mem>>) attributes {dimension_semantics = [#tpu.dimension_semantics<core_parallel>, #tpu.dimension_semantics<subcore_parallel>], iteration_bounds = array<i64: 2, 16>, scalar_prefetch = 0 : i64, scratch_operands = 5 : i64, tpu.core_type = #tpu.core_type<sc_vector_subcore>, window_params = [{transform_indices = #map}, {transform_indices = #map1}, {transform_indices = #map1}, {transform_indices = #map}, {transform_indices = #map}]} {
    %mul3A = arith.constant 640 : i32
    %mul3A_0 = arith.muli %arg1, %mul3A : i32
    %mul3A_1 = arith.constant 640 : i32
    %mul3A_2 = arith.muli %arg1, %mul3A_1 : i32
    "tpu.region"() ({
      %run_scoped3A = tpu.sem_alloc : memref<!tpu.dma_semaphore, #tpu.memory_space<semaphore_mem>>
      %dma_start3A = arith.constant 0 : i32
      %dma_start3A_15 = tpu.memref_slice %arg10[%mul3A_2, %dma_start3A] : memref<10240x128xf32, #tpu.memory_space<vmem_shared>> -> memref<640x128xf32, #tpu.memory_space<vmem_shared>>
      %dma_start3A_16 = arith.constant 0 : i32
      %dma_start3A_17 = tpu.memref_slice %arg5[%mul3A_0, %dma_start3A_16] : memref<10240x128xf32, #tpu.memory_space<hbm>> -> memref<640x128xf32, #tpu.memory_space<hbm>>
      tpu.enqueue_dma source(%dma_start3A_17 : memref<640x128xf32, #tpu.memory_space<hbm>>) target(%dma_start3A_15 : memref<640x128xf32, #tpu.memory_space<vmem_shared>>) target_semaphore(%run_scoped3A : memref<!tpu.dma_semaphore, #tpu.memory_space<semaphore_mem>>)
      %dma_wait3A = arith.constant 0 : i32
      %dma_wait3A_18 = tpu.memref_slice %arg10[%mul3A_2, %dma_wait3A] : memref<10240x128xf32, #tpu.memory_space<vmem_shared>> -> memref<640x128xf32, #tpu.memory_space<vmem_shared>>
      %dma_wait3A_19 = arith.constant 0 : i32
      %dma_wait3A_20 = tpu.memref_slice %arg5[%mul3A_0, %dma_wait3A_19] : memref<10240x128xf32, #tpu.memory_space<hbm>> -> memref<640x128xf32, #tpu.memory_space<hbm>>
      tpu.wait_dma2 semaphore(%run_scoped3A : memref<!tpu.dma_semaphore, #tpu.memory_space<semaphore_mem>>) src(%dma_wait3A_20 : memref<640x128xf32, #tpu.memory_space<hbm>>) dst(%dma_wait3A_18 : memref<640x128xf32, #tpu.memory_space<vmem_shared>>)
      tpu.yield
    }) : () -> ()
    %barrier3A = arith.constant 0 : index
    tpu.barrier barrier_id(%barrier3A)
    %scan3A = arith.constant 0 : i32
    %scan3A_3 = arith.constant 0 : i32
    %scan3A_4 = arith.constant 8 : i32
    %scan3A_5 = arith.addi %scan3A_3, %scan3A_4 : i32
    %scan3A_6 = arith.constant 1 : i32
    scf.for %scan3A_15 = %scan3A_3 to %scan3A_5 step %scan3A_6  : i32 {
      "tpu.region"() ({
        %run_scoped3A = tpu.sem_alloc : memref<!tpu.dma_semaphore, #tpu.memory_space<semaphore_mem>>
        %dma_start3A = arith.constant 0 : i32
        %dma_start3A_25 = arith.constant 0 : i32
        %dma_start3A_26 = arith.constant 0 : i32
        %dma_start3A_27 = tpu.memref_slice %arg4[%arg1, %dma_start3A, %dma_start3A_25, %dma_start3A_26] : memref<16x8x20x128xi32, #tpu.memory_space<hbm>> -> memref<1x8x20x128xi32, #tpu.memory_space<hbm>>
        %dma_start3A_28 = tpu.memref_squeeze %dma_start3A_27 : memref<1x8x20x128xi32, #tpu.memory_space<hbm>> -> memref<8x20x128xi32, #tpu.memory_space<hbm>>
        %dma_start3A_29 = arith.constant 0 : i32
        %dma_start3A_30 = arith.constant 0 : i32
        %dma_start3A_31 = tpu.memref_slice %dma_start3A_28[%scan3A_15, %dma_start3A_29, %dma_start3A_30] : memref<8x20x128xi32, #tpu.memory_space<hbm>> -> memref<1x20x128xi32, #tpu.memory_space<hbm>>
        %dma_start3A_32 = tpu.memref_squeeze %dma_start3A_31 : memref<1x20x128xi32, #tpu.memory_space<hbm>> -> memref<20x128xi32, #tpu.memory_space<hbm>>
        %dma_start3A_33 = arith.constant 0 : i32
        %dma_start3A_34 = arith.constant 0 : i32
        %dma_start3A_35 = arith.constant 0 : i32
        %dma_start3A_36 = tpu.memref_slice %arg4[%arg1, %dma_start3A_33, %dma_start3A_34, %dma_start3A_35] : memref<16x8x20x128xi32, #tpu.memory_space<hbm>> -> memref<1x8x20x128xi32, #tpu.memory_space<hbm>>
        %dma_start3A_37 = tpu.memref_squeeze %dma_start3A_36 : memref<1x8x20x128xi32, #tpu.memory_space<hbm>> -> memref<8x20x128xi32, #tpu.memory_space<hbm>>
        %dma_start3A_38 = arith.constant 0 : i32
        %dma_start3A_39 = arith.constant 0 : i32
        %dma_start3A_40 = tpu.memref_slice %dma_start3A_37[%scan3A_15, %dma_start3A_38, %dma_start3A_39] : memref<8x20x128xi32, #tpu.memory_space<hbm>> -> memref<1x20x128xi32, #tpu.memory_space<hbm>>
        %dma_start3A_41 = tpu.memref_squeeze %dma_start3A_40 : memref<1x20x128xi32, #tpu.memory_space<hbm>> -> memref<20x128xi32, #tpu.memory_space<hbm>>
        tpu.enqueue_dma source(%dma_start3A_41 : memref<20x128xi32, #tpu.memory_space<hbm>>) target(%arg8 : memref<20x128xi32, #tpu.memory_space<vmem>>) target_semaphore(%run_scoped3A : memref<!tpu.dma_semaphore, #tpu.memory_space<semaphore_mem>>)
        %dma_wait3A = arith.constant 0 : i32
        %dma_wait3A_42 = arith.constant 0 : i32
        %dma_wait3A_43 = arith.constant 0 : i32
        %dma_wait3A_44 = tpu.memref_slice %arg4[%arg1, %dma_wait3A, %dma_wait3A_42, %dma_wait3A_43] : memref<16x8x20x128xi32, #tpu.memory_space<hbm>> -> memref<1x8x20x128xi32, #tpu.memory_space<hbm>>
        %dma_wait3A_45 = tpu.memref_squeeze %dma_wait3A_44 : memref<1x8x20x128xi32, #tpu.memory_space<hbm>> -> memref<8x20x128xi32, #tpu.memory_space<hbm>>
        %dma_wait3A_46 = arith.constant 0 : i32
        %dma_wait3A_47 = arith.constant 0 : i32
        %dma_wait3A_48 = tpu.memref_slice %dma_wait3A_45[%scan3A_15, %dma_wait3A_46, %dma_wait3A_47] : memref<8x20x128xi32, #tpu.memory_space<hbm>> -> memref<1x20x128xi32, #tpu.memory_space<hbm>>
        %dma_wait3A_49 = tpu.memref_squeeze %dma_wait3A_48 : memref<1x20x128xi32, #tpu.memory_space<hbm>> -> memref<20x128xi32, #tpu.memory_space<hbm>>
        %dma_wait3A_50 = arith.constant 0 : i32
        %dma_wait3A_51 = arith.constant 0 : i32
        %dma_wait3A_52 = arith.constant 0 : i32
        %dma_wait3A_53 = tpu.memref_slice %arg4[%arg1, %dma_wait3A_50, %dma_wait3A_51, %dma_wait3A_52] : memref<16x8x20x128xi32, #tpu.memory_space<hbm>> -> memref<1x8x20x128xi32, #tpu.memory_space<hbm>>
        %dma_wait3A_54 = tpu.memref_squeeze %dma_wait3A_53 : memref<1x8x20x128xi32, #tpu.memory_space<hbm>> -> memref<8x20x128xi32, #tpu.memory_space<hbm>>
        %dma_wait3A_55 = arith.constant 0 : i32
        %dma_wait3A_56 = arith.constant 0 : i32
        %dma_wait3A_57 = tpu.memref_slice %dma_wait3A_54[%scan3A_15, %dma_wait3A_55, %dma_wait3A_56] : memref<8x20x128xi32, #tpu.memory_space<hbm>> -> memref<1x20x128xi32, #tpu.memory_space<hbm>>
        %dma_wait3A_58 = tpu.memref_squeeze %dma_wait3A_57 : memref<1x20x128xi32, #tpu.memory_space<hbm>> -> memref<20x128xi32, #tpu.memory_space<hbm>>
        tpu.wait_dma2 semaphore(%run_scoped3A : memref<!tpu.dma_semaphore, #tpu.memory_space<semaphore_mem>>) src(%dma_wait3A_58 : memref<20x128xi32, #tpu.memory_space<hbm>>) dst(%arg8 : memref<20x128xi32, #tpu.memory_space<vmem>>)
        tpu.yield
      }) : () -> ()
      %mul3A_16 = arith.constant 16 : i32
      %mul3A_17 = arith.muli %arg0, %mul3A_16 : i32
      %add3A_18 = arith.addi %mul3A_17, %arg1 : i32
      "tpu.region"() ({
        %run_scoped3A = tpu.sem_alloc : memref<!tpu.dma_semaphore, #tpu.memory_space<semaphore_mem>>
        %dma_start3A = arith.constant 0 : i32
        %dma_start3A_25 = arith.constant 0 : i32
        %dma_start3A_26 = arith.constant 0 : i32
        %dma_start3A_27 = tpu.memref_slice %arg3[%add3A_18, %dma_start3A, %dma_start3A_25, %dma_start3A_26] : memref<32x8x20x128xi32, #tpu.memory_space<hbm>> -> memref<1x8x20x128xi32, #tpu.memory_space<hbm>>
        %dma_start3A_28 = tpu.memref_squeeze %dma_start3A_27 : memref<1x8x20x128xi32, #tpu.memory_space<hbm>> -> memref<8x20x128xi32, #tpu.memory_space<hbm>>
        %dma_start3A_29 = arith.constant 0 : i32
        %dma_start3A_30 = arith.constant 0 : i32
        %dma_start3A_31 = tpu.memref_slice %dma_start3A_28[%scan3A_15, %dma_start3A_29, %dma_start3A_30] : memref<8x20x128xi32, #tpu.memory_space<hbm>> -> memref<1x20x128xi32, #tpu.memory_space<hbm>>
        %dma_start3A_32 = tpu.memref_squeeze %dma_start3A_31 : memref<1x20x128xi32, #tpu.memory_space<hbm>> -> memref<20x128xi32, #tpu.memory_space<hbm>>
        %dma_start3A_33 = arith.constant 0 : i32
        %dma_start3A_34 = arith.constant 0 : i32
        %dma_start3A_35 = arith.constant 0 : i32
        %dma_start3A_36 = tpu.memref_slice %arg3[%add3A_18, %dma_start3A_33, %dma_start3A_34, %dma_start3A_35] : memref<32x8x20x128xi32, #tpu.memory_space<hbm>> -> memref<1x8x20x128xi32, #tpu.memory_space<hbm>>
        %dma_start3A_37 = tpu.memref_squeeze %dma_start3A_36 : memref<1x8x20x128xi32, #tpu.memory_space<hbm>> -> memref<8x20x128xi32, #tpu.memory_space<hbm>>
        %dma_start3A_38 = arith.constant 0 : i32
        %dma_start3A_39 = arith.constant 0 : i32
        %dma_start3A_40 = tpu.memref_slice %dma_start3A_37[%scan3A_15, %dma_start3A_38, %dma_start3A_39] : memref<8x20x128xi32, #tpu.memory_space<hbm>> -> memref<1x20x128xi32, #tpu.memory_space<hbm>>
        %dma_start3A_41 = tpu.memref_squeeze %dma_start3A_40 : memref<1x20x128xi32, #tpu.memory_space<hbm>> -> memref<20x128xi32, #tpu.memory_space<hbm>>
        tpu.enqueue_dma source(%dma_start3A_41 : memref<20x128xi32, #tpu.memory_space<hbm>>) target(%arg7 : memref<20x128xi32, #tpu.memory_space<vmem>>) target_semaphore(%run_scoped3A : memref<!tpu.dma_semaphore, #tpu.memory_space<semaphore_mem>>)
        %dma_wait3A = arith.constant 0 : i32
        %dma_wait3A_42 = arith.constant 0 : i32
        %dma_wait3A_43 = arith.constant 0 : i32
        %dma_wait3A_44 = tpu.memref_slice %arg3[%add3A_18, %dma_wait3A, %dma_wait3A_42, %dma_wait3A_43] : memref<32x8x20x128xi32, #tpu.memory_space<hbm>> -> memref<1x8x20x128xi32, #tpu.memory_space<hbm>>
        %dma_wait3A_45 = tpu.memref_squeeze %dma_wait3A_44 : memref<1x8x20x128xi32, #tpu.memory_space<hbm>> -> memref<8x20x128xi32, #tpu.memory_space<hbm>>
        %dma_wait3A_46 = arith.constant 0 : i32
        %dma_wait3A_47 = arith.constant 0 : i32
        %dma_wait3A_48 = tpu.memref_slice %dma_wait3A_45[%scan3A_15, %dma_wait3A_46, %dma_wait3A_47] : memref<8x20x128xi32, #tpu.memory_space<hbm>> -> memref<1x20x128xi32, #tpu.memory_space<hbm>>
        %dma_wait3A_49 = tpu.memref_squeeze %dma_wait3A_48 : memref<1x20x128xi32, #tpu.memory_space<hbm>> -> memref<20x128xi32, #tpu.memory_space<hbm>>
        %dma_wait3A_50 = arith.constant 0 : i32
        %dma_wait3A_51 = arith.constant 0 : i32
        %dma_wait3A_52 = arith.constant 0 : i32
        %dma_wait3A_53 = tpu.memref_slice %arg3[%add3A_18, %dma_wait3A_50, %dma_wait3A_51, %dma_wait3A_52] : memref<32x8x20x128xi32, #tpu.memory_space<hbm>> -> memref<1x8x20x128xi32, #tpu.memory_space<hbm>>
        %dma_wait3A_54 = tpu.memref_squeeze %dma_wait3A_53 : memref<1x8x20x128xi32, #tpu.memory_space<hbm>> -> memref<8x20x128xi32, #tpu.memory_space<hbm>>
        %dma_wait3A_55 = arith.constant 0 : i32
        %dma_wait3A_56 = arith.constant 0 : i32
        %dma_wait3A_57 = tpu.memref_slice %dma_wait3A_54[%scan3A_15, %dma_wait3A_55, %dma_wait3A_56] : memref<8x20x128xi32, #tpu.memory_space<hbm>> -> memref<1x20x128xi32, #tpu.memory_space<hbm>>
        %dma_wait3A_58 = tpu.memref_squeeze %dma_wait3A_57 : memref<1x20x128xi32, #tpu.memory_space<hbm>> -> memref<20x128xi32, #tpu.memory_space<hbm>>
        tpu.wait_dma2 semaphore(%run_scoped3A : memref<!tpu.dma_semaphore, #tpu.memory_space<semaphore_mem>>) src(%dma_wait3A_58 : memref<20x128xi32, #tpu.memory_space<hbm>>) dst(%arg7 : memref<20x128xi32, #tpu.memory_space<vmem>>)
        tpu.yield
      }) : () -> ()
      %scan3A_19 = arith.constant 0 : i32
      %scan3A_20 = arith.constant 0 : i32
      %scan3A_21 = arith.constant 20 : i32
      %scan3A_22 = arith.addi %scan3A_20, %scan3A_21 : i32
      %scan3A_23 = arith.constant 1 : i32
      scf.for %scan3A_25 = %scan3A_20 to %scan3A_22 step %scan3A_23  : i32 {
        %dma_start3A = arith.constant 0 : i32
        %dma_start3A_26 = tpu.memref_slice %arg7[%scan3A_25, %dma_start3A] : memref<20x128xi32, #tpu.memory_space<vmem>> -> memref<1x128xi32, #tpu.memory_space<vmem>>
        %dma_start3A_27 = tpu.memref_squeeze %dma_start3A_26 : memref<1x128xi32, #tpu.memory_space<vmem>> -> memref<128xi32, #tpu.memory_space<vmem>>
        %dma_start3A_28 = arith.constant 0 : i32
        %dma_start3A_29 = arith.constant 0 : i32
        %dma_start3A_30 = tpu.memref_slice %arg2[%dma_start3A_28, %dma_start3A_29] : memref<20000x128xf32, #tpu.memory_space<hbm>> -> memref<20000x128xf32, #tpu.memory_space<hbm>>
        tpu.enqueue_indirect_dma source(%dma_start3A_30 : memref<20000x128xf32, #tpu.memory_space<hbm>>) target(%arg9 : memref<128x128xf32, #tpu.memory_space<vmem>>) offsets(%dma_start3A_27 : memref<128xi32, #tpu.memory_space<vmem>>) semaphore(%arg11 : memref<!tpu.dma_semaphore, #tpu.memory_space<semaphore_mem>>)
        %dma_wait3A = arith.constant 0 : i32
        %dma_wait3A_31 = tpu.memref_slice %arg7[%scan3A_25, %dma_wait3A] : memref<20x128xi32, #tpu.memory_space<vmem>> -> memref<1x128xi32, #tpu.memory_space<vmem>>
        %dma_wait3A_32 = tpu.memref_squeeze %dma_wait3A_31 : memref<1x128xi32, #tpu.memory_space<vmem>> -> memref<128xi32, #tpu.memory_space<vmem>>
        %dma_wait3A_33 = arith.constant 0 : i32
        %dma_wait3A_34 = arith.constant 0 : i32
        %dma_wait3A_35 = tpu.memref_slice %arg2[%dma_wait3A_33, %dma_wait3A_34] : memref<20000x128xf32, #tpu.memory_space<hbm>> -> memref<20000x128xf32, #tpu.memory_space<hbm>>
        tpu.wait_indirect_dma semaphore(%arg11 : memref<!tpu.dma_semaphore, #tpu.memory_space<semaphore_mem>>) src(%dma_wait3A_35 : memref<20000x128xf32, #tpu.memory_space<hbm>>) dst(%arg9 : memref<128x128xf32, #tpu.memory_space<vmem>>)
        "tpu.region"() ({
          %run_scoped3A = tpu.sem_alloc : memref<!tpu.dma_semaphore, #tpu.memory_space<semaphore_mem>>
          %dma_start3A_36 = arith.constant 0 : i32
          %dma_start3A_37 = tpu.memref_slice %arg8[%scan3A_25, %dma_start3A_36] : memref<20x128xi32, #tpu.memory_space<vmem>> -> memref<1x128xi32, #tpu.memory_space<vmem>>
          %dma_start3A_38 = tpu.memref_squeeze %dma_start3A_37 : memref<1x128xi32, #tpu.memory_space<vmem>> -> memref<128xi32, #tpu.memory_space<vmem>>
          %dma_start3A_39 = arith.constant 0 : i32
          %dma_start3A_40 = arith.constant 0 : i32
          %dma_start3A_41 = tpu.memref_slice %arg10[%dma_start3A_39, %dma_start3A_40] : memref<10240x128xf32, #tpu.memory_space<vmem_shared>> -> memref<10240x128xf32, #tpu.memory_space<vmem_shared>>
          tpu.enqueue_indirect_dma source(%arg9 : memref<128x128xf32, #tpu.memory_space<vmem>>) target(%dma_start3A_41 : memref<10240x128xf32, #tpu.memory_space<vmem_shared>>) offsets(%dma_start3A_38 : memref<128xi32, #tpu.memory_space<vmem>>) semaphore(%run_scoped3A : memref<!tpu.dma_semaphore, #tpu.memory_space<semaphore_mem>>) {add = true}
          %dma_wait3A_42 = arith.constant 0 : i32
          %dma_wait3A_43 = tpu.memref_slice %arg8[%scan3A_25, %dma_wait3A_42] : memref<20x128xi32, #tpu.memory_space<vmem>> -> memref<1x128xi32, #tpu.memory_space<vmem>>
          %dma_wait3A_44 = tpu.memref_squeeze %dma_wait3A_43 : memref<1x128xi32, #tpu.memory_space<vmem>> -> memref<128xi32, #tpu.memory_space<vmem>>
          %dma_wait3A_45 = arith.constant 0 : i32
          %dma_wait3A_46 = arith.constant 0 : i32
          %dma_wait3A_47 = tpu.memref_slice %arg10[%dma_wait3A_45, %dma_wait3A_46] : memref<10240x128xf32, #tpu.memory_space<vmem_shared>> -> memref<10240x128xf32, #tpu.memory_space<vmem_shared>>
          tpu.wait_indirect_dma semaphore(%run_scoped3A : memref<!tpu.dma_semaphore, #tpu.memory_space<semaphore_mem>>) src(%arg9 : memref<128x128xf32, #tpu.memory_space<vmem>>) dst(%dma_wait3A_47 : memref<10240x128xf32, #tpu.memory_space<vmem_shared>>)
          tpu.yield
        }) : () -> ()
      }
      %scan3A_24 = arith.constant 20 : i32
    }
    %scan3A_7 = arith.constant 8 : i32
    %barrier3A_8 = arith.constant 0 : index
    tpu.barrier barrier_id(%barrier3A_8)
    %mul3A_9 = arith.constant 640 : i32
    %mul3A_10 = arith.muli %arg1, %mul3A_9 : i32
    %mul3A_11 = arith.constant 10240 : i32
    %mul3A_12 = arith.muli %arg0, %mul3A_11 : i32
    %mul3A_13 = arith.constant 640 : i32
    %mul3A_14 = arith.muli %arg1, %mul3A_13 : i32
    %add3A = arith.addi %mul3A_12, %mul3A_14 : i32
    "tpu.region"() ({
      %run_scoped3A = tpu.sem_alloc : memref<!tpu.dma_semaphore, #tpu.memory_space<semaphore_mem>>
      %dma_start3A = arith.constant 0 : i32
      %dma_start3A_15 = tpu.memref_slice %arg6[%add3A, %dma_start3A] : memref<20480x128xf32, #tpu.memory_space<hbm>> -> memref<640x128xf32, #tpu.memory_space<hbm>>
      %dma_start3A_16 = arith.constant 0 : i32
      %dma_start3A_17 = tpu.memref_slice %arg10[%mul3A_10, %dma_start3A_16] : memref<10240x128xf32, #tpu.memory_space<vmem_shared>> -> memref<640x128xf32, #tpu.memory_space<vmem_shared>>
      tpu.enqueue_dma source(%dma_start3A_17 : memref<640x128xf32, #tpu.memory_space<vmem_shared>>) target(%dma_start3A_15 : memref<640x128xf32, #tpu.memory_space<hbm>>) target_semaphore(%run_scoped3A : memref<!tpu.dma_semaphore, #tpu.memory_space<semaphore_mem>>)
      %dma_wait3A = arith.constant 0 : i32
      %dma_wait3A_18 = tpu.memref_slice %arg6[%add3A, %dma_wait3A] : memref<20480x128xf32, #tpu.memory_space<hbm>> -> memref<640x128xf32, #tpu.memory_space<hbm>>
      %dma_wait3A_19 = arith.constant 0 : i32
      %dma_wait3A_20 = tpu.memref_slice %arg10[%mul3A_10, %dma_wait3A_19] : memref<10240x128xf32, #tpu.memory_space<vmem_shared>> -> memref<640x128xf32, #tpu.memory_space<vmem_shared>>
      tpu.wait_dma2 semaphore(%run_scoped3A : memref<!tpu.dma_semaphore, #tpu.memory_space<semaphore_mem>>) src(%dma_wait3A_20 : memref<640x128xf32, #tpu.memory_space<vmem_shared>>) dst(%dma_wait3A_18 : memref<640x128xf32, #tpu.memory_space<hbm>>)
      tpu.yield
    }) : () -> ()
    return
  }
}

#map = affine_map<(d0, d1) -> (0, 0)>
#map1 = affine_map<(d0, d1) -> (0, 0, 0, 0)>
module attributes {stable_mosaic.version = 14 : i64} {
  func.func @agg_kernel(%arg0: i32, %arg1: i32, %arg2: memref<20000x128xf32, #tpu.memory_space<hbm>>, %arg3: memref<32x8x20x128xi32, #tpu.memory_space<hbm>>, %arg4: memref<16x8x20x128xi32, #tpu.memory_space<hbm>>, %arg5: memref<10240x128xf32, #tpu.memory_space<hbm>>, %arg6: memref<20480x128xf32, #tpu.memory_space<hbm>>, %arg7: memref<20x128xi32, #tpu.memory_space<vmem>>, %arg8: memref<20x128xi32, #tpu.memory_space<vmem>>, %arg9: memref<128x128xf32, #tpu.memory_space<vmem>>, %arg10: memref<10240x128xf32, #tpu.memory_space<vmem_shared>>, %arg11: memref<!tpu.dma_semaphore, #tpu.memory_space<semaphore_mem>>) attributes {dimension_semantics = [#tpu.dimension_semantics<core_parallel>, #tpu.dimension_semantics<subcore_parallel>], iteration_bounds = array<i64: 2, 16>, scalar_prefetch = 0 : i64, scratch_operands = 5 : i64, tpu.core_type = #tpu.core_type<sc_vector_subcore>, window_params = [{transform_indices = #map}, {transform_indices = #map1}, {transform_indices = #map1}, {transform_indices = #map}, {transform_indices = #map}]} {
    %mul3A = arith.constant 640 : i32
    %mul3A_0 = arith.muli %arg1, %mul3A : i32
    %mul3A_1 = arith.constant 640 : i32
    %mul3A_2 = arith.muli %arg1, %mul3A_1 : i32
    "tpu.region"() ({
      %run_scoped3A = tpu.sem_alloc : memref<!tpu.dma_semaphore, #tpu.memory_space<semaphore_mem>>
      %dma_start3A = arith.constant 0 : i32
      %dma_start3A_15 = tpu.memref_slice %arg10[%mul3A_2, %dma_start3A] : memref<10240x128xf32, #tpu.memory_space<vmem_shared>> -> memref<640x128xf32, #tpu.memory_space<vmem_shared>>
      %dma_start3A_16 = arith.constant 0 : i32
      %dma_start3A_17 = tpu.memref_slice %arg5[%mul3A_0, %dma_start3A_16] : memref<10240x128xf32, #tpu.memory_space<hbm>> -> memref<640x128xf32, #tpu.memory_space<hbm>>
      tpu.enqueue_dma source(%dma_start3A_17 : memref<640x128xf32, #tpu.memory_space<hbm>>) target(%dma_start3A_15 : memref<640x128xf32, #tpu.memory_space<vmem_shared>>) target_semaphore(%run_scoped3A : memref<!tpu.dma_semaphore, #tpu.memory_space<semaphore_mem>>)
      %dma_wait3A = arith.constant 0 : i32
      %dma_wait3A_18 = tpu.memref_slice %arg10[%mul3A_2, %dma_wait3A] : memref<10240x128xf32, #tpu.memory_space<vmem_shared>> -> memref<640x128xf32, #tpu.memory_space<vmem_shared>>
      %dma_wait3A_19 = arith.constant 0 : i32
      %dma_wait3A_20 = tpu.memref_slice %arg5[%mul3A_0, %dma_wait3A_19] : memref<10240x128xf32, #tpu.memory_space<hbm>> -> memref<640x128xf32, #tpu.memory_space<hbm>>
      tpu.wait_dma2 semaphore(%run_scoped3A : memref<!tpu.dma_semaphore, #tpu.memory_space<semaphore_mem>>) src(%dma_wait3A_20 : memref<640x128xf32, #tpu.memory_space<hbm>>) dst(%dma_wait3A_18 : memref<640x128xf32, #tpu.memory_space<vmem_shared>>)
      tpu.yield
    }) : () -> ()
    %barrier3A = arith.constant 0 : index
    tpu.barrier barrier_id(%barrier3A)
    %scan3A = arith.constant 0 : i32
    %scan3A_3 = arith.constant 0 : i32
    %scan3A_4 = arith.constant 8 : i32
    %scan3A_5 = arith.addi %scan3A_3, %scan3A_4 : i32
    %scan3A_6 = arith.constant 1 : i32
    scf.for %scan3A_15 = %scan3A_3 to %scan3A_5 step %scan3A_6  : i32 {
      "tpu.region"() ({
        %run_scoped3A = tpu.sem_alloc : memref<!tpu.dma_semaphore, #tpu.memory_space<semaphore_mem>>
        %dma_start3A = arith.constant 0 : i32
        %dma_start3A_25 = arith.constant 0 : i32
        %dma_start3A_26 = arith.constant 0 : i32
        %dma_start3A_27 = tpu.memref_slice %arg4[%arg1, %dma_start3A, %dma_start3A_25, %dma_start3A_26] : memref<16x8x20x128xi32, #tpu.memory_space<hbm>> -> memref<1x8x20x128xi32, #tpu.memory_space<hbm>>
        %dma_start3A_28 = tpu.memref_squeeze %dma_start3A_27 : memref<1x8x20x128xi32, #tpu.memory_space<hbm>> -> memref<8x20x128xi32, #tpu.memory_space<hbm>>
        %dma_start3A_29 = arith.constant 0 : i32
        %dma_start3A_30 = arith.constant 0 : i32
        %dma_start3A_31 = tpu.memref_slice %dma_start3A_28[%scan3A_15, %dma_start3A_29, %dma_start3A_30] : memref<8x20x128xi32, #tpu.memory_space<hbm>> -> memref<1x20x128xi32, #tpu.memory_space<hbm>>
        %dma_start3A_32 = tpu.memref_squeeze %dma_start3A_31 : memref<1x20x128xi32, #tpu.memory_space<hbm>> -> memref<20x128xi32, #tpu.memory_space<hbm>>
        %dma_start3A_33 = arith.constant 0 : i32
        %dma_start3A_34 = arith.constant 0 : i32
        %dma_start3A_35 = arith.constant 0 : i32
        %dma_start3A_36 = tpu.memref_slice %arg4[%arg1, %dma_start3A_33, %dma_start3A_34, %dma_start3A_35] : memref<16x8x20x128xi32, #tpu.memory_space<hbm>> -> memref<1x8x20x128xi32, #tpu.memory_space<hbm>>
        %dma_start3A_37 = tpu.memref_squeeze %dma_start3A_36 : memref<1x8x20x128xi32, #tpu.memory_space<hbm>> -> memref<8x20x128xi32, #tpu.memory_space<hbm>>
        %dma_start3A_38 = arith.constant 0 : i32
        %dma_start3A_39 = arith.constant 0 : i32
        %dma_start3A_40 = tpu.memref_slice %dma_start3A_37[%scan3A_15, %dma_start3A_38, %dma_start3A_39] : memref<8x20x128xi32, #tpu.memory_space<hbm>> -> memref<1x20x128xi32, #tpu.memory_space<hbm>>
        %dma_start3A_41 = tpu.memref_squeeze %dma_start3A_40 : memref<1x20x128xi32, #tpu.memory_space<hbm>> -> memref<20x128xi32, #tpu.memory_space<hbm>>
        tpu.enqueue_dma source(%dma_start3A_41 : memref<20x128xi32, #tpu.memory_space<hbm>>) target(%arg8 : memref<20x128xi32, #tpu.memory_space<vmem>>) target_semaphore(%run_scoped3A : memref<!tpu.dma_semaphore, #tpu.memory_space<semaphore_mem>>)
        %dma_wait3A = arith.constant 0 : i32
        %dma_wait3A_42 = arith.constant 0 : i32
        %dma_wait3A_43 = arith.constant 0 : i32
        %dma_wait3A_44 = tpu.memref_slice %arg4[%arg1, %dma_wait3A, %dma_wait3A_42, %dma_wait3A_43] : memref<16x8x20x128xi32, #tpu.memory_space<hbm>> -> memref<1x8x20x128xi32, #tpu.memory_space<hbm>>
        %dma_wait3A_45 = tpu.memref_squeeze %dma_wait3A_44 : memref<1x8x20x128xi32, #tpu.memory_space<hbm>> -> memref<8x20x128xi32, #tpu.memory_space<hbm>>
        %dma_wait3A_46 = arith.constant 0 : i32
        %dma_wait3A_47 = arith.constant 0 : i32
        %dma_wait3A_48 = tpu.memref_slice %dma_wait3A_45[%scan3A_15, %dma_wait3A_46, %dma_wait3A_47] : memref<8x20x128xi32, #tpu.memory_space<hbm>> -> memref<1x20x128xi32, #tpu.memory_space<hbm>>
        %dma_wait3A_49 = tpu.memref_squeeze %dma_wait3A_48 : memref<1x20x128xi32, #tpu.memory_space<hbm>> -> memref<20x128xi32, #tpu.memory_space<hbm>>
        %dma_wait3A_50 = arith.constant 0 : i32
        %dma_wait3A_51 = arith.constant 0 : i32
        %dma_wait3A_52 = arith.constant 0 : i32
        %dma_wait3A_53 = tpu.memref_slice %arg4[%arg1, %dma_wait3A_50, %dma_wait3A_51, %dma_wait3A_52] : memref<16x8x20x128xi32, #tpu.memory_space<hbm>> -> memref<1x8x20x128xi32, #tpu.memory_space<hbm>>
        %dma_wait3A_54 = tpu.memref_squeeze %dma_wait3A_53 : memref<1x8x20x128xi32, #tpu.memory_space<hbm>> -> memref<8x20x128xi32, #tpu.memory_space<hbm>>
        %dma_wait3A_55 = arith.constant 0 : i32
        %dma_wait3A_56 = arith.constant 0 : i32
        %dma_wait3A_57 = tpu.memref_slice %dma_wait3A_54[%scan3A_15, %dma_wait3A_55, %dma_wait3A_56] : memref<8x20x128xi32, #tpu.memory_space<hbm>> -> memref<1x20x128xi32, #tpu.memory_space<hbm>>
        %dma_wait3A_58 = tpu.memref_squeeze %dma_wait3A_57 : memref<1x20x128xi32, #tpu.memory_space<hbm>> -> memref<20x128xi32, #tpu.memory_space<hbm>>
        tpu.wait_dma2 semaphore(%run_scoped3A : memref<!tpu.dma_semaphore, #tpu.memory_space<semaphore_mem>>) src(%dma_wait3A_58 : memref<20x128xi32, #tpu.memory_space<hbm>>) dst(%arg8 : memref<20x128xi32, #tpu.memory_space<vmem>>)
        tpu.yield
      }) : () -> ()
      %mul3A_16 = arith.constant 16 : i32
      %mul3A_17 = arith.muli %arg0, %mul3A_16 : i32
      %add3A_18 = arith.addi %mul3A_17, %arg1 : i32
      "tpu.region"() ({
        %run_scoped3A = tpu.sem_alloc : memref<!tpu.dma_semaphore, #tpu.memory_space<semaphore_mem>>
        %dma_start3A = arith.constant 0 : i32
        %dma_start3A_25 = arith.constant 0 : i32
        %dma_start3A_26 = arith.constant 0 : i32
        %dma_start3A_27 = tpu.memref_slice %arg3[%add3A_18, %dma_start3A, %dma_start3A_25, %dma_start3A_26] : memref<32x8x20x128xi32, #tpu.memory_space<hbm>> -> memref<1x8x20x128xi32, #tpu.memory_space<hbm>>
        %dma_start3A_28 = tpu.memref_squeeze %dma_start3A_27 : memref<1x8x20x128xi32, #tpu.memory_space<hbm>> -> memref<8x20x128xi32, #tpu.memory_space<hbm>>
        %dma_start3A_29 = arith.constant 0 : i32
        %dma_start3A_30 = arith.constant 0 : i32
        %dma_start3A_31 = tpu.memref_slice %dma_start3A_28[%scan3A_15, %dma_start3A_29, %dma_start3A_30] : memref<8x20x128xi32, #tpu.memory_space<hbm>> -> memref<1x20x128xi32, #tpu.memory_space<hbm>>
        %dma_start3A_32 = tpu.memref_squeeze %dma_start3A_31 : memref<1x20x128xi32, #tpu.memory_space<hbm>> -> memref<20x128xi32, #tpu.memory_space<hbm>>
        %dma_start3A_33 = arith.constant 0 : i32
        %dma_start3A_34 = arith.constant 0 : i32
        %dma_start3A_35 = arith.constant 0 : i32
        %dma_start3A_36 = tpu.memref_slice %arg3[%add3A_18, %dma_start3A_33, %dma_start3A_34, %dma_start3A_35] : memref<32x8x20x128xi32, #tpu.memory_space<hbm>> -> memref<1x8x20x128xi32, #tpu.memory_space<hbm>>
        %dma_start3A_37 = tpu.memref_squeeze %dma_start3A_36 : memref<1x8x20x128xi32, #tpu.memory_space<hbm>> -> memref<8x20x128xi32, #tpu.memory_space<hbm>>
        %dma_start3A_38 = arith.constant 0 : i32
        %dma_start3A_39 = arith.constant 0 : i32
        %dma_start3A_40 = tpu.memref_slice %dma_start3A_37[%scan3A_15, %dma_start3A_38, %dma_start3A_39] : memref<8x20x128xi32, #tpu.memory_space<hbm>> -> memref<1x20x128xi32, #tpu.memory_space<hbm>>
        %dma_start3A_41 = tpu.memref_squeeze %dma_start3A_40 : memref<1x20x128xi32, #tpu.memory_space<hbm>> -> memref<20x128xi32, #tpu.memory_space<hbm>>
        tpu.enqueue_dma source(%dma_start3A_41 : memref<20x128xi32, #tpu.memory_space<hbm>>) target(%arg7 : memref<20x128xi32, #tpu.memory_space<vmem>>) target_semaphore(%run_scoped3A : memref<!tpu.dma_semaphore, #tpu.memory_space<semaphore_mem>>)
        %dma_wait3A = arith.constant 0 : i32
        %dma_wait3A_42 = arith.constant 0 : i32
        %dma_wait3A_43 = arith.constant 0 : i32
        %dma_wait3A_44 = tpu.memref_slice %arg3[%add3A_18, %dma_wait3A, %dma_wait3A_42, %dma_wait3A_43] : memref<32x8x20x128xi32, #tpu.memory_space<hbm>> -> memref<1x8x20x128xi32, #tpu.memory_space<hbm>>
        %dma_wait3A_45 = tpu.memref_squeeze %dma_wait3A_44 : memref<1x8x20x128xi32, #tpu.memory_space<hbm>> -> memref<8x20x128xi32, #tpu.memory_space<hbm>>
        %dma_wait3A_46 = arith.constant 0 : i32
        %dma_wait3A_47 = arith.constant 0 : i32
        %dma_wait3A_48 = tpu.memref_slice %dma_wait3A_45[%scan3A_15, %dma_wait3A_46, %dma_wait3A_47] : memref<8x20x128xi32, #tpu.memory_space<hbm>> -> memref<1x20x128xi32, #tpu.memory_space<hbm>>
        %dma_wait3A_49 = tpu.memref_squeeze %dma_wait3A_48 : memref<1x20x128xi32, #tpu.memory_space<hbm>> -> memref<20x128xi32, #tpu.memory_space<hbm>>
        %dma_wait3A_50 = arith.constant 0 : i32
        %dma_wait3A_51 = arith.constant 0 : i32
        %dma_wait3A_52 = arith.constant 0 : i32
        %dma_wait3A_53 = tpu.memref_slice %arg3[%add3A_18, %dma_wait3A_50, %dma_wait3A_51, %dma_wait3A_52] : memref<32x8x20x128xi32, #tpu.memory_space<hbm>> -> memref<1x8x20x128xi32, #tpu.memory_space<hbm>>
        %dma_wait3A_54 = tpu.memref_squeeze %dma_wait3A_53 : memref<1x8x20x128xi32, #tpu.memory_space<hbm>> -> memref<8x20x128xi32, #tpu.memory_space<hbm>>
        %dma_wait3A_55 = arith.constant 0 : i32
        %dma_wait3A_56 = arith.constant 0 : i32
        %dma_wait3A_57 = tpu.memref_slice %dma_wait3A_54[%scan3A_15, %dma_wait3A_55, %dma_wait3A_56] : memref<8x20x128xi32, #tpu.memory_space<hbm>> -> memref<1x20x128xi32, #tpu.memory_space<hbm>>
        %dma_wait3A_58 = tpu.memref_squeeze %dma_wait3A_57 : memref<1x20x128xi32, #tpu.memory_space<hbm>> -> memref<20x128xi32, #tpu.memory_space<hbm>>
        tpu.wait_dma2 semaphore(%run_scoped3A : memref<!tpu.dma_semaphore, #tpu.memory_space<semaphore_mem>>) src(%dma_wait3A_58 : memref<20x128xi32, #tpu.memory_space<hbm>>) dst(%arg7 : memref<20x128xi32, #tpu.memory_space<vmem>>)
        tpu.yield
      }) : () -> ()
      %scan3A_19 = arith.constant 0 : i32
      %scan3A_20 = arith.constant 0 : i32
      %scan3A_21 = arith.constant 20 : i32
      %scan3A_22 = arith.addi %scan3A_20, %scan3A_21 : i32
      %scan3A_23 = arith.constant 1 : i32
      scf.for %scan3A_25 = %scan3A_20 to %scan3A_22 step %scan3A_23  : i32 {
        %dma_start3A = arith.constant 0 : i32
        %dma_start3A_26 = tpu.memref_slice %arg7[%scan3A_25, %dma_start3A] : memref<20x128xi32, #tpu.memory_space<vmem>> -> memref<1x128xi32, #tpu.memory_space<vmem>>
        %dma_start3A_27 = tpu.memref_squeeze %dma_start3A_26 : memref<1x128xi32, #tpu.memory_space<vmem>> -> memref<128xi32, #tpu.memory_space<vmem>>
        %dma_start3A_28 = arith.constant 0 : i32
        %dma_start3A_29 = arith.constant 0 : i32
        %dma_start3A_30 = tpu.memref_slice %arg2[%dma_start3A_28, %dma_start3A_29] : memref<20000x128xf32, #tpu.memory_space<hbm>> -> memref<20000x128xf32, #tpu.memory_space<hbm>>
        tpu.enqueue_indirect_dma source(%dma_start3A_30 : memref<20000x128xf32, #tpu.memory_space<hbm>>) target(%arg9 : memref<128x128xf32, #tpu.memory_space<vmem>>) offsets(%dma_start3A_27 : memref<128xi32, #tpu.memory_space<vmem>>) semaphore(%arg11 : memref<!tpu.dma_semaphore, #tpu.memory_space<semaphore_mem>>)
        %dma_wait3A = arith.constant 0 : i32
        %dma_wait3A_31 = tpu.memref_slice %arg7[%scan3A_25, %dma_wait3A] : memref<20x128xi32, #tpu.memory_space<vmem>> -> memref<1x128xi32, #tpu.memory_space<vmem>>
        %dma_wait3A_32 = tpu.memref_squeeze %dma_wait3A_31 : memref<1x128xi32, #tpu.memory_space<vmem>> -> memref<128xi32, #tpu.memory_space<vmem>>
        %dma_wait3A_33 = arith.constant 0 : i32
        %dma_wait3A_34 = arith.constant 0 : i32
        %dma_wait3A_35 = tpu.memref_slice %arg2[%dma_wait3A_33, %dma_wait3A_34] : memref<20000x128xf32, #tpu.memory_space<hbm>> -> memref<20000x128xf32, #tpu.memory_space<hbm>>
        tpu.wait_indirect_dma semaphore(%arg11 : memref<!tpu.dma_semaphore, #tpu.memory_space<semaphore_mem>>) src(%dma_wait3A_35 : memref<20000x128xf32, #tpu.memory_space<hbm>>) dst(%arg9 : memref<128x128xf32, #tpu.memory_space<vmem>>)
        "tpu.region"() ({
          %run_scoped3A = tpu.sem_alloc : memref<!tpu.dma_semaphore, #tpu.memory_space<semaphore_mem>>
          %dma_start3A_36 = arith.constant 0 : i32
          %dma_start3A_37 = tpu.memref_slice %arg8[%scan3A_25, %dma_start3A_36] : memref<20x128xi32, #tpu.memory_space<vmem>> -> memref<1x128xi32, #tpu.memory_space<vmem>>
          %dma_start3A_38 = tpu.memref_squeeze %dma_start3A_37 : memref<1x128xi32, #tpu.memory_space<vmem>> -> memref<128xi32, #tpu.memory_space<vmem>>
          %dma_start3A_39 = arith.constant 0 : i32
          %dma_start3A_40 = arith.constant 0 : i32
          %dma_start3A_41 = tpu.memref_slice %arg10[%dma_start3A_39, %dma_start3A_40] : memref<10240x128xf32, #tpu.memory_space<vmem_shared>> -> memref<10240x128xf32, #tpu.memory_space<vmem_shared>>
          tpu.enqueue_indirect_dma source(%arg9 : memref<128x128xf32, #tpu.memory_space<vmem>>) target(%dma_start3A_41 : memref<10240x128xf32, #tpu.memory_space<vmem_shared>>) offsets(%dma_start3A_38 : memref<128xi32, #tpu.memory_space<vmem>>) semaphore(%run_scoped3A : memref<!tpu.dma_semaphore, #tpu.memory_space<semaphore_mem>>) {add = true}
          %dma_wait3A_42 = arith.constant 0 : i32
          %dma_wait3A_43 = tpu.memref_slice %arg8[%scan3A_25, %dma_wait3A_42] : memref<20x128xi32, #tpu.memory_space<vmem>> -> memref<1x128xi32, #tpu.memory_space<vmem>>
          %dma_wait3A_44 = tpu.memref_squeeze %dma_wait3A_43 : memref<1x128xi32, #tpu.memory_space<vmem>> -> memref<128xi32, #tpu.memory_space<vmem>>
          %dma_wait3A_45 = arith.constant 0 : i32
          %dma_wait3A_46 = arith.constant 0 : i32
          %dma_wait3A_47 = tpu.memref_slice %arg10[%dma_wait3A_45, %dma_wait3A_46] : memref<10240x128xf32, #tpu.memory_space<vmem_shared>> -> memref<10240x128xf32, #tpu.memory_space<vmem_shared>>
          tpu.wait_indirect_dma semaphore(%run_scoped3A : memref<!tpu.dma_semaphore, #tpu.memory_space<semaphore_mem>>) src(%arg9 : memref<128x128xf32, #tpu.memory_space<vmem>>) dst(%dma_wait3A_47 : memref<10240x128xf32, #tpu.memory_space<vmem_shared>>)
          tpu.yield
        }) : () -> ()
      }
      %scan3A_24 = arith.constant 20 : i32
    }
    %scan3A_7 = arith.constant 8 : i32
    %barrier3A_8 = arith.constant 0 : index
    tpu.barrier barrier_id(%barrier3A_8)
    %mul3A_9 = arith.constant 640 : i32
    %mul3A_10 = arith.muli %arg1, %mul3A_9 : i32
    %mul3A_11 = arith.constant 10240 : i32
    %mul3A_12 = arith.muli %arg0, %mul3A_11 : i32
    %mul3A_13 = arith.constant 640 : i32
    %mul3A_14 = arith.muli %arg1, %mul3A_13 : i32
    %add3A = arith.addi %mul3A_12, %mul3A_14 : i32
    "tpu.region"() ({
      %run_scoped3A = tpu.sem_alloc : memref<!tpu.dma_semaphore, #tpu.memory_space<semaphore_mem>>
      %dma_start3A = arith.constant 0 : i32
      %dma_start3A_15 = tpu.memref_slice %arg6[%add3A, %dma_start3A] : memref<20480x128xf32, #tpu.memory_space<hbm>> -> memref<640x128xf32, #tpu.memory_space<hbm>>
      %dma_start3A_16 = arith.constant 0 : i32
      %dma_start3A_17 = tpu.memref_slice %arg10[%mul3A_10, %dma_start3A_16] : memref<10240x128xf32, #tpu.memory_space<vmem_shared>> -> memref<640x128xf32, #tpu.memory_space<vmem_shared>>
      tpu.enqueue_dma source(%dma_start3A_17 : memref<640x128xf32, #tpu.memory_space<vmem_shared>>) target(%dma_start3A_15 : memref<640x128xf32, #tpu.memory_space<hbm>>) target_semaphore(%run_scoped3A : memref<!tpu.dma_semaphore, #tpu.memory_space<semaphore_mem>>)
      %dma_wait3A = arith.constant 0 : i32
      %dma_wait3A_18 = tpu.memref_slice %arg6[%add3A, %dma_wait3A] : memref<20480x128xf32, #tpu.memory_space<hbm>> -> memref<640x128xf32, #tpu.memory_space<hbm>>
      %dma_wait3A_19 = arith.constant 0 : i32
      %dma_wait3A_20 = tpu.memref_slice %arg10[%mul3A_10, %dma_wait3A_19] : memref<10240x128xf32, #tpu.memory_space<vmem_shared>> -> memref<640x128xf32, #tpu.memory_space<vmem_shared>>
      tpu.wait_dma2 semaphore(%run_scoped3A : memref<!tpu.dma_semaphore, #tpu.memory_space<semaphore_mem>>) src(%dma_wait3A_20 : memref<640x128xf32, #tpu.memory_space<vmem_shared>>) dst(%dma_wait3A_18 : memref<640x128xf32, #tpu.memory_space<hbm>>)
      tpu.yield
    }) : () -> ()
    return
  }
}

module attributes {stable_mosaic.version = 14 : i64} {
  func.func @_dk_body(%arg0: i32, %arg1: memref<20480x16xf32, #tpu.memory_space<vmem>>, %arg2: memref<10240x1xf32, #tpu.memory_space<vmem>>) attributes {dimension_semantics = [#tpu.dimension_semantics<arbitrary>], iteration_bounds = array<i64: 1>, scalar_prefetch = 0 : i64, scratch_operands = 0 : i64, tpu.core_type = #tpu.core_type<tc>, window_params = [{pipeline_mode = #tpu.pipeline_mode<synchronous>, transform_indices = @transform_0, window_bounds = array<i64: 20480, 16>}, {pipeline_mode = #tpu.pipeline_mode<synchronous>, transform_indices = @transform_1, window_bounds = array<i64: 10240, 1>}]} {
    %get3A = arith.constant 0 : index
    %get3A_0 = arith.constant 0 : index
    %get3A_1 = vector.load %arg1[%get3A, %get3A_0] : memref<20480x16xf32, #tpu.memory_space<vmem>>, vector<10240x1xf32>
    %get3A_2 = arith.constant 10240 : index
    %get3A_3 = arith.constant 0 : index
    %get3A_4 = vector.load %arg1[%get3A_2, %get3A_3] : memref<20480x16xf32, #tpu.memory_space<vmem>>, vector<10240x1xf32>
    %add3A = arith.addf %get3A_1, %get3A_4 : vector<10240x1xf32>
    %add3A_5 = arith.constant 1.000000e+00 : f32
    %add3A_6 = vector.broadcast %add3A_5 : f32 to vector<10240x1xf32>
    %add3A_7 = arith.addf %add3A, %add3A_6 : vector<10240x1xf32>
    %rsqrt3A = math.rsqrt %add3A_7 : vector<10240x1xf32>
    %swap3A = arith.constant 0 : index
    %swap3A_8 = arith.constant 0 : index
    %swap3A_9 = vector.load %arg2[%swap3A, %swap3A_8] : memref<10240x1xf32, #tpu.memory_space<vmem>>, vector<10240x1xf32>
    tpu.vector_store %arg2[%swap3A, %swap3A_8], %rsqrt3A {strides = array<i32>} : memref<10240x1xf32, #tpu.memory_space<vmem>>, vector<10240x1xf32>,
    return
  }
  func.func @transform_0(%arg0: i32) -> (i32, i32) {
    %c0_i32 = arith.constant 0 : i32
    %c0_i32_0 = arith.constant 0 : i32
    %c0_i32_1 = arith.constant 0 : i32
    return %c0_i32, %c0_i32_0 : i32, i32
  }
  func.func @transform_1(%arg0: i32) -> (i32, i32) {
    %c0_i32 = arith.constant 0 : i32
    %c0_i32_0 = arith.constant 0 : i32
    %c0_i32_1 = arith.constant 0 : i32
    return %c0_i32, %c0_i32_0 : i32, i32
  }
}

module attributes {stable_mosaic.version = 14 : i64} {
  func.func @_ab_body(%arg0: i32, %arg1: memref<1000x128xf32, #tpu.memory_space<vmem>>, %arg2: memref<128x256xf32, #tpu.memory_space<vmem>>, %arg3: memref<1000x1xf32, #tpu.memory_space<vmem>>, %arg4: memref<2x1000x128xf32, #tpu.memory_space<vmem>>) attributes {dimension_semantics = [#tpu.dimension_semantics<arbitrary>], iteration_bounds = array<i64: 10>, scalar_prefetch = 0 : i64, scratch_operands = 0 : i64, tpu.core_type = #tpu.core_type<tc>, window_params = [{transform_indices = @transform_0, window_bounds = array<i64: 1000, 128>}, {pipeline_mode = #tpu.pipeline_mode<synchronous>, transform_indices = @transform_1, window_bounds = array<i64: 128, 256>}, {transform_indices = @transform_2, window_bounds = array<i64: 1000, 1>}, {transform_indices = @transform_3, window_bounds = array<i64: 2, 1000, 128>}]} {
    %get3A = arith.constant 0 : index
    %get3A_0 = arith.constant 0 : index
    %get3A_1 = vector.load %arg1[%get3A, %get3A_0] : memref<1000x128xf32, #tpu.memory_space<vmem>>, vector<1000x128xf32>
    %get3A_2 = arith.constant 0 : index
    %get3A_3 = arith.constant 0 : index
    %get3A_4 = vector.load %arg2[%get3A_2, %get3A_3] : memref<128x256xf32, #tpu.memory_space<vmem>>, vector<128x256xf32>
    %dot_general3A = arith.constant dense<0.000000e+00> : vector<1000x256xf32>
    %dot_general3A_5 = tpu.matmul %get3A_1, %get3A_4, %dot_general3A {dimension_numbers = #tpu.dot_dimension_numbers<[1], [0], [0], [1], [0, 0, 1, 1], [], []>, transpose_lhs_hint = false} : vector<1000x128xf32>, vector<128x256xf32>, vector<1000x256xf32> -> vector<1000x256xf32>
    %get3A_6 = arith.constant 0 : index
    %get3A_7 = arith.constant 0 : index
    %get3A_8 = vector.load %arg3[%get3A_6, %get3A_7] : memref<1000x1xf32, #tpu.memory_space<vmem>>, vector<1000x1xf32>
    %slice3A = vector.extract_strided_slice %dot_general3A_5 {offsets = [0, 0], sizes = [1000, 128], strides = [1, 1]} : vector<1000x256xf32> to vector<1000x128xf32>
    %mul3A = vector.broadcast %get3A_8 : vector<1000x1xf32> to vector<1000x128xf32>
    %mul3A_9 = arith.mulf %slice3A, %mul3A : vector<1000x128xf32>
    %swap3A = arith.constant 0 : index
    %swap3A_10 = arith.constant 0 : index
    %swap3A_11 = arith.constant 0 : index
    %swap3A_12 = vector.load %arg4[%swap3A, %swap3A_10, %swap3A_11] : memref<2x1000x128xf32, #tpu.memory_space<vmem>>, vector<1x1000x128xf32>
    %swap3A_13 = vector.shape_cast %swap3A_12 : vector<1x1000x128xf32> to vector<1000x128xf32>
    %swap3A_14 = vector.shape_cast %mul3A_9 : vector<1000x128xf32> to vector<1x1000x128xf32>
    tpu.vector_store %arg4[%swap3A, %swap3A_10, %swap3A_11], %swap3A_14 {strides = array<i32>} : memref<2x1000x128xf32, #tpu.memory_space<vmem>>, vector<1x1000x128xf32>,
    %slice3A_15 = vector.extract_strided_slice %dot_general3A_5 {offsets = [0, 128], sizes = [1000, 128], strides = [1, 1]} : vector<1000x256xf32> to vector<1000x128xf32>
    %mul3A_16 = vector.broadcast %get3A_8 : vector<1000x1xf32> to vector<1000x128xf32>
    %mul3A_17 = arith.mulf %slice3A_15, %mul3A_16 : vector<1000x128xf32>
    %swap3A_18 = arith.constant 1 : index
    %swap3A_19 = arith.constant 0 : index
    %swap3A_20 = arith.constant 0 : index
    %swap3A_21 = vector.load %arg4[%swap3A_18, %swap3A_19, %swap3A_20] : memref<2x1000x128xf32, #tpu.memory_space<vmem>>, vector<1x1000x128xf32>
    %swap3A_22 = vector.shape_cast %swap3A_21 : vector<1x1000x128xf32> to vector<1000x128xf32>
    %swap3A_23 = vector.shape_cast %mul3A_17 : vector<1000x128xf32> to vector<1x1000x128xf32>
    tpu.vector_store %arg4[%swap3A_18, %swap3A_19, %swap3A_20], %swap3A_23 {strides = array<i32>} : memref<2x1000x128xf32, #tpu.memory_space<vmem>>, vector<1x1000x128xf32>,
    return
  }
  func.func @transform_0(%arg0: i32) -> (i32, i32) {
    %c0_i32 = arith.constant 0 : i32
    %c0_i32_0 = arith.constant 0 : i32
    return %arg0, %c0_i32 : i32, i32
  }
  func.func @transform_1(%arg0: i32) -> (i32, i32) {
    %c0_i32 = arith.constant 0 : i32
    %c0_i32_0 = arith.constant 0 : i32
    %c0_i32_1 = arith.constant 0 : i32
    return %c0_i32, %c0_i32_0 : i32, i32
  }
  func.func @transform_2(%arg0: i32) -> (i32, i32) {
    %c0_i32 = arith.constant 0 : i32
    %c0_i32_0 = arith.constant 0 : i32
    return %arg0, %c0_i32 : i32, i32
  }
  func.func @transform_3(%arg0: i32) -> (i32, i32, i32) {
    %c0_i32 = arith.constant 0 : i32
    %c0_i32_0 = arith.constant 0 : i32
    %c0_i32_1 = arith.constant 0 : i32
    return %c0_i32, %arg0, %c0_i32_0 : i32, i32, i32
  }
}

module attributes {stable_mosaic.version = 14 : i64} {
  func.func @_mid_body(%arg0: i32, %arg1: memref<2x1000x128xf32, #tpu.memory_space<vmem>>, %arg2: memref<2x1000x128xf32, #tpu.memory_space<vmem>>, %arg3: memref<1000x1xf32, #tpu.memory_space<vmem>>, %arg4: memref<1x256xf32, #tpu.memory_space<vmem>>, %arg5: memref<1x256xf32, #tpu.memory_space<vmem>>, %arg6: memref<1x256xf32, #tpu.memory_space<vmem>>, %arg7: memref<256x128xf32, #tpu.memory_space<vmem>>, %arg8: memref<2x1000x128xf32, #tpu.memory_space<vmem>>) attributes {dimension_semantics = [#tpu.dimension_semantics<arbitrary>], iteration_bounds = array<i64: 10>, scalar_prefetch = 0 : i64, scratch_operands = 0 : i64, tpu.core_type = #tpu.core_type<tc>, window_params = [{transform_indices = @transform_0, window_bounds = array<i64: 2, 1000, 128>}, {transform_indices = @transform_1, window_bounds = array<i64: 2, 1000, 128>}, {transform_indices = @transform_2, window_bounds = array<i64: 1000, 1>}, {pipeline_mode = #tpu.pipeline_mode<synchronous>, transform_indices = @transform_3, window_bounds = array<i64: 1, 256>}, {pipeline_mode = #tpu.pipeline_mode<synchronous>, transform_indices = @transform_4, window_bounds = array<i64: 1, 256>}, {pipeline_mode = #tpu.pipeline_mode<synchronous>, transform_indices = @transform_5, window_bounds = array<i64: 1, 256>}, {pipeline_mode = #tpu.pipeline_mode<synchronous>, transform_indices = @transform_6, window_bounds = array<i64: 256, 128>}, {transform_indices = @transform_7, window_bounds = array<i64: 2, 1000, 128>}]} {
    %get3A = arith.constant 0 : index
    %get3A_0 = arith.constant 0 : index
    %get3A_1 = vector.load %arg3[%get3A, %get3A_0] : memref<1000x1xf32, #tpu.memory_space<vmem>>, vector<1000x1xf32>
    %get3A_2 = arith.constant 0 : index
    %get3A_3 = arith.constant 0 : index
    %get3A_4 = arith.constant 0 : index
    %get3A_5 = vector.load %arg1[%get3A_2, %get3A_3, %get3A_4] : memref<2x1000x128xf32, #tpu.memory_space<vmem>>, vector<1x1000x128xf32>
    %get3A_6 = vector.shape_cast %get3A_5 : vector<1x1000x128xf32> to vector<1000x128xf32>
    %get3A_7 = arith.constant 0 : index
    %get3A_8 = arith.constant 0 : index
    %get3A_9 = arith.constant 0 : index
    %get3A_10 = vector.load %arg2[%get3A_7, %get3A_8, %get3A_9] : memref<2x1000x128xf32, #tpu.memory_space<vmem>>, vector<1x1000x128xf32>
    %get3A_11 = vector.shape_cast %get3A_10 : vector<1x1000x128xf32> to vector<1000x128xf32>
    %add3A = arith.addf %get3A_6, %get3A_11 : vector<1000x128xf32>
    %mul3A = vector.broadcast %get3A_1 : vector<1000x1xf32> to vector<1000x128xf32>
    %mul3A_12 = arith.mulf %add3A, %mul3A : vector<1000x128xf32>
    %get3A_13 = arith.constant 0 : index
    %get3A_14 = arith.constant 0 : index
    %get3A_15 = vector.load %arg4[%get3A_13, %get3A_14] : memref<1x256xf32, #tpu.memory_space<vmem>>, vector<1x128xf32>
    %get3A_16 = vector.shape_cast %get3A_15 : vector<1x128xf32> to vector<128xf32>
    %broadcast_in_dim3A = vector.shape_cast %get3A_16 : vector<128xf32> to vector<1x128xf32>
    %add3A_17 = vector.broadcast %broadcast_in_dim3A : vector<1x128xf32> to vector<1000x128xf32>
    %add3A_18 = arith.addf %mul3A_12, %add3A_17 : vector<1000x128xf32>
    %max3A = arith.constant 0.000000e+00 : f32
    %max3A_19 = vector.broadcast %max3A : f32 to vector<1000x128xf32>
    %max3A_20 = arith.maximumf %add3A_18, %max3A_19 : vector<1000x128xf32>
    %get3A_21 = arith.constant 1 : index
    %get3A_22 = arith.constant 0 : index
    %get3A_23 = arith.constant 0 : index
    %get3A_24 = vector.load %arg1[%get3A_21, %get3A_22, %get3A_23] : memref<2x1000x128xf32, #tpu.memory_space<vmem>>, vector<1x1000x128xf32>
    %get3A_25 = vector.shape_cast %get3A_24 : vector<1x1000x128xf32> to vector<1000x128xf32>
    %get3A_26 = arith.constant 1 : index
    %get3A_27 = arith.constant 0 : index
    %get3A_28 = arith.constant 0 : index
    %get3A_29 = vector.load %arg2[%get3A_26, %get3A_27, %get3A_28] : memref<2x1000x128xf32, #tpu.memory_space<vmem>>, vector<1x1000x128xf32>
    %get3A_30 = vector.shape_cast %get3A_29 : vector<1x1000x128xf32> to vector<1000x128xf32>
    %add3A_31 = arith.addf %get3A_25, %get3A_30 : vector<1000x128xf32>
    %mul3A_32 = vector.broadcast %get3A_1 : vector<1000x1xf32> to vector<1000x128xf32>
    %mul3A_33 = arith.mulf %add3A_31, %mul3A_32 : vector<1000x128xf32>
    %get3A_34 = arith.constant 0 : index
    %get3A_35 = arith.constant 128 : index
    %get3A_36 = vector.load %arg4[%get3A_34, %get3A_35] : memref<1x256xf32, #tpu.memory_space<vmem>>, vector<1x128xf32>
    %get3A_37 = vector.shape_cast %get3A_36 : vector<1x128xf32> to vector<128xf32>
    %broadcast_in_dim3A_38 = vector.shape_cast %get3A_37 : vector<128xf32> to vector<1x128xf32>
    %add3A_39 = vector.broadcast %broadcast_in_dim3A_38 : vector<1x128xf32> to vector<1000x128xf32>
    %add3A_40 = arith.addf %mul3A_33, %add3A_39 : vector<1000x128xf32>
    %max3A_41 = arith.constant 0.000000e+00 : f32
    %max3A_42 = vector.broadcast %max3A_41 : f32 to vector<1000x128xf32>
    %max3A_43 = arith.maximumf %add3A_40, %max3A_42 : vector<1000x128xf32>
    %reduce_sum3A = arith.constant dense<0.000000e+00> : vector<1000xf32>
    %reduce_sum3A_44 = vector.multi_reduction <add>, %max3A_20, %reduce_sum3A [1] : vector<1000x128xf32> to vector<1000xf32>
    %broadcast_in_dim3A_45 = vector.shape_cast %reduce_sum3A_44 : vector<1000xf32> to vector<1000x1xf32>
    %reduce_sum3A_46 = arith.constant dense<0.000000e+00> : vector<1000xf32>
    %reduce_sum3A_47 = vector.multi_reduction <add>, %max3A_43, %reduce_sum3A_46 [1] : vector<1000x128xf32> to vector<1000xf32>
    %broadcast_in_dim3A_48 = vector.shape_cast %reduce_sum3A_47 : vector<1000xf32> to vector<1000x1xf32>
    %add3A_49 = arith.addf %broadcast_in_dim3A_45, %broadcast_in_dim3A_48 : vector<1000x1xf32>
    %div3A = arith.constant 2.560000e+02 : f32
    %div3A_50 = vector.broadcast %div3A : f32 to vector<1000x1xf32>
    %div3A_51 = arith.divf %add3A_49, %div3A_50 : vector<1000x1xf32>
    %sub3A = vector.broadcast %div3A_51 : vector<1000x1xf32> to vector<1000x128xf32>
    %sub3A_52 = arith.subf %max3A_20, %sub3A : vector<1000x128xf32>
    %integer_pow3A = arith.mulf %sub3A_52, %sub3A_52 : vector<1000x128xf32>
    %reduce_sum3A_53 = arith.constant dense<0.000000e+00> : vector<1000xf32>
    %reduce_sum3A_54 = vector.multi_reduction <add>, %integer_pow3A, %reduce_sum3A_53 [1] : vector<1000x128xf32> to vector<1000xf32>
    %broadcast_in_dim3A_55 = vector.shape_cast %reduce_sum3A_54 : vector<1000xf32> to vector<1000x1xf32>
    %sub3A_56 = vector.broadcast %div3A_51 : vector<1000x1xf32> to vector<1000x128xf32>
    %sub3A_57 = arith.subf %max3A_43, %sub3A_56 : vector<1000x128xf32>
    %integer_pow3A_58 = arith.mulf %sub3A_57, %sub3A_57 : vector<1000x128xf32>
    %reduce_sum3A_59 = arith.constant dense<0.000000e+00> : vector<1000xf32>
    %reduce_sum3A_60 = vector.multi_reduction <add>, %integer_pow3A_58, %reduce_sum3A_59 [1] : vector<1000x128xf32> to vector<1000xf32>
    %broadcast_in_dim3A_61 = vector.shape_cast %reduce_sum3A_60 : vector<1000xf32> to vector<1000x1xf32>
    %add3A_62 = arith.addf %broadcast_in_dim3A_55, %broadcast_in_dim3A_61 : vector<1000x1xf32>
    %div3A_63 = arith.constant 2.560000e+02 : f32
    %div3A_64 = vector.broadcast %div3A_63 : f32 to vector<1000x1xf32>
    %div3A_65 = arith.divf %add3A_62, %div3A_64 : vector<1000x1xf32>
    %add3A_66 = arith.constant 9.99999974E-6 : f32
    %add3A_67 = vector.broadcast %add3A_66 : f32 to vector<1000x1xf32>
    %add3A_68 = arith.addf %div3A_65, %add3A_67 : vector<1000x1xf32>
    %rsqrt3A = math.rsqrt %add3A_68 : vector<1000x1xf32>
    %sub3A_69 = vector.broadcast %div3A_51 : vector<1000x1xf32> to vector<1000x128xf32>
    %sub3A_70 = arith.subf %max3A_20, %sub3A_69 : vector<1000x128xf32>
    %mul3A_71 = vector.broadcast %rsqrt3A : vector<1000x1xf32> to vector<1000x128xf32>
    %mul3A_72 = arith.mulf %sub3A_70, %mul3A_71 : vector<1000x128xf32>
    %get3A_73 = arith.constant 0 : index
    %get3A_74 = arith.constant 0 : index
    %get3A_75 = vector.load %arg5[%get3A_73, %get3A_74] : memref<1x256xf32, #tpu.memory_space<vmem>>, vector<1x128xf32>
    %get3A_76 = vector.shape_cast %get3A_75 : vector<1x128xf32> to vector<128xf32>
    %broadcast_in_dim3A_77 = vector.shape_cast %get3A_76 : vector<128xf32> to vector<1x128xf32>
    %mul3A_78 = vector.broadcast %broadcast_in_dim3A_77 : vector<1x128xf32> to vector<1000x128xf32>
    %mul3A_79 = arith.mulf %mul3A_72, %mul3A_78 : vector<1000x128xf32>
    %get3A_80 = arith.constant 0 : index
    %get3A_81 = arith.constant 0 : index
    %get3A_82 = vector.load %arg6[%get3A_80, %get3A_81] : memref<1x256xf32, #tpu.memory_space<vmem>>, vector<1x128xf32>
    %get3A_83 = vector.shape_cast %get3A_82 : vector<1x128xf32> to vector<128xf32>
    %broadcast_in_dim3A_84 = vector.shape_cast %get3A_83 : vector<128xf32> to vector<1x128xf32>
    %add3A_85 = vector.broadcast %broadcast_in_dim3A_84 : vector<1x128xf32> to vector<1000x128xf32>
    %add3A_86 = arith.addf %mul3A_79, %add3A_85 : vector<1000x128xf32>
    %sub3A_87 = vector.broadcast %div3A_51 : vector<1000x1xf32> to vector<1000x128xf32>
    %sub3A_88 = arith.subf %max3A_43, %sub3A_87 : vector<1000x128xf32>
    %mul3A_89 = vector.broadcast %rsqrt3A : vector<1000x1xf32> to vector<1000x128xf32>
    %mul3A_90 = arith.mulf %sub3A_88, %mul3A_89 : vector<1000x128xf32>
    %get3A_91 = arith.constant 0 : index
    %get3A_92 = arith.constant 128 : index
    %get3A_93 = vector.load %arg5[%get3A_91, %get3A_92] : memref<1x256xf32, #tpu.memory_space<vmem>>, vector<1x128xf32>
    %get3A_94 = vector.shape_cast %get3A_93 : vector<1x128xf32> to vector<128xf32>
    %broadcast_in_dim3A_95 = vector.shape_cast %get3A_94 : vector<128xf32> to vector<1x128xf32>
    %mul3A_96 = vector.broadcast %broadcast_in_dim3A_95 : vector<1x128xf32> to vector<1000x128xf32>
    %mul3A_97 = arith.mulf %mul3A_90, %mul3A_96 : vector<1000x128xf32>
    %get3A_98 = arith.constant 0 : index
    %get3A_99 = arith.constant 128 : index
    %get3A_100 = vector.load %arg6[%get3A_98, %get3A_99] : memref<1x256xf32, #tpu.memory_space<vmem>>, vector<1x128xf32>
    %get3A_101 = vector.shape_cast %get3A_100 : vector<1x128xf32> to vector<128xf32>
    %broadcast_in_dim3A_102 = vector.shape_cast %get3A_101 : vector<128xf32> to vector<1x128xf32>
    %add3A_103 = vector.broadcast %broadcast_in_dim3A_102 : vector<1x128xf32> to vector<1000x128xf32>
    %add3A_104 = arith.addf %mul3A_97, %add3A_103 : vector<1000x128xf32>
    %get3A_105 = arith.constant 0 : index
    %get3A_106 = arith.constant 0 : index
    %get3A_107 = vector.load %arg7[%get3A_105, %get3A_106] : memref<256x128xf32, #tpu.memory_space<vmem>>, vector<128x128xf32>
    %dot_general3A = arith.constant dense<0.000000e+00> : vector<1000x128xf32>
    %dot_general3A_108 = tpu.matmul %add3A_86, %get3A_107, %dot_general3A {dimension_numbers = #tpu.dot_dimension_numbers<[1], [0], [0], [1], [0, 0, 1, 1], [], []>, transpose_lhs_hint = false} : vector<1000x128xf32>, vector<128x128xf32>, vector<1000x128xf32> -> vector<1000x128xf32>
    %get3A_109 = arith.constant 128 : index
    %get3A_110 = arith.constant 0 : index
    %get3A_111 = vector.load %arg7[%get3A_109, %get3A_110] : memref<256x128xf32, #tpu.memory_space<vmem>>, vector<128x128xf32>
    %dot_general3A_112 = arith.constant dense<0.000000e+00> : vector<1000x128xf32>
    %dot_general3A_113 = tpu.matmul %add3A_104, %get3A_111, %dot_general3A_112 {dimension_numbers = #tpu.dot_dimension_numbers<[1], [0], [0], [1], [0, 0, 1, 1], [], []>, transpose_lhs_hint = false} : vector<1000x128xf32>, vector<128x128xf32>, vector<1000x128xf32> -> vector<1000x128xf32>
    %add3A_114 = arith.addf %dot_general3A_108, %dot_general3A_113 : vector<1000x128xf32>
    %mul3A_115 = vector.broadcast %get3A_1 : vector<1000x1xf32> to vector<1000x128xf32>
    %mul3A_116 = arith.mulf %add3A_114, %mul3A_115 : vector<1000x128xf32>
    %swap3A = arith.constant 0 : index
    %swap3A_117 = arith.constant 0 : index
    %swap3A_118 = arith.constant 0 : index
    %swap3A_119 = vector.load %arg8[%swap3A, %swap3A_117, %swap3A_118] : memref<2x1000x128xf32, #tpu.memory_space<vmem>>, vector<1x1000x128xf32>
    %swap3A_120 = vector.shape_cast %swap3A_119 : vector<1x1000x128xf32> to vector<1000x128xf32>
    %swap3A_121 = vector.shape_cast %mul3A_116 : vector<1000x128xf32> to vector<1x1000x128xf32>
    tpu.vector_store %arg8[%swap3A, %swap3A_117, %swap3A_118], %swap3A_121 {strides = array<i32>} : memref<2x1000x128xf32, #tpu.memory_space<vmem>>, vector<1x1000x128xf32>,
    %swap3A_122 = arith.constant 1 : index
    %swap3A_123 = arith.constant 0 : index
    %swap3A_124 = arith.constant 0 : index
    %swap3A_125 = vector.load %arg8[%swap3A_122, %swap3A_123, %swap3A_124] : memref<2x1000x128xf32, #tpu.memory_space<vmem>>, vector<1x1000x128xf32>
    %swap3A_126 = vector.shape_cast %swap3A_125 : vector<1x1000x128xf32> to vector<1000x128xf32>
    %swap3A_127 = vector.shape_cast %mul3A_116 : vector<1000x128xf32> to vector<1x1000x128xf32>
    tpu.vector_store %arg8[%swap3A_122, %swap3A_123, %swap3A_124], %swap3A_127 {strides = array<i32>} : memref<2x1000x128xf32, #tpu.memory_space<vmem>>, vector<1x1000x128xf32>,
    return
  }
  func.func @transform_0(%arg0: i32) -> (i32, i32, i32) {
    %c0_i32 = arith.constant 0 : i32
    %c0_i32_0 = arith.constant 0 : i32
    %c0_i32_1 = arith.constant 0 : i32
    return %c0_i32, %arg0, %c0_i32_0 : i32, i32, i32
  }
  func.func @transform_1(%arg0: i32) -> (i32, i32, i32) {
    %c0_i32 = arith.constant 0 : i32
    %c0_i32_0 = arith.constant 0 : i32
    %c0_i32_1 = arith.constant 0 : i32
    return %c0_i32, %arg0, %c0_i32_0 : i32, i32, i32
  }
  func.func @transform_2(%arg0: i32) -> (i32, i32) {
    %c0_i32 = arith.constant 0 : i32
    %c0_i32_0 = arith.constant 0 : i32
    return %arg0, %c0_i32 : i32, i32
  }
  func.func @transform_3(%arg0: i32) -> (i32, i32) {
    %c0_i32 = arith.constant 0 : i32
    %c0_i32_0 = arith.constant 0 : i32
    %c0_i32_1 = arith.constant 0 : i32
    return %c0_i32, %c0_i32_0 : i32, i32
  }
  func.func @transform_4(%arg0: i32) -> (i32, i32) {
    %c0_i32 = arith.constant 0 : i32
    %c0_i32_0 = arith.constant 0 : i32
    %c0_i32_1 = arith.constant 0 : i32
    return %c0_i32, %c0_i32_0 : i32, i32
  }
  func.func @transform_5(%arg0: i32) -> (i32, i32) {
    %c0_i32 = arith.constant 0 : i32
    %c0_i32_0 = arith.constant 0 : i32
    %c0_i32_1 = arith.constant 0 : i32
    return %c0_i32, %c0_i32_0 : i32, i32
  }
  func.func @transform_6(%arg0: i32) -> (i32, i32) {
    %c0_i32 = arith.constant 0 : i32
    %c0_i32_0 = arith.constant 0 : i32
    %c0_i32_1 = arith.constant 0 : i32
    return %c0_i32, %c0_i32_0 : i32, i32
  }
  func.func @transform_7(%arg0: i32) -> (i32, i32, i32) {
    %c0_i32 = arith.constant 0 : i32
    %c0_i32_0 = arith.constant 0 : i32
    %c0_i32_1 = arith.constant 0 : i32
    return %c0_i32, %arg0, %c0_i32_0 : i32, i32, i32
  }
}

module attributes {stable_mosaic.version = 14 : i64} {
  func.func @_fin_body(%arg0: i32, %arg1: memref<1x1000x128xf32, #tpu.memory_space<vmem>>, %arg2: memref<1x1000x128xf32, #tpu.memory_space<vmem>>, %arg3: memref<1000x1xf32, #tpu.memory_space<vmem>>, %arg4: memref<1x128xf32, #tpu.memory_space<vmem>>, %arg5: memref<1000x128xf32, #tpu.memory_space<vmem>>) attributes {dimension_semantics = [#tpu.dimension_semantics<arbitrary>], iteration_bounds = array<i64: 10>, scalar_prefetch = 0 : i64, scratch_operands = 0 : i64, tpu.core_type = #tpu.core_type<tc>, window_params = [{transform_indices = @transform_0, window_bounds = array<i64: 1, 1000, 128>}, {transform_indices = @transform_1, window_bounds = array<i64: 1, 1000, 128>}, {transform_indices = @transform_2, window_bounds = array<i64: 1000, 1>}, {pipeline_mode = #tpu.pipeline_mode<synchronous>, transform_indices = @transform_3, window_bounds = array<i64: 1, 128>}, {transform_indices = @transform_4, window_bounds = array<i64: 1000, 128>}]} {
    %get3A = arith.constant 0 : index
    %get3A_0 = arith.constant 0 : index
    %get3A_1 = arith.constant 0 : index
    %get3A_2 = vector.load %arg1[%get3A, %get3A_0, %get3A_1] : memref<1x1000x128xf32, #tpu.memory_space<vmem>>, vector<1x1000x128xf32>
    %get3A_3 = vector.shape_cast %get3A_2 : vector<1x1000x128xf32> to vector<1000x128xf32>
    %get3A_4 = arith.constant 0 : index
    %get3A_5 = arith.constant 0 : index
    %get3A_6 = arith.constant 0 : index
    %get3A_7 = vector.load %arg2[%get3A_4, %get3A_5, %get3A_6] : memref<1x1000x128xf32, #tpu.memory_space<vmem>>, vector<1x1000x128xf32>
    %get3A_8 = vector.shape_cast %get3A_7 : vector<1x1000x128xf32> to vector<1000x128xf32>
    %add3A = arith.addf %get3A_3, %get3A_8 : vector<1000x128xf32>
    %get3A_9 = arith.constant 0 : index
    %get3A_10 = arith.constant 0 : index
    %get3A_11 = vector.load %arg3[%get3A_9, %get3A_10] : memref<1000x1xf32, #tpu.memory_space<vmem>>, vector<1000x1xf32>
    %mul3A = vector.broadcast %get3A_11 : vector<1000x1xf32> to vector<1000x128xf32>
    %mul3A_12 = arith.mulf %add3A, %mul3A : vector<1000x128xf32>
    %get3A_13 = arith.constant 0 : index
    %get3A_14 = arith.constant 0 : index
    %get3A_15 = vector.load %arg4[%get3A_13, %get3A_14] : memref<1x128xf32, #tpu.memory_space<vmem>>, vector<1x128xf32>
    %get3A_16 = vector.shape_cast %get3A_15 : vector<1x128xf32> to vector<128xf32>
    %broadcast_in_dim3A = vector.shape_cast %get3A_16 : vector<128xf32> to vector<1x128xf32>
    %add3A_17 = vector.broadcast %broadcast_in_dim3A : vector<1x128xf32> to vector<1000x128xf32>
    %add3A_18 = arith.addf %mul3A_12, %add3A_17 : vector<1000x128xf32>
    %swap3A = arith.constant 0 : index
    %swap3A_19 = arith.constant 0 : index
    %swap3A_20 = vector.load %arg5[%swap3A, %swap3A_19] : memref<1000x128xf32, #tpu.memory_space<vmem>>, vector<1000x128xf32>
    tpu.vector_store %arg5[%swap3A, %swap3A_19], %add3A_18 {strides = array<i32>} : memref<1000x128xf32, #tpu.memory_space<vmem>>, vector<1000x128xf32>,
    return
  }
  func.func @transform_0(%arg0: i32) -> (i32, i32, i32) {
    %c0_i32 = arith.constant 0 : i32
    %c0_i32_0 = arith.constant 0 : i32
    %c0_i32_1 = arith.constant 0 : i32
    return %c0_i32, %arg0, %c0_i32_0 : i32, i32, i32
  }
  func.func @transform_1(%arg0: i32) -> (i32, i32, i32) {
    %c0_i32 = arith.constant 0 : i32
    %c0_i32_0 = arith.constant 0 : i32
    %c0_i32_1 = arith.constant 0 : i32
    return %c0_i32, %arg0, %c0_i32_0 : i32, i32, i32
  }
  func.func @transform_2(%arg0: i32) -> (i32, i32) {
    %c0_i32 = arith.constant 0 : i32
    %c0_i32_0 = arith.constant 0 : i32
    return %arg0, %c0_i32 : i32, i32
  }
  func.func @transform_3(%arg0: i32) -> (i32, i32) {
    %c0_i32 = arith.constant 0 : i32
    %c0_i32_0 = arith.constant 0 : i32
    %c0_i32_1 = arith.constant 0 : i32
    return %c0_i32, %c0_i32_0 : i32, i32
  }
  func.func @transform_4(%arg0: i32) -> (i32, i32) {
    %c0_i32 = arith.constant 0 : i32
    %c0_i32_0 = arith.constant 0 : i32
    return %arg0, %c0_i32 : i32, i32
  }
}

</mosaic_0001>

<sc_bundles>
// kernel: kernel.16.cloned.1.call-start
scs
__scs_entry_jumppad:
0x0: {  	(pc) =	sbr.rel $0x88, $3  }
0x1: {  	(tag) =	ssettag $0x0;
	lr =	simm.s32 $0x1  }
0x2: {  	[smem:$0x3F99] =	sst lr;
	_ =	strace $0xD0000000  }
0x3: {  	_ = 	snop  }
0x4: {  	_ = 	snop  }
0x5: {  	_ = 	snop  }
0x6: {  	_ = 	snop  }
0x7: {  	_ = 	snop  }
__scs_overlays_trampoline_lowered:
0x8: {  	[smem:$0x3FA8] =	sst s0  }
0x9: {  	[smem:$0x3FA9] =	sst s1  }
0xa: {  	[smem:$0x3FAA] =	sst s2  }
0xb: {  	[smem:$0x3FAB] =	sst s3  }
0xc: {  	[smem:$0x3FAC] =	sst s4  }
0xd: {  	[smem:$0x3FAD] =	sst s5  }
0xe: {  	[smem:$0x3FAE] =	sst s6  }
0xf: {  	[smem:$0x3FAF] =	sst s7  }
0x10: {  	[smem:$0x3FB0] =	sst s8  }
0x11: {  	[smem:$0x3FB1] =	sst s9;
	s0 =	simm.s32 @!p0 $0x0  }
0x12: {  	s1 =	sld [smem:$0x3F97];
	s0 =	simm.s32 @p0 $0x1  }
0x13: {  	[smem:$0x3FB2] =	sst s0;
	s0 =	simm.s32 @!p1 $0x0  }
0x14: {  	s2 =	sld [smem:$0x3F96];
	s0 =	simm.s32 @p1 $0x1  }
0x15: {  	[smem:$0x3FB3] =	sst s0;
	s0 =	simm.s32 @!p2 $0x0  }
0x16: {  	s3 =	sld [smem:$0x3FDB];
	s0 =	simm.s32 @p2 $0x1  }
0x17: {  	s4 =	simm.s32 $0x1BF5;
	[smem:$0x3FB5] =	sst s0  }
0x18: {  	s0 =	sld [smem:$0x3F98];
	_ =	swait.ge [sflag:s4], $0x0  }
0x19: {  	s7 =	sld [smem:$0x3F99]  }
0x1a: {  	s8 =	sadd.s32 $0xFFFFE003, lr  }
0x1b: {  	s9 =	sadd.s32 $0xFFFFFEF7, lr;
	s5 =	simm.s32 $0xFFFFFFFF;
	p2 =	slt.u32 s8, $0xFFFFF086  }
0x1c: {  	p1 =	slt.u32 s9, $0xF7A;
	s5 =	simm.s32 @!p2 $0x0  }
0x1d: {  	s5 =	simm.s32 @p1 $0x1;
	p0 =	seq.s32 s7, s2  }
0x1e: {  	s7 =	smul.u32 @!p0 $0xF7A, s2;
	p2 =	seq.s32 @!p0 s5, $0x0  }
0x1f: {  	s9 =	smul.u32 $0xF7A, s1;
	s8 =	simm.s32 @!p0 $0x1BF5;
	p2 =	por !p2, p0  }
0x20: {  	[sflag:s8] =	ssyncset.s32 @!p0 $0xFFFFF086;
	s6 =	sadd.s32 @!p0 s3, s7;
	s7 =	simm.s32 @!p0 $0x108  }
0x21: {  	s3 =	sadd.s32 s3, s9;
	s6 =	sadd.s32 @!p0 $0x88, s6;
	s7 =	simm.s32 @p2 $0x1082  }
0x22: {  	[simem:s7], [sflag:s8] =	dma.local @!p0 [hbm:s6], $0xF7A  }
0x23: {  	s9 =	sor.u32 $0xD0000000, s2;
	s6 =	simm.s32 $0x108;
	_ =	swait.ge @!p0 [sflag:s8], $0x0  }
0x24: {  	s3 =	sadd.s32 $0x88, s3;
	s6 =	simm.s32 @!p1 $0x1082;
	[sflag:s4] =	ssyncset.s32 $0xFFFFF086  }
0x25: {  	[simem:s6], [sflag:s4] =	dma.local [hbm:s3], $0xF7A  }
0x26: {  	[smem:$0x3F99] =	sst s1;
	(tag) =	ssettag s2;
	_ =	strace s9  }
0x27: {  	s1 =	sld [smem:$0x3FA9]  }
0x28: {  	s2 =	sld [smem:$0x3FAA]  }
0x29: {  	s4 =	sld [smem:$0x3FAC]  }
0x2a: {  	p0 =	seq.s32 s5, $0x0;
	s5 =	sld [smem:$0x3FAD]  }
0x2b: {  	s6 =	sld [smem:$0x3FAE]  }
0x2c: {  	s7 =	sld [smem:$0x3FAF]  }
0x2d: {  	s3 =	simm.s32 $0x108;
	s8 =	sld [smem:$0x3FB0]  }
0x2e: {  	s3 =	simm.s32 @!p0 $0x1082;
	s9 =	sld [smem:$0x3FB1]  }
0x2f: {  	lr =	sadd.s32 s0, s3;
	s0 =	sld [smem:$0x3FA8]  }
0x30: {  	s3 =	sld [smem:$0x3FAB]  }
0x31: {  	[smem:$0x3FB4] =	sst s10  }
0x32: {  	s10 =	sld [smem:$0x3FB2];
	_ =	sdelay $0x3  }
0x33: {  	p0 =	seq.s32 s10, $0x1;
	s10 =	sld [smem:$0x3FB4];
	_ =	sdelay $0x3  }
0x34: {  	[smem:$0x3FB4] =	sst s10  }
0x35: {  	s10 =	sld [smem:$0x3FB3];
	_ =	sdelay $0x3  }
0x36: {  	p1 =	seq.s32 s10, $0x1;
	s10 =	sld [smem:$0x3FB4];
	_ =	sdelay $0x3  }
0x37: {  	[smem:$0x3FB4] =	sst s10  }
0x38: {  	s10 =	sld [smem:$0x3FB5]  }
0x39: {  	_ = 	snop;
	(pc) =	sbr.ind lr, $3  }
0x3a: {  	_ = 	snop  }
0x3b: {  	_ = 	snop  }
0x3c: {  	p2 =	seq.s32 s10, $0x1;
	s10 =	sld [smem:$0x3FB4]  }
0x3d: {  	_ =	shalt  }
0x3e: {  	_ =	shalt  }
0x3f: {  	_ =	shalt  }
0x40: {  	_ =	shalt  }
0x41: {  	_ =	shalt  }
0x42: {  	_ =	shalt  }
0x43: {  	_ =	shalt  }
0x44: {  	_ =	shalt  }
0x45: {  	_ =	shalt  }
0x46: {  	_ =	shalt  }
0x47: {  	_ =	shalt  }
0x48: {  	_ =	shalt  }
0x49: {  	_ =	shalt  }
0x4a: {  	_ =	shalt  }
0x4b: {  	_ =	shalt  }
0x4c: {  	_ =	shalt  }
0x4d: {  	_ =	shalt  }
0x4e: {  	_ =	shalt  }
0x4f: {  	_ =	shalt  }
0x50: {  	_ =	shalt  }
0x51: {  	_ =	shalt  }
0x52: {  	_ =	shalt  }
0x53: {  	_ =	shalt  }
0x54: {  	_ =	shalt  }
0x55: {  	_ =	shalt  }
0x56: {  	_ =	shalt  }
0x57: {  	_ =	shalt  }
0x58: {  	_ =	shalt  }
0x59: {  	_ =	shalt  }
0x5a: {  	_ =	shalt  }
0x5b: {  	_ =	shalt  }
0x5c: {  	_ =	shalt  }
0x5d: {  	_ =	shalt  }
0x5e: {  	_ =	shalt  }
0x5f: {  	_ =	shalt  }
0x60: {  	_ =	shalt  }
0x61: {  	_ =	shalt  }
0x62: {  	_ =	shalt  }
0x63: {  	_ =	shalt  }
0x64: {  	_ =	shalt  }
0x65: {  	_ =	shalt  }
0x66: {  	_ =	shalt  }
0x67: {  	_ =	shalt  }
0x68: {  	_ =	shalt  }
0x69: {  	_ =	shalt  }
0x6a: {  	_ =	shalt  }
0x6b: {  	_ =	shalt  }
0x6c: {  	_ =	shalt  }
0x6d: {  	_ =	shalt  }
0x6e: {  	_ =	shalt  }
0x6f: {  	_ =	shalt  }
0x70: {  	_ =	shalt  }
0x71: {  	_ =	shalt  }
0x72: {  	_ =	shalt  }
0x73: {  	_ =	shalt  }
0x74: {  	_ =	shalt  }
0x75: {  	_ =	shalt  }
0x76: {  	_ =	shalt  }
0x77: {  	_ =	shalt  }
0x78: {  	_ =	shalt  }
0x79: {  	_ =	shalt  }
0x7a: {  	_ =	shalt  }
0x7b: {  	_ =	shalt  }
0x7c: {  	_ =	shalt  }
0x7d: {  	_ =	shalt  }
0x7e: {  	_ =	shalt  }
0x7f: {  	_ =	shalt  }
0x80: {  	_ =	shalt  }
0x81: {  	_ =	shalt  }
0x82: {  	_ =	shalt  }
0x83: {  	_ =	shalt  }
0x84: {  	_ =	shalt  }
0x85: {  	_ =	shalt  }
0x86: {  	_ =	shalt  }
0x87: {  	_ =	shalt  }
.Lfunc_end0:
.L_simem_size_0:
called_computation_lowered:
.L_overlay_start_0:
0x88: {  	s2 =	sld [smem:$0x3FD9]  }
0x89: {  	s3 =	sld [smem:$0x3FFE];
	_ =	sdelay $0x1  }
0x8a: {  	s1 =	srdreg.scid  }
0x8b: {  	s0 =	sand.u32 $0x1, s1  }
0x8c: {  	s17 =	sshll.u32 s0, $0xA;
	s2 =	sadd.s32 s3, s2  }
0x8d: {  	s2 =	sadd.s32 s2, s17  }
0x8e: {  	[smem:$0x3FC0] =	sst s2  }
0x8f: {  	_ = 	snop  }
0x90: {  	s2 =	sld [smem:$0x3FD0];
	(tm) =	ssettm $0x1  }
0x91: {  	s18 =	sld [smem:$0x3FFB];
	_ =	sdelay $0x3  }
0x92: {  	_ =	strace s18  }
0x93: {  	s3 =	sld [smem:$0x3FFC];
	_ =	sdelay $0x3  }
0x94: {  	_ =	strace s3  }
0x95: {  	s3 =	sld [smem:$0x3FFD];
	_ =	sdelay $0x3  }
0x96: {  	_ =	strace s3  }
0x97: {  	_ =	strace $0x8FFFFFFF  }
0x98: {  	s19 =	sld [smem:$0x3FDB];
	_ =	sdelay $0x1  }
0x99: {  	s4 =	simm.s32 $_scs_section_size  }
0x9a: {  	s5 =	simm.s32 $_size__tile_overlayer_lowered;
	s6 =	simm.s32 $_tile_overlayer_lowered  }
0x9b: {  	s22 =	simm.s32 $0x1BFF;
	s21 =	sshll.u32 s6, $0x1;
	s3 =	sadd.s32 s4, s19  }
0x9c: {  	s7 =	simm.s32 $0x0;
	s20 =	sshll.u32 s5, $0x1;
	s5 =	sadd.s32 s21, s3  }
0x9d: {  	[timem:s7], [sflag:s22] =	dma.local [hbm:s5], s20  }
0x9e: {  	_ =	swait.ge [sflag:s22], s20  }
0x9f: {  	s4 =	ssub.s32 $0x0, s20;
	[sflag:s22] =	ssyncset.done $0x0  }
0xa0: {  	[sflag:s22] =	ssyncadd.s32 s4;
	_ =	sdelay $0x1  }
0xa1: {  	s23 =	simm.s32 $0x1B8B  }
0xa2: {  	_ =	swait.ge [sflag:s23], $0x1  }
0xa3: {  	[sflag:s23] =	ssyncset.done $0x0  }
0xa4: {  	s25 =	simm.s32 $0x1B8E;
	s24 =	sld [smem:$0x3FFE];
	[sflag:s23] =	ssyncadd.s32 $0xFFFFFFFF  }
0xa5: {  	s26 =	simm.s32 $execute0_lowered;
	[smem:$0x3FD2] =	sst s25  }
0xa6: {  	s5 =	sshll.u32 s26, $0x1;
	_ =	strace $0x80000046;
	[dreg:$0x1] =	wrdreg $0xFFFFFFFF  }
0xa7: {  	s28 =	simm.s32 $_size_execute0_lowered;
	s3 =	sadd.s32 s3, s5;
	[dreg:$0x0] =	wrdreg $0x0  }
0xa8: {  	s5 =	sshll.u32 s28, $0x1;
	[dreg:$0x2] =	wrdreg s3  }
0xa9: {  	[dreg:$0x3] =	wrdreg s5  }
0xaa: {  	[dreg:$0x4] =	wrdreg $0xC0  }
0xab: {  	_ =	task [dreg:s7], $0x5FFFF  }
0xac: {  	[dreg:$0x1] =	wrdreg $0xFFFFFFFF  }
0xad: {  	[dreg:$0x0] =	wrdreg $0x60  }
0xae: {  	[dreg:$0x2] =	wrdreg s24  }
0xaf: {  	[dreg:$0x3] =	wrdreg s2  }
0xb0: {  	[dreg:$0x4] =	wrdreg $0x68000  }
0xb1: {  	[dreg:$0x5] =	wrdreg $0x9  }
0xb2: {  	_ =	task.clear_ibuf [dreg:s7], $0x6FFFF;
	_ =	strace $0x90000046  }
0xb3: {  	s29 =	simm.s32 $0x9;
	_ =	strace $0x80000048  }
0xb4: {  	_ =	swait.ge [sflag:s29], $0x1  }
0xb5: {  	[sflag:s29] =	ssyncadd.s32 $0xFFFFFFFF  }
0xb6: {  	_ =	strace $0x90000048  }
0xb7: {  	_ =	sfence  }
0xb8: {  	s30 =	sld [smem:$0x0];
	_ =	sdelay $0x2  }
0xb9: {  	s31 =	sshll.u32 s1, $0xD;
	s1 =	sshrl.u32 s1, $0x2  }
0xba: {  	s3 =	sand.u32 $0x4000, s31;
	s1 =	sadd.s32 s1, s30  }
0xbb: {  	s0 =	sor.u32 s3, s0;
	s1 =	sshll.u32 s1, $0x11  }
0xbc: {  	s0 =	sor.u32 s1, s0  }
0xbd: {  	s0 =	sadd.s32 $0x8F2B, s0  }
0xbe: {  	[sflag:s0] =	ssyncadd.remote.s32 $0x1  }
0xbf: {  	_ =	sfence.sel $0xFFFF  }
0xc0: {  	[dreg:$0x0] =	wrdreg $0xFFFFFFFF;
	(pc) =	sbr.abs _section_cstart, $3  }
0xc1: {  	[dreg:$0x1] =	wrdreg $0xFFFFFFFF  }
0xc2: {  	_ =	task.clear_ibuf [dreg:s7], $0x2FFFF;
	_ =	strace $0x9FFFFFFF  }
0xc3: {  	(tm) =	ssettm $0x7FFFFFFF  }
tec
execute0_lowered:
.L_overlay_start_1:
0x0: {  	(tag) =	ssettag $0x1  }
0x1: {  	s5 =	rddreg [dreg:$0x0]  }
0x2: {  	s0 =	srdreg.scid;
	s6 =	rddreg [dreg:$0x1]  }
0x3: {  	s2 =	rddreg [dreg:$0x2];
	s4 =	sand.u32 $0x1, s0;
	s0 =	stileid.u32  }
0x4: {  	s3 =	simm.s32 $0x0;
	s13 =	simm.s32 $0x80;
	s8 =	smul.u32 $0x2800, s0  }
0x5: {  	s14 =	simm.s32 $0x0;
	[smem:$0x7FF] =	sst s3;
	s9 =	smul.u32 $0x28000, s4  }
0x6: {  	s1 =	sshll.u32 s4, $0x4;
	s10 =	ssub.s32 $0x2, s4;
	s11 =	smul.u32 $0x50000, s0  }
0x7: {  	s4 =	sadd.s32 $0x10400, s5;
	s31 =	sshll.u32 s0, $0x6;
	s7 =	sor.u32 s0, s1  }
0x8: {  	s1 =	rddreg [dreg:$0x3];
	_ =	strace $0x80000047;
	s12 =	sshrl.u32 s10, $0x1  }
0x9: {  	s7 =	smul.u32 $0x500, s7;
	s9 =	sadd.s32 s8, s9;
	s10 =	ssub.s32 s10, s12  }
0xa: {  	s30 =	sshrl.u32 s11, $0x2;
	s12 =	simm.s32 $0x2800;
	s9 =	sadd.s32 s9, s5  }
0xb: {  	s11 =	sadd.s32 s30, s2;
	s7 =	sadd.s32 s7, s5;
	s5 =	sadd.s32 s6, s8  }
0xc: {  	s6 =	sor.u32 $0x1C01, s31;
	s8 =	sadd.s32 $0x10C00, s9;
	s9 =	smax.u32 s10, $0x1  }
0xd: {  	s10 =	sshrl.u32 s11, $0x3;
	s11 =	simm.s32 $0x1;
	s7 =	sadd.s32 $0x6400, s7  }
.LBB2_1:
0xe: {  	[spmem:s10], [sflag:s6] =	dma.local [hbm:s5], $0x2800  }
0xf: {  	_ =	swait.ge [sflag:s11], $0x2800  }
0x10: {  	[sflag:s11] =	ssyncset.done $0x0  }
0x11: {  	[sflag:s11] =	ssyncadd.s32 $0xFFFFD800  }
0x12: {  	[tilespmem:s3], [sflag:$0x1] =	stream.linear.gather [hbm4b:s7+s3], $0x2800, $0x38;
	[tilespmem:$0x9000] =	vst v63  }
0x13: {  	_ =	swait.ge [sflag:s11], $0x2800  }
0x14: {  	[sflag:s11] =	ssyncset.done $0x0  }
0x15: {  	[sflag:s11] =	ssyncadd.s32 $0xFFFFD800  }
0x16: {  	[tilespmem:s12], [sflag:$0x1] =	stream.linear.gather [hbm4b:s4+s3], $0x4000, $0x38;
	[tilespmem:$0x9000] =	vst v63  }
0x17: {  	_ =	swait.ge [sflag:s11], $0x4000  }
0x18: {  	[sflag:s11] =	ssyncset.done $0x0  }
0x19: {  	[sflag:s11] =	ssyncadd.s32 $0xFFFFC000  }
0x1a: {  	s15 =	simm.s32 $0x0;
	[bflag:$0x0] =	sbarrier.arrive $0xFFFF  }
0x1b: {  	[spmem:s2] =	stream.indirect.scatter.add.f32 [tilespmem:s12], [sflag:$0x1], $0x10, s15, s13, $0xb8;
	[tilespmem:$0x9000] =	vst v63  }
0x1c: {  	_ =	swait.ge [sflag:s11], $0x800  }
0x1d: {  	s15 =	simm.s32 $0x200;
	[sflag:s11] =	ssyncset.done $0x0  }
.LBB2_2:
0x1e: {  	s16 =	sshra.s32 s15, $0x2;
	[sflag:s11] =	ssyncadd.s32 $0xFFFFF800;
	p0 =	sne.s32 s15, $0x9E00  }
0x1f: {  	[spmem:s2] =	stream.indirect.scatter.add.f32 [tilespmem:s12], [sflag:$0x1], $0x10, s16, s13, $0xb8;
	[tilespmem:$0x9000] =	vst v63  }
.Ltmp0:
0x20: {  	_ = 	snop;
	(pc) =	sbr.rel @p0 .LBB2_2-.Ltmp0, $4  }
0x21: {  	_ = 	snop  }
0x22: {  	s15 =	sadd.s32 $0x200, s15  }
0x23: {  	_ =	swait.ge [sflag:s11], $0x800  }
0x24: {  	[sflag:s11] =	ssyncset.done $0x0  }
0x25: {  	s14 =	sadd.s32 $0x1, s14  }
0x26: {  	[sflag:s11] =	ssyncadd.s32 $0xFFFFF800;
	p0 =	sne.s32 s14, s9  }
.Ltmp1:
0x27: {  	[bflag:$0x0] =	sbarrier.arrive $0xFFFF;
	(pc) =	sbr.rel @p0 .LBB2_1-.Ltmp1, $4  }
0x28: {  	[hbm:s8], [sflag:s6] =	dma.local [spmem:s10], $0x2800  }
0x29: {  	_ =	swait.ge [sflag:s11], $0x2800  }
0x2a: {  	[sflag:s11] =	ssyncset.done $0x0  }
0x2b: {  	[sflag:s11] =	ssyncadd.s32 $0xFFFFD800  }
0x2c: {  	_ =	sfence.sel $0x180000  }
0x2d: {  	[bflag:$0x0] =	sbarrier.arrive $0xFFFF  }
0x2e: {  	p0 =	sne.s32 s0, $0x0;
	_ =	strace $0x90000047  }
0x2f: {  	s0 =	sadd.s32 @!p0 $0x100000, s1;
	[bflag:$0x2] =	sbarrier.arrive $0xFFFF  }
0x30: {  	[sflag:s0] =	ssyncadd.tile.s32 @!p0 $0x1;
	_ =	shalt  }
.Lfunc_end2:
_tile_overlayer_lowered:
.L_overlay_start_2:
0x31: {  	(tag) =	ssettag $0x2  }
0x32: {  	s0 =	rddreg [dreg:$0x0];
	s2 =	stileid.u32  }
0x33: {  	s1 =	rddreg [dreg:$0x1];
	p0 =	sne.s32 s2, $0x0  }
0x34: {  	s3 =	rddreg [dreg:$0x2];
	[bflag:$0x3] =	sbarrier.arrive $0xFFFF;
	s2 =	simm.s32 @!p0 $0x1C01  }
0x35: {  	[timem:s3], [sflag:s2] =	dma.local @!p0 [hbm:s0], s1  }
0x36: {  	s0 =	simm.s32 @!p0 $0x1  }
0x37: {  	_ =	swait.ge @!p0 [sflag:s0], s1  }
0x38: {  	s1 =	ssub.s32 @!p0 $0x0, s1;
	[sflag:s0] =	ssyncset.done @!p0 $0x0  }
0x39: {  	[sflag:s0] =	ssyncadd.s32 @!p0 s1  }
0x3a: {  	[bflag:$0x3] =	sbarrier.arrive $0xFFFF  }
0x3b: {  	_ =	shalt  }

// kernel: kernel.19.cloned.1.call-start
scs
__scs_entry_jumppad:
0x0: {  	(pc) =	sbr.rel $0x88, $3  }
0x1: {  	(tag) =	ssettag $0x0;
	lr =	simm.s32 $0x1  }
0x2: {  	[smem:$0x3F99] =	sst lr;
	_ =	strace $0xD0000000  }
0x3: {  	_ = 	snop  }
0x4: {  	_ = 	snop  }
0x5: {  	_ = 	snop  }
0x6: {  	_ = 	snop  }
0x7: {  	_ = 	snop  }
__scs_overlays_trampoline_lowered:
0x8: {  	[smem:$0x3FA8] =	sst s0  }
0x9: {  	[smem:$0x3FA9] =	sst s1  }
0xa: {  	[smem:$0x3FAA] =	sst s2  }
0xb: {  	[smem:$0x3FAB] =	sst s3  }
0xc: {  	[smem:$0x3FAC] =	sst s4  }
0xd: {  	[smem:$0x3FAD] =	sst s5  }
0xe: {  	[smem:$0x3FAE] =	sst s6  }
0xf: {  	[smem:$0x3FAF] =	sst s7  }
0x10: {  	[smem:$0x3FB0] =	sst s8  }
0x11: {  	[smem:$0x3FB1] =	sst s9;
	s0 =	simm.s32 @!p0 $0x0  }
0x12: {  	s1 =	sld [smem:$0x3F97];
	s0 =	simm.s32 @p0 $0x1  }
0x13: {  	[smem:$0x3FB2] =	sst s0;
	s0 =	simm.s32 @!p1 $0x0  }
0x14: {  	s2 =	sld [smem:$0x3F96];
	s0 =	simm.s32 @p1 $0x1  }
0x15: {  	[smem:$0x3FB3] =	sst s0;
	s0 =	simm.s32 @!p2 $0x0  }
0x16: {  	s3 =	sld [smem:$0x3FDB];
	s0 =	simm.s32 @p2 $0x1  }
0x17: {  	s4 =	simm.s32 $0x1BF5;
	[smem:$0x3FB5] =	sst s0  }
0x18: {  	s0 =	sld [smem:$0x3F98];
	_ =	swait.ge [sflag:s4], $0x0  }
0x19: {  	s7 =	sld [smem:$0x3F99]  }
0x1a: {  	s8 =	sadd.s32 $0xFFFFE003, lr  }
0x1b: {  	s9 =	sadd.s32 $0xFFFFFEF7, lr;
	s5 =	simm.s32 $0xFFFFFFFF;
	p2 =	slt.u32 s8, $0xFFFFF086  }
0x1c: {  	p1 =	slt.u32 s9, $0xF7A;
	s5 =	simm.s32 @!p2 $0x0  }
0x1d: {  	s5 =	simm.s32 @p1 $0x1;
	p0 =	seq.s32 s7, s2  }
0x1e: {  	s7 =	smul.u32 @!p0 $0xF7A, s2;
	p2 =	seq.s32 @!p0 s5, $0x0  }
0x1f: {  	s9 =	smul.u32 $0xF7A, s1;
	s8 =	simm.s32 @!p0 $0x1BF5;
	p2 =	por !p2, p0  }
0x20: {  	[sflag:s8] =	ssyncset.s32 @!p0 $0xFFFFF086;
	s6 =	sadd.s32 @!p0 s3, s7;
	s7 =	simm.s32 @!p0 $0x108  }
0x21: {  	s3 =	sadd.s32 s3, s9;
	s6 =	sadd.s32 @!p0 $0x88, s6;
	s7 =	simm.s32 @p2 $0x1082  }
0x22: {  	[simem:s7], [sflag:s8] =	dma.local @!p0 [hbm:s6], $0xF7A  }
0x23: {  	s9 =	sor.u32 $0xD0000000, s2;
	s6 =	simm.s32 $0x108;
	_ =	swait.ge @!p0 [sflag:s8], $0x0  }
0x24: {  	s3 =	sadd.s32 $0x88, s3;
	s6 =	simm.s32 @!p1 $0x1082;
	[sflag:s4] =	ssyncset.s32 $0xFFFFF086  }
0x25: {  	[simem:s6], [sflag:s4] =	dma.local [hbm:s3], $0xF7A  }
0x26: {  	[smem:$0x3F99] =	sst s1;
	(tag) =	ssettag s2;
	_ =	strace s9  }
0x27: {  	s1 =	sld [smem:$0x3FA9]  }
0x28: {  	s2 =	sld [smem:$0x3FAA]  }
0x29: {  	s4 =	sld [smem:$0x3FAC]  }
0x2a: {  	p0 =	seq.s32 s5, $0x0;
	s5 =	sld [smem:$0x3FAD]  }
0x2b: {  	s6 =	sld [smem:$0x3FAE]  }
0x2c: {  	s7 =	sld [smem:$0x3FAF]  }
0x2d: {  	s3 =	simm.s32 $0x108;
	s8 =	sld [smem:$0x3FB0]  }
0x2e: {  	s3 =	simm.s32 @!p0 $0x1082;
	s9 =	sld [smem:$0x3FB1]  }
0x2f: {  	lr =	sadd.s32 s0, s3;
	s0 =	sld [smem:$0x3FA8]  }
0x30: {  	s3 =	sld [smem:$0x3FAB]  }
0x31: {  	[smem:$0x3FB4] =	sst s10  }
0x32: {  	s10 =	sld [smem:$0x3FB2];
	_ =	sdelay $0x3  }
0x33: {  	p0 =	seq.s32 s10, $0x1;
	s10 =	sld [smem:$0x3FB4];
	_ =	sdelay $0x3  }
0x34: {  	[smem:$0x3FB4] =	sst s10  }
0x35: {  	s10 =	sld [smem:$0x3FB3];
	_ =	sdelay $0x3  }
0x36: {  	p1 =	seq.s32 s10, $0x1;
	s10 =	sld [smem:$0x3FB4];
	_ =	sdelay $0x3  }
0x37: {  	[smem:$0x3FB4] =	sst s10  }
0x38: {  	s10 =	sld [smem:$0x3FB5]  }
0x39: {  	_ = 	snop;
	(pc) =	sbr.ind lr, $3  }
0x3a: {  	_ = 	snop  }
0x3b: {  	_ = 	snop  }
0x3c: {  	p2 =	seq.s32 s10, $0x1;
	s10 =	sld [smem:$0x3FB4]  }
0x3d: {  	_ =	shalt  }
0x3e: {  	_ =	shalt  }
0x3f: {  	_ =	shalt  }
0x40: {  	_ =	shalt  }
0x41: {  	_ =	shalt  }
0x42: {  	_ =	shalt  }
0x43: {  	_ =	shalt  }
0x44: {  	_ =	shalt  }
0x45: {  	_ =	shalt  }
0x46: {  	_ =	shalt  }
0x47: {  	_ =	shalt  }
0x48: {  	_ =	shalt  }
0x49: {  	_ =	shalt  }
0x4a: {  	_ =	shalt  }
0x4b: {  	_ =	shalt  }
0x4c: {  	_ =	shalt  }
0x4d: {  	_ =	shalt  }
0x4e: {  	_ =	shalt  }
0x4f: {  	_ =	shalt  }
0x50: {  	_ =	shalt  }
0x51: {  	_ =	shalt  }
0x52: {  	_ =	shalt  }
0x53: {  	_ =	shalt  }
0x54: {  	_ =	shalt  }
0x55: {  	_ =	shalt  }
0x56: {  	_ =	shalt  }
0x57: {  	_ =	shalt  }
0x58: {  	_ =	shalt  }
0x59: {  	_ =	shalt  }
0x5a: {  	_ =	shalt  }
0x5b: {  	_ =	shalt  }
0x5c: {  	_ =	shalt  }
0x5d: {  	_ =	shalt  }
0x5e: {  	_ =	shalt  }
0x5f: {  	_ =	shalt  }
0x60: {  	_ =	shalt  }
0x61: {  	_ =	shalt  }
0x62: {  	_ =	shalt  }
0x63: {  	_ =	shalt  }
0x64: {  	_ =	shalt  }
0x65: {  	_ =	shalt  }
0x66: {  	_ =	shalt  }
0x67: {  	_ =	shalt  }
0x68: {  	_ =	shalt  }
0x69: {  	_ =	shalt  }
0x6a: {  	_ =	shalt  }
0x6b: {  	_ =	shalt  }
0x6c: {  	_ =	shalt  }
0x6d: {  	_ =	shalt  }
0x6e: {  	_ =	shalt  }
0x6f: {  	_ =	shalt  }
0x70: {  	_ =	shalt  }
0x71: {  	_ =	shalt  }
0x72: {  	_ =	shalt  }
0x73: {  	_ =	shalt  }
0x74: {  	_ =	shalt  }
0x75: {  	_ =	shalt  }
0x76: {  	_ =	shalt  }
0x77: {  	_ =	shalt  }
0x78: {  	_ =	shalt  }
0x79: {  	_ =	shalt  }
0x7a: {  	_ =	shalt  }
0x7b: {  	_ =	shalt  }
0x7c: {  	_ =	shalt  }
0x7d: {  	_ =	shalt  }
0x7e: {  	_ =	shalt  }
0x7f: {  	_ =	shalt  }
0x80: {  	_ =	shalt  }
0x81: {  	_ =	shalt  }
0x82: {  	_ =	shalt  }
0x83: {  	_ =	shalt  }
0x84: {  	_ =	shalt  }
0x85: {  	_ =	shalt  }
0x86: {  	_ =	shalt  }
0x87: {  	_ =	shalt  }
.Lfunc_end0:
.L_simem_size_0:
called_computation.1_lowered:
.L_overlay_start_0:
0x88: {  	s2 =	sld [smem:$0x3FD9]  }
0x89: {  	s3 =	sld [smem:$0x3FFE];
	_ =	sdelay $0x1  }
0x8a: {  	s1 =	srdreg.scid  }
0x8b: {  	s0 =	sand.u32 $0x1, s1  }
0x8c: {  	s17 =	sshll.u32 s0, $0xA;
	s2 =	sadd.s32 s3, s2  }
0x8d: {  	s2 =	sadd.s32 s2, s17  }
0x8e: {  	[smem:$0x3FC0] =	sst s2  }
0x8f: {  	_ = 	snop  }
0x90: {  	(tm) =	ssettm $0x1  }
0x91: {  	s18 =	sld [smem:$0x3FFB];
	_ =	sdelay $0x3  }
0x92: {  	_ =	strace s18  }
0x93: {  	s2 =	sld [smem:$0x3FFC];
	_ =	sdelay $0x3  }
0x94: {  	_ =	strace s2  }
0x95: {  	s2 =	sld [smem:$0x3FFD];
	_ =	sdelay $0x3  }
0x96: {  	_ =	strace s2  }
0x97: {  	_ =	strace $0x8FFFFFFF  }
0x98: {  	s19 =	sld [smem:$0x3FDB];
	_ =	sdelay $0x1  }
0x99: {  	s20 =	simm.s32 $_scs_section_size  }
0x9a: {  	s4 =	simm.s32 $_size__tile_overlayer_lowered;
	s5 =	simm.s32 $_tile_overlayer_lowered  }
0x9b: {  	s6 =	simm.s32 $0x1BFF;
	s21 =	sshll.u32 s5, $0x1;
	s3 =	sadd.s32 s20, s19  }
0x9c: {  	s22 =	simm.s32 $0x0;
	s4 =	sshll.u32 s4, $0x1;
	s5 =	sadd.s32 s21, s3  }
0x9d: {  	[timem:s22], [sflag:s6] =	dma.local [hbm:s5], s4  }
0x9e: {  	_ =	swait.ge [sflag:s6], s4  }
0x9f: {  	s4 =	ssub.s32 $0x0, s4;
	[sflag:s6] =	ssyncset.done $0x0  }
0xa0: {  	[sflag:s6] =	ssyncadd.s32 s4;
	_ =	sdelay $0x1  }
0xa1: {  	s23 =	simm.s32 $0x1B8B  }
0xa2: {  	_ =	swait.ge [sflag:s23], $0x1  }
0xa3: {  	[sflag:s23] =	ssyncset.done $0x0  }
0xa4: {  	[sflag:s23] =	ssyncadd.s32 $0xFFFFFFFF  }
0xa5: {  	s4 =	sld [smem:$0x0]  }
0xa6: {  	s5 =	sand.u32 $0xFFFFFFFE, s1  }
0xa7: {  	p0 =	sne.s32 s1, s5  }
0xa8: {  	s5 =	sshll.u32 @p0 s5, $0xE  }
0xa9: {  	s5 =	sadd.s32 @p0 $0x11B8D, s5;
	s6 =	sshll.u32 @p0 s4, $0x11  }
0xaa: {  	s5 =	sor.u32 @p0 s6, s5  }
0xab: {  	[sflag:s5] =	ssyncadd.remote.s32 @p0 $0x1;
	_ =	sdelay $0x1  }
0xac: {  	s5 =	simm.s32 @p0 $0x1B8D  }
0xad: {  	_ =	swait.eq @p0 [sflag:s5], $0x1  }
0xae: {  	[sflag:s5] =	ssyncadd.s32 @p0 $0xFFFFFFFF  }
0xaf: {  	s6 =	sshll.u32 @!p0 s1, $0xE  }
0xb0: {  	s6 =	sor.u32 @!p0 $0x4000, s6;
	s5 =	simm.s32 @!p0 $0x1B8D  }
0xb1: {  	s4 =	sshll.u32 @!p0 s4, $0x11;
	s6 =	sadd.s32 @!p0 $0x11B8D, s6;
	_ =	swait.eq @!p0 [sflag:s5], $0x1  }
0xb2: {  	s4 =	sor.u32 @!p0 s4, s6;
	[sflag:s5] =	ssyncadd.s32 @!p0 $0xFFFFFFFF  }
0xb3: {  	s25 =	simm.s32 $0x1B8E;
	s24 =	sld [smem:$0x3FFE];
	[sflag:s4] =	ssyncadd.remote.s32 @!p0 $0x1  }
0xb4: {  	s26 =	simm.s32 $execute0_lowered;
	[smem:$0x3FD2] =	sst s25  }
0xb5: {  	s5 =	sshll.u32 s26, $0x1;
	_ =	strace $0x8000004C;
	[dreg:$0x1] =	wrdreg $0xFFFFFFFF  }
0xb6: {  	s28 =	simm.s32 $_size_execute0_lowered;
	s3 =	sadd.s32 s3, s5;
	[dreg:$0x0] =	wrdreg $0x0  }
0xb7: {  	s5 =	sshll.u32 s28, $0x1;
	[dreg:$0x2] =	wrdreg s3  }
0xb8: {  	[dreg:$0x3] =	wrdreg s5  }
0xb9: {  	[dreg:$0x4] =	wrdreg $0xC0  }
0xba: {  	_ =	task [dreg:s22], $0x5FFFF  }
0xbb: {  	[dreg:$0x1] =	wrdreg $0xFFFFFFFF  }
0xbc: {  	[dreg:$0x0] =	wrdreg $0x60  }
0xbd: {  	[dreg:$0x2] =	wrdreg s24  }
0xbe: {  	[dreg:$0x3] =	wrdreg $0x58000  }
0xbf: {  	[dreg:$0x4] =	wrdreg $0x9  }
0xc0: {  	_ =	task.clear_ibuf [dreg:s22], $0x5FFFF;
	_ =	strace $0x9000004C  }
0xc1: {  	s29 =	simm.s32 $0x9;
	_ =	strace $0x8000004E  }
0xc2: {  	_ =	swait.ge [sflag:s29], $0x1  }
0xc3: {  	[sflag:s29] =	ssyncadd.s32 $0xFFFFFFFF  }
0xc4: {  	_ =	strace $0x9000004E  }
0xc5: {  	_ =	sfence  }
0xc6: {  	s30 =	sld [smem:$0x0];
	_ =	sdelay $0x2  }
0xc7: {  	s31 =	sshll.u32 s1, $0xD;
	s1 =	sshrl.u32 s1, $0x2  }
0xc8: {  	s4 =	sand.u32 $0x4000, s31;
	s1 =	sadd.s32 s1, s30  }
0xc9: {  	s0 =	sor.u32 s4, s0;
	s1 =	sshll.u32 s1, $0x11  }
0xca: {  	s0 =	sor.u32 s1, s0  }
0xcb: {  	s0 =	sadd.s32 $0x8F2B, s0  }
0xcc: {  	[sflag:s0] =	ssyncadd.remote.s32 $0x1  }
0xcd: {  	_ =	sfence.sel $0xFFFF  }
0xce: {  	[dreg:$0x0] =	wrdreg $0xFFFFFFFF;
	(pc) =	sbr.abs _section_cstart, $3  }
0xcf: {  	[dreg:$0x1] =	wrdreg $0xFFFFFFFF  }
0xd0: {  	_ =	task.clear_ibuf [dreg:s22], $0x2FFFF;
	_ =	strace $0x9FFFFFFF  }
0xd1: {  	(tm) =	ssettm $0x7FFFFFFF  }
tec
execute0_lowered:
.L_overlay_start_1:
0x0: {  	(tag) =	ssettag $0x1  }
0x1: {  	s0 =	srdreg.scid  }
0x2: {  	s6 =	rddreg [dreg:$0x0];
	s5 =	sand.u32 $0x1, s0;
	s0 =	stileid.u32  }
0x3: {  	s2 =	rddreg [dreg:$0x1];
	s3 =	simm.s32 $0x0;
	s8 =	smul.u32 $0xC00, s0  }
0x4: {  	s14 =	simm.s32 $0x80;
	s15 =	simm.s32 $0x1800;
	s9 =	smul.u32 $0x2800, s0  }
0x5: {  	s16 =	simm.s32 $0x1;
	[smem:$0x7FF] =	sst s3;
	s10 =	smul.u32 $0x28000, s5  }
0x6: {  	s1 =	sshll.u32 s5, $0x4;
	s28 =	smul.u32 $0x50000, s0;
	s5 =	ssub.s32 $0x2, s5  }
0x7: {  	s31 =	sshll.u32 s0, $0x6;
	s4 =	sor.u32 s0, s1;
	s1 =	rddreg [dreg:$0x2]  }
0x8: {  	_ =	strace $0x8000004D;
	s29 =	sshrl.u32 s5, $0x1;
	s7 =	smul.u32 $0xC00, s4  }
0x9: {  	s4 =	sadd.s32 $0x105E00, s6;
	s26 =	sadd.s32 s8, s6;
	s12 =	sadd.s32 s9, s6  }
0xa: {  	s9 =	sadd.s32 s9, s10;
	s8 =	sshrl.u32 s28, $0x2;
	s30 =	ssub.s32 s5, s29  }
0xb: {  	s9 =	sadd.s32 s9, s6;
	s13 =	sadd.s32 s8, s2;
	s5 =	sadd.s32 $0x38C00, s12  }
0xc: {  	s10 =	smax.u32 s30, $0x1;
	s12 =	simm.s32 $0x2;
	s11 =	sadd.s32 s7, s6  }
0xd: {  	s6 =	sor.u32 $0x1C02, s31;
	s7 =	sadd.s32 $0xBAC00, s26;
	s9 =	sadd.s32 $0x154000, s9  }
0xe: {  	s8 =	sadd.s32 $0xC6C00, s11;
	s11 =	sshrl.u32 s13, $0x3;
	s13 =	simm.s32 $0xC00  }
.LBB2_1:
0xf: {  	[spmem:s11], [sflag:s6] =	dma.local [hbm:s5], $0x2800  }
0x10: {  	_ =	swait.ge [sflag:s12], $0x2800  }
0x11: {  	[sflag:s12] =	ssyncset.done $0x0  }
0x12: {  	[sflag:s12] =	ssyncadd.s32 $0xFFFFD800  }
0x13: {  	s17 =	simm.s32 $0x0;
	[bflag:$0x0] =	sbarrier.arrive $0xFFFF  }
.LBB2_2:
0x14: {  	s18 =	smul.u32 $0x180, s17;
	_ =	sdelay $0x1  }
0x15: {  	s20 =	simm.s32 $0x0;
	s19 =	sadd.s32 s18, s7  }
0x16: {  	[tilespmem:s13], [sflag:$0x2] =	stream.linear.gather [hbm4b:s19+s20], $0xA00, $0x38;
	[tilespmem:$0x19800] =	vst v63  }
0x17: {  	_ =	swait.ge [sflag:s12], $0xA00  }
0x18: {  	[sflag:s12] =	ssyncset.done $0x0  }
0x19: {  	s18 =	sadd.s32 s18, s8;
	[sflag:s12] =	ssyncadd.s32 $0xFFFFF600  }
0x1a: {  	[tilespmem:s20], [sflag:$0x2] =	stream.linear.gather [hbm4b:s18+s20], $0xA00, $0x38;
	[tilespmem:$0x19800] =	vst v63  }
0x1b: {  	_ =	swait.ge [sflag:s12], $0xA00  }
0x1c: {  	[sflag:s12] =	ssyncset.done $0x0  }
0x1d: {  	s30 =	simm.s32 $0x0;
	[sflag:s12] =	ssyncadd.s32 $0xFFFFF600  }
0x1e: {  	[tilespmem:s15], [sflag:$0x1] =	stream.indirect.gather [hbm4b:s4+s14], $0x80, s30, s14, $0xb8;
	[tilespmem:$0x19800] =	vst v63  }
0x1f: {  	_ =	swait.ge [sflag:s16], $0x4000  }
0x20: {  	[sflag:s16] =	ssyncset.done $0x0  }
0x21: {  	s31 =	simm.s32 $0xC00;
	[sflag:s16] =	ssyncadd.s32 $0xFFFFC000  }
0x22: {  	[spmem:s2] =	stream.indirect.scatter.add.f32 [tilespmem:s15], [sflag:$0x2], $0x80, s31, s14, $0xb8;
	[tilespmem:$0x19800] =	vst v63  }
0x23: {  	_ =	swait.ge [sflag:s12], $0x4000  }
0x24: {  	s19 =	simm.s32 $0x400;
	s18 =	simm.s32 $0x200;
	[sflag:s12] =	ssyncset.done $0x0  }
.LBB2_3:
0x25: {  	s20 =	sshra.s32 s18, $0x2  }
0x26: {  	[sflag:s12] =	ssyncadd.s32 $0xFFFFC000;
	s18 =	smov.u32 s19;
	s21 =	sadd.s32 $0x200, s19  }
0x27: {  	[tilespmem:s15], [sflag:$0x1] =	stream.indirect.gather [hbm4b:s4+s14], $0x80, s20, s14, $0xb8;
	[tilespmem:$0x19800] =	vst v63  }
0x28: {  	p0 =	sne.s32 s19, $0x2600;
	_ =	swait.ge [sflag:s16], $0x4000  }
.Ltmp0:
0x29: {  	[sflag:s16] =	ssyncset.done $0x0;
	(pc) =	sbr.rel @p0 .LBB2_3-.Ltmp0, $4  }
0x2a: {  	s19 =	sadd.s32 $0xC00, s20;
	[sflag:s16] =	ssyncadd.s32 $0xFFFFC000  }
0x2b: {  	[spmem:s2] =	stream.indirect.scatter.add.f32 [tilespmem:s15], [sflag:$0x2], $0x80, s19, s14, $0xb8;
	[tilespmem:$0x19800] =	vst v63  }
0x2c: {  	_ =	swait.ge [sflag:s12], $0x4000  }
0x2d: {  	s19 =	smov.u32 s21;
	[sflag:s12] =	ssyncset.done $0x0  }
0x2e: {  	s18 =	sshra.s32 s18, $0x2;
	[sflag:s12] =	ssyncadd.s32 $0xFFFFC000  }
0x2f: {  	[tilespmem:s15], [sflag:$0x1] =	stream.indirect.gather [hbm4b:s4+s14], $0x80, s18, s14, $0xb8;
	[tilespmem:$0x19800] =	vst v63  }
0x30: {  	s17 =	sadd.s32 $0x1, s17;
	_ =	swait.ge [sflag:s16], $0x4000  }
0x31: {  	p0 =	sne.s32 s17, $0x8;
	[sflag:s16] =	ssyncset.done $0x0  }
.Ltmp1:
0x32: {  	s18 =	sadd.s32 $0xC00, s18;
	[sflag:s16] =	ssyncadd.s32 $0xFFFFC000;
	(pc) =	sbr.rel @p0 .LBB2_2-.Ltmp1, $4  }
0x33: {  	[spmem:s2] =	stream.indirect.scatter.add.f32 [tilespmem:s15], [sflag:$0x2], $0x80, s18, s14, $0xb8;
	[tilespmem:$0x19800] =	vst v63  }
0x34: {  	_ =	swait.ge [sflag:s12], $0x4000  }
0x35: {  	[sflag:s12] =	ssyncset.done $0x0  }
0x36: {  	[sflag:s12] =	ssyncadd.s32 $0xFFFFC000  }
0x37: {  	s3 =	sadd.s32 $0x1, s3  }
0x38: {  	p0 =	sne.s32 s3, s10  }
.Ltmp2:
0x39: {  	[bflag:$0x0] =	sbarrier.arrive $0xFFFF;
	(pc) =	sbr.rel @p0 .LBB2_1-.Ltmp2, $4  }
0x3a: {  	[hbm:s9], [sflag:s6] =	dma.local [spmem:s11], $0x2800  }
0x3b: {  	_ =	swait.ge [sflag:s12], $0x2800  }
0x3c: {  	[sflag:s12] =	ssyncset.done $0x0  }
0x3d: {  	[sflag:s12] =	ssyncadd.s32 $0xFFFFD800  }
0x3e: {  	_ =	sfence.sel $0x180000  }
0x3f: {  	[bflag:$0x0] =	sbarrier.arrive $0xFFFF  }
0x40: {  	p0 =	sne.s32 s0, $0x0;
	_ =	strace $0x9000004D  }
0x41: {  	s0 =	sadd.s32 @!p0 $0x100000, s1;
	[bflag:$0x2] =	sbarrier.arrive $0xFFFF  }
0x42: {  	[sflag:s0] =	ssyncadd.tile.s32 @!p0 $0x1;
	_ =	shalt  }
.Lfunc_end2:
_tile_overlayer_lowered:
.L_overlay_start_2:
0x43: {  	(tag) =	ssettag $0x2  }
0x44: {  	s0 =	rddreg [dreg:$0x0];
	s2 =	stileid.u32  }
0x45: {  	s1 =	rddreg [dreg:$0x1];
	p0 =	sne.s32 s2, $0x0  }
0x46: {  	s3 =	rddreg [dreg:$0x2];
	[bflag:$0x3] =	sbarrier.arrive $0xFFFF;
	s2 =	simm.s32 @!p0 $0x1C02  }
0x47: {  	[timem:s3], [sflag:s2] =	dma.local @!p0 [hbm:s0], s1  }
0x48: {  	s0 =	simm.s32 @!p0 $0x2  }
0x49: {  	_ =	swait.ge @!p0 [sflag:s0], s1  }
0x4a: {  	s1 =	ssub.s32 @!p0 $0x0, s1;
	[sflag:s0] =	ssyncset.done @!p0 $0x0  }
0x4b: {  	[sflag:s0] =	ssyncadd.s32 @!p0 s1  }
0x4c: {  	[bflag:$0x3] =	sbarrier.arrive $0xFFFF  }
0x4d: {  	_ =	shalt  }

// kernel: kernel.22.cloned.1.call-start
scs
__scs_entry_jumppad:
0x0: {  	(pc) =	sbr.rel $0x88, $3  }
0x1: {  	(tag) =	ssettag $0x0;
	lr =	simm.s32 $0x1  }
0x2: {  	[smem:$0x3F99] =	sst lr;
	_ =	strace $0xD0000000  }
0x3: {  	_ = 	snop  }
0x4: {  	_ = 	snop  }
0x5: {  	_ = 	snop  }
0x6: {  	_ = 	snop  }
0x7: {  	_ = 	snop  }
__scs_overlays_trampoline_lowered:
0x8: {  	[smem:$0x3FA8] =	sst s0  }
0x9: {  	[smem:$0x3FA9] =	sst s1  }
0xa: {  	[smem:$0x3FAA] =	sst s2  }
0xb: {  	[smem:$0x3FAB] =	sst s3  }
0xc: {  	[smem:$0x3FAC] =	sst s4  }
0xd: {  	[smem:$0x3FAD] =	sst s5  }
0xe: {  	[smem:$0x3FAE] =	sst s6  }
0xf: {  	[smem:$0x3FAF] =	sst s7  }
0x10: {  	[smem:$0x3FB0] =	sst s8  }
0x11: {  	[smem:$0x3FB1] =	sst s9;
	s0 =	simm.s32 @!p0 $0x0  }
0x12: {  	s1 =	sld [smem:$0x3F97];
	s0 =	simm.s32 @p0 $0x1  }
0x13: {  	[smem:$0x3FB2] =	sst s0;
	s0 =	simm.s32 @!p1 $0x0  }
0x14: {  	s2 =	sld [smem:$0x3F96];
	s0 =	simm.s32 @p1 $0x1  }
0x15: {  	[smem:$0x3FB3] =	sst s0;
	s0 =	simm.s32 @!p2 $0x0  }
0x16: {  	s3 =	sld [smem:$0x3FDB];
	s0 =	simm.s32 @p2 $0x1  }
0x17: {  	s4 =	simm.s32 $0x1BF5;
	[smem:$0x3FB5] =	sst s0  }
0x18: {  	s0 =	sld [smem:$0x3F98];
	_ =	swait.ge [sflag:s4], $0x0  }
0x19: {  	s7 =	sld [smem:$0x3F99]  }
0x1a: {  	s8 =	sadd.s32 $0xFFFFE003, lr  }
0x1b: {  	s9 =	sadd.s32 $0xFFFFFEF7, lr;
	s5 =	simm.s32 $0xFFFFFFFF;
	p2 =	slt.u32 s8, $0xFFFFF086  }
0x1c: {  	p1 =	slt.u32 s9, $0xF7A;
	s5 =	simm.s32 @!p2 $0x0  }
0x1d: {  	s5 =	simm.s32 @p1 $0x1;
	p0 =	seq.s32 s7, s2  }
0x1e: {  	s7 =	smul.u32 @!p0 $0xF7A, s2;
	p2 =	seq.s32 @!p0 s5, $0x0  }
0x1f: {  	s9 =	smul.u32 $0xF7A, s1;
	s8 =	simm.s32 @!p0 $0x1BF5;
	p2 =	por !p2, p0  }
0x20: {  	[sflag:s8] =	ssyncset.s32 @!p0 $0xFFFFF086;
	s6 =	sadd.s32 @!p0 s3, s7;
	s7 =	simm.s32 @!p0 $0x108  }
0x21: {  	s3 =	sadd.s32 s3, s9;
	s6 =	sadd.s32 @!p0 $0x88, s6;
	s7 =	simm.s32 @p2 $0x1082  }
0x22: {  	[simem:s7], [sflag:s8] =	dma.local @!p0 [hbm:s6], $0xF7A  }
0x23: {  	s9 =	sor.u32 $0xD0000000, s2;
	s6 =	simm.s32 $0x108;
	_ =	swait.ge @!p0 [sflag:s8], $0x0  }
0x24: {  	s3 =	sadd.s32 $0x88, s3;
	s6 =	simm.s32 @!p1 $0x1082;
	[sflag:s4] =	ssyncset.s32 $0xFFFFF086  }
0x25: {  	[simem:s6], [sflag:s4] =	dma.local [hbm:s3], $0xF7A  }
0x26: {  	[smem:$0x3F99] =	sst s1;
	(tag) =	ssettag s2;
	_ =	strace s9  }
0x27: {  	s1 =	sld [smem:$0x3FA9]  }
0x28: {  	s2 =	sld [smem:$0x3FAA]  }
0x29: {  	s4 =	sld [smem:$0x3FAC]  }
0x2a: {  	p0 =	seq.s32 s5, $0x0;
	s5 =	sld [smem:$0x3FAD]  }
0x2b: {  	s6 =	sld [smem:$0x3FAE]  }
0x2c: {  	s7 =	sld [smem:$0x3FAF]  }
0x2d: {  	s3 =	simm.s32 $0x108;
	s8 =	sld [smem:$0x3FB0]  }
0x2e: {  	s3 =	simm.s32 @!p0 $0x1082;
	s9 =	sld [smem:$0x3FB1]  }
0x2f: {  	lr =	sadd.s32 s0, s3;
	s0 =	sld [smem:$0x3FA8]  }
0x30: {  	s3 =	sld [smem:$0x3FAB]  }
0x31: {  	[smem:$0x3FB4] =	sst s10  }
0x32: {  	s10 =	sld [smem:$0x3FB2];
	_ =	sdelay $0x3  }
0x33: {  	p0 =	seq.s32 s10, $0x1;
	s10 =	sld [smem:$0x3FB4];
	_ =	sdelay $0x3  }
0x34: {  	[smem:$0x3FB4] =	sst s10  }
0x35: {  	s10 =	sld [smem:$0x3FB3];
	_ =	sdelay $0x3  }
0x36: {  	p1 =	seq.s32 s10, $0x1;
	s10 =	sld [smem:$0x3FB4];
	_ =	sdelay $0x3  }
0x37: {  	[smem:$0x3FB4] =	sst s10  }
0x38: {  	s10 =	sld [smem:$0x3FB5]  }
0x39: {  	_ = 	snop;
	(pc) =	sbr.ind lr, $3  }
0x3a: {  	_ = 	snop  }
0x3b: {  	_ = 	snop  }
0x3c: {  	p2 =	seq.s32 s10, $0x1;
	s10 =	sld [smem:$0x3FB4]  }
0x3d: {  	_ =	shalt  }
0x3e: {  	_ =	shalt  }
0x3f: {  	_ =	shalt  }
0x40: {  	_ =	shalt  }
0x41: {  	_ =	shalt  }
0x42: {  	_ =	shalt  }
0x43: {  	_ =	shalt  }
0x44: {  	_ =	shalt  }
0x45: {  	_ =	shalt  }
0x46: {  	_ =	shalt  }
0x47: {  	_ =	shalt  }
0x48: {  	_ =	shalt  }
0x49: {  	_ =	shalt  }
0x4a: {  	_ =	shalt  }
0x4b: {  	_ =	shalt  }
0x4c: {  	_ =	shalt  }
0x4d: {  	_ =	shalt  }
0x4e: {  	_ =	shalt  }
0x4f: {  	_ =	shalt  }
0x50: {  	_ =	shalt  }
0x51: {  	_ =	shalt  }
0x52: {  	_ =	shalt  }
0x53: {  	_ =	shalt  }
0x54: {  	_ =	shalt  }
0x55: {  	_ =	shalt  }
0x56: {  	_ =	shalt  }
0x57: {  	_ =	shalt  }
0x58: {  	_ =	shalt  }
0x59: {  	_ =	shalt  }
0x5a: {  	_ =	shalt  }
0x5b: {  	_ =	shalt  }
0x5c: {  	_ =	shalt  }
0x5d: {  	_ =	shalt  }
0x5e: {  	_ =	shalt  }
0x5f: {  	_ =	shalt  }
0x60: {  	_ =	shalt  }
0x61: {  	_ =	shalt  }
0x62: {  	_ =	shalt  }
0x63: {  	_ =	shalt  }
0x64: {  	_ =	shalt  }
0x65: {  	_ =	shalt  }
0x66: {  	_ =	shalt  }
0x67: {  	_ =	shalt  }
0x68: {  	_ =	shalt  }
0x69: {  	_ =	shalt  }
0x6a: {  	_ =	shalt  }
0x6b: {  	_ =	shalt  }
0x6c: {  	_ =	shalt  }
0x6d: {  	_ =	shalt  }
0x6e: {  	_ =	shalt  }
0x6f: {  	_ =	shalt  }
0x70: {  	_ =	shalt  }
0x71: {  	_ =	shalt  }
0x72: {  	_ =	shalt  }
0x73: {  	_ =	shalt  }
0x74: {  	_ =	shalt  }
0x75: {  	_ =	shalt  }
0x76: {  	_ =	shalt  }
0x77: {  	_ =	shalt  }
0x78: {  	_ =	shalt  }
0x79: {  	_ =	shalt  }
0x7a: {  	_ =	shalt  }
0x7b: {  	_ =	shalt  }
0x7c: {  	_ =	shalt  }
0x7d: {  	_ =	shalt  }
0x7e: {  	_ =	shalt  }
0x7f: {  	_ =	shalt  }
0x80: {  	_ =	shalt  }
0x81: {  	_ =	shalt  }
0x82: {  	_ =	shalt  }
0x83: {  	_ =	shalt  }
0x84: {  	_ =	shalt  }
0x85: {  	_ =	shalt  }
0x86: {  	_ =	shalt  }
0x87: {  	_ =	shalt  }
.Lfunc_end0:
.L_simem_size_0:
called_computation.2_lowered:
.L_overlay_start_0:
0x88: {  	s2 =	sld [smem:$0x3FD9]  }
0x89: {  	s3 =	sld [smem:$0x3FFE];
	_ =	sdelay $0x1  }
0x8a: {  	s1 =	srdreg.scid  }
0x8b: {  	s0 =	sand.u32 $0x1, s1  }
0x8c: {  	s17 =	sshll.u32 s0, $0xA;
	s2 =	sadd.s32 s3, s2  }
0x8d: {  	s2 =	sadd.s32 s2, s17  }
0x8e: {  	[smem:$0x3FC0] =	sst s2  }
0x8f: {  	_ = 	snop  }
0x90: {  	(tm) =	ssettm $0x1  }
0x91: {  	s18 =	sld [smem:$0x3FFB];
	_ =	sdelay $0x3  }
0x92: {  	_ =	strace s18  }
0x93: {  	s2 =	sld [smem:$0x3FFC];
	_ =	sdelay $0x3  }
0x94: {  	_ =	strace s2  }
0x95: {  	s2 =	sld [smem:$0x3FFD];
	_ =	sdelay $0x3  }
0x96: {  	_ =	strace s2  }
0x97: {  	_ =	strace $0x8FFFFFFF  }
0x98: {  	s19 =	sld [smem:$0x3FDB];
	_ =	sdelay $0x1  }
0x99: {  	s20 =	simm.s32 $_scs_section_size  }
0x9a: {  	s4 =	simm.s32 $_size__tile_overlayer_lowered;
	s5 =	simm.s32 $_tile_overlayer_lowered  }
0x9b: {  	s6 =	simm.s32 $0x1BFF;
	s21 =	sshll.u32 s5, $0x1;
	s3 =	sadd.s32 s20, s19  }
0x9c: {  	s22 =	simm.s32 $0x0;
	s4 =	sshll.u32 s4, $0x1;
	s5 =	sadd.s32 s21, s3  }
0x9d: {  	[timem:s22], [sflag:s6] =	dma.local [hbm:s5], s4  }
0x9e: {  	_ =	swait.ge [sflag:s6], s4  }
0x9f: {  	s4 =	ssub.s32 $0x0, s4;
	[sflag:s6] =	ssyncset.done $0x0  }
0xa0: {  	[sflag:s6] =	ssyncadd.s32 s4;
	_ =	sdelay $0x1  }
0xa1: {  	s23 =	simm.s32 $0x1B8B  }
0xa2: {  	_ =	swait.ge [sflag:s23], $0x1  }
0xa3: {  	[sflag:s23] =	ssyncset.done $0x0  }
0xa4: {  	[sflag:s23] =	ssyncadd.s32 $0xFFFFFFFF  }
0xa5: {  	s4 =	sld [smem:$0x0]  }
0xa6: {  	s5 =	sand.u32 $0xFFFFFFFE, s1  }
0xa7: {  	p0 =	sne.s32 s1, s5  }
0xa8: {  	s5 =	sshll.u32 @p0 s5, $0xE  }
0xa9: {  	s5 =	sadd.s32 @p0 $0x11B8D, s5;
	s6 =	sshll.u32 @p0 s4, $0x11  }
0xaa: {  	s5 =	sor.u32 @p0 s6, s5  }
0xab: {  	[sflag:s5] =	ssyncadd.remote.s32 @p0 $0x1;
	_ =	sdelay $0x1  }
0xac: {  	s5 =	simm.s32 @p0 $0x1B8D  }
0xad: {  	_ =	swait.eq @p0 [sflag:s5], $0x1  }
0xae: {  	[sflag:s5] =	ssyncadd.s32 @p0 $0xFFFFFFFF  }
0xaf: {  	s6 =	sshll.u32 @!p0 s1, $0xE  }
0xb0: {  	s6 =	sor.u32 @!p0 $0x4000, s6;
	s5 =	simm.s32 @!p0 $0x1B8D  }
0xb1: {  	s4 =	sshll.u32 @!p0 s4, $0x11;
	s6 =	sadd.s32 @!p0 $0x11B8D, s6;
	_ =	swait.eq @!p0 [sflag:s5], $0x1  }
0xb2: {  	s4 =	sor.u32 @!p0 s4, s6;
	[sflag:s5] =	ssyncadd.s32 @!p0 $0xFFFFFFFF  }
0xb3: {  	s25 =	simm.s32 $0x1B8E;
	s24 =	sld [smem:$0x3FFE];
	[sflag:s4] =	ssyncadd.remote.s32 @!p0 $0x1  }
0xb4: {  	s26 =	simm.s32 $execute0_lowered;
	[smem:$0x3FD2] =	sst s25  }
0xb5: {  	s5 =	sshll.u32 s26, $0x1;
	_ =	strace $0x80000052;
	[dreg:$0x1] =	wrdreg $0xFFFFFFFF  }
0xb6: {  	s28 =	simm.s32 $_size_execute0_lowered;
	s3 =	sadd.s32 s3, s5;
	[dreg:$0x0] =	wrdreg $0x0  }
0xb7: {  	s5 =	sshll.u32 s28, $0x1;
	[dreg:$0x2] =	wrdreg s3  }
0xb8: {  	[dreg:$0x3] =	wrdreg s5  }
0xb9: {  	[dreg:$0x4] =	wrdreg $0xC0  }
0xba: {  	_ =	task [dreg:s22], $0x5FFFF  }
0xbb: {  	[dreg:$0x1] =	wrdreg $0xFFFFFFFF  }
0xbc: {  	[dreg:$0x0] =	wrdreg $0x60  }
0xbd: {  	[dreg:$0x2] =	wrdreg s24  }
0xbe: {  	[dreg:$0x3] =	wrdreg $0x58000  }
0xbf: {  	[dreg:$0x4] =	wrdreg $0x9  }
0xc0: {  	_ =	task.clear_ibuf [dreg:s22], $0x5FFFF;
	_ =	strace $0x90000052  }
0xc1: {  	s29 =	simm.s32 $0x9;
	_ =	strace $0x80000054  }
0xc2: {  	_ =	swait.ge [sflag:s29], $0x1  }
0xc3: {  	[sflag:s29] =	ssyncadd.s32 $0xFFFFFFFF  }
0xc4: {  	_ =	strace $0x90000054  }
0xc5: {  	_ =	sfence  }
0xc6: {  	s30 =	sld [smem:$0x0];
	_ =	sdelay $0x2  }
0xc7: {  	s31 =	sshll.u32 s1, $0xD;
	s1 =	sshrl.u32 s1, $0x2  }
0xc8: {  	s4 =	sand.u32 $0x4000, s31;
	s1 =	sadd.s32 s1, s30  }
0xc9: {  	s0 =	sor.u32 s4, s0;
	s1 =	sshll.u32 s1, $0x11  }
0xca: {  	s0 =	sor.u32 s1, s0  }
0xcb: {  	s0 =	sadd.s32 $0x8F2B, s0  }
0xcc: {  	[sflag:s0] =	ssyncadd.remote.s32 $0x1  }
0xcd: {  	_ =	sfence.sel $0xFFFF  }
0xce: {  	[dreg:$0x0] =	wrdreg $0xFFFFFFFF;
	(pc) =	sbr.abs _section_cstart, $3  }
0xcf: {  	[dreg:$0x1] =	wrdreg $0xFFFFFFFF  }
0xd0: {  	_ =	task.clear_ibuf [dreg:s22], $0x2FFFF;
	_ =	strace $0x9FFFFFFF  }
0xd1: {  	(tm) =	ssettm $0x7FFFFFFF  }
tec
execute0_lowered:
.L_overlay_start_1:
0x0: {  	(tag) =	ssettag $0x1  }
0x1: {  	s0 =	srdreg.scid  }
0x2: {  	s6 =	rddreg [dreg:$0x0];
	s5 =	sand.u32 $0x1, s0;
	s0 =	stileid.u32  }
0x3: {  	s2 =	rddreg [dreg:$0x1];
	s3 =	simm.s32 $0x0;
	s8 =	smul.u32 $0xC00, s0  }
0x4: {  	s14 =	simm.s32 $0x80;
	s15 =	simm.s32 $0x1800;
	s9 =	smul.u32 $0x2800, s0  }
0x5: {  	s16 =	simm.s32 $0x1;
	[smem:$0x7FF] =	sst s3;
	s10 =	smul.u32 $0x28000, s5  }
0x6: {  	s4 =	sadd.s32 $0xDEC00, s6;
	s1 =	sshll.u32 s5, $0x4;
	s28 =	smul.u32 $0x50000, s0  }
0x7: {  	s5 =	ssub.s32 $0x2, s5;
	s31 =	sshll.u32 s0, $0x6;
	s1 =	sor.u32 s0, s1  }
0x8: {  	s29 =	sshrl.u32 s5, $0x1;
	s7 =	smul.u32 $0xC00, s1;
	s1 =	rddreg [dreg:$0x2]  }
0x9: {  	_ =	strace $0x80000053;
	s26 =	sadd.s32 s8, s6;
	s12 =	sadd.s32 s9, s6  }
0xa: {  	s9 =	sadd.s32 s9, s10;
	s8 =	sshrl.u32 s28, $0x2;
	s30 =	ssub.s32 s5, s29  }
0xb: {  	s9 =	sadd.s32 s9, s6;
	s13 =	sadd.s32 s8, s2;
	s5 =	sadd.s32 $0x38C00, s12  }
0xc: {  	s10 =	smax.u32 s30, $0x1;
	s12 =	simm.s32 $0x2;
	s11 =	sadd.s32 s7, s6  }
0xd: {  	s6 =	sor.u32 $0x1C02, s31;
	s7 =	sadd.s32 $0xBAC00, s26;
	s9 =	sadd.s32 $0x12CE00, s9  }
0xe: {  	s8 =	sadd.s32 $0xC6C00, s11;
	s11 =	sshrl.u32 s13, $0x3;
	s13 =	simm.s32 $0xC00  }
.LBB2_1:
0xf: {  	[spmem:s11], [sflag:s6] =	dma.local [hbm:s5], $0x2800  }
0x10: {  	_ =	swait.ge [sflag:s12], $0x2800  }
0x11: {  	[sflag:s12] =	ssyncset.done $0x0  }
0x12: {  	[sflag:s12] =	ssyncadd.s32 $0xFFFFD800  }
0x13: {  	s17 =	simm.s32 $0x0;
	[bflag:$0x0] =	sbarrier.arrive $0xFFFF  }
.LBB2_2:
0x14: {  	s18 =	smul.u32 $0x180, s17;
	_ =	sdelay $0x1  }
0x15: {  	s20 =	simm.s32 $0x0;
	s19 =	sadd.s32 s18, s7  }
0x16: {  	[tilespmem:s13], [sflag:$0x2] =	stream.linear.gather [hbm4b:s19+s20], $0xA00, $0x38;
	[tilespmem:$0x19800] =	vst v63  }
0x17: {  	_ =	swait.ge [sflag:s12], $0xA00  }
0x18: {  	[sflag:s12] =	ssyncset.done $0x0  }
0x19: {  	s18 =	sadd.s32 s18, s8;
	[sflag:s12] =	ssyncadd.s32 $0xFFFFF600  }
0x1a: {  	[tilespmem:s20], [sflag:$0x2] =	stream.linear.gather [hbm4b:s18+s20], $0xA00, $0x38;
	[tilespmem:$0x19800] =	vst v63  }
0x1b: {  	_ =	swait.ge [sflag:s12], $0xA00  }
0x1c: {  	[sflag:s12] =	ssyncset.done $0x0  }
0x1d: {  	s30 =	simm.s32 $0x0;
	[sflag:s12] =	ssyncadd.s32 $0xFFFFF600  }
0x1e: {  	[tilespmem:s15], [sflag:$0x1] =	stream.indirect.gather [hbm4b:s4+s14], $0x80, s30, s14, $0xb8;
	[tilespmem:$0x19800] =	vst v63  }
0x1f: {  	_ =	swait.ge [sflag:s16], $0x4000  }
0x20: {  	[sflag:s16] =	ssyncset.done $0x0  }
0x21: {  	s31 =	simm.s32 $0xC00;
	[sflag:s16] =	ssyncadd.s32 $0xFFFFC000  }
0x22: {  	[spmem:s2] =	stream.indirect.scatter.add.f32 [tilespmem:s15], [sflag:$0x2], $0x80, s31, s14, $0xb8;
	[tilespmem:$0x19800] =	vst v63  }
0x23: {  	_ =	swait.ge [sflag:s12], $0x4000  }
0x24: {  	s19 =	simm.s32 $0x400;
	s18 =	simm.s32 $0x200;
	[sflag:s12] =	ssyncset.done $0x0  }
.LBB2_3:
0x25: {  	s20 =	sshra.s32 s18, $0x2  }
0x26: {  	[sflag:s12] =	ssyncadd.s32 $0xFFFFC000;
	s18 =	smov.u32 s19;
	s21 =	sadd.s32 $0x200, s19  }
0x27: {  	[tilespmem:s15], [sflag:$0x1] =	stream.indirect.gather [hbm4b:s4+s14], $0x80, s20, s14, $0xb8;
	[tilespmem:$0x19800] =	vst v63  }
0x28: {  	p0 =	sne.s32 s19, $0x2600;
	_ =	swait.ge [sflag:s16], $0x4000  }
.Ltmp0:
0x29: {  	[sflag:s16] =	ssyncset.done $0x0;
	(pc) =	sbr.rel @p0 .LBB2_3-.Ltmp0, $4  }
0x2a: {  	s19 =	sadd.s32 $0xC00, s20;
	[sflag:s16] =	ssyncadd.s32 $0xFFFFC000  }
0x2b: {  	[spmem:s2] =	stream.indirect.scatter.add.f32 [tilespmem:s15], [sflag:$0x2], $0x80, s19, s14, $0xb8;
	[tilespmem:$0x19800] =	vst v63  }
0x2c: {  	_ =	swait.ge [sflag:s12], $0x4000  }
0x2d: {  	s19 =	smov.u32 s21;
	[sflag:s12] =	ssyncset.done $0x0  }
0x2e: {  	s18 =	sshra.s32 s18, $0x2;
	[sflag:s12] =	ssyncadd.s32 $0xFFFFC000  }
0x2f: {  	[tilespmem:s15], [sflag:$0x1] =	stream.indirect.gather [hbm4b:s4+s14], $0x80, s18, s14, $0xb8;
	[tilespmem:$0x19800] =	vst v63  }
0x30: {  	s17 =	sadd.s32 $0x1, s17;
	_ =	swait.ge [sflag:s16], $0x4000  }
0x31: {  	p0 =	sne.s32 s17, $0x8;
	[sflag:s16] =	ssyncset.done $0x0  }
.Ltmp1:
0x32: {  	s18 =	sadd.s32 $0xC00, s18;
	[sflag:s16] =	ssyncadd.s32 $0xFFFFC000;
	(pc) =	sbr.rel @p0 .LBB2_2-.Ltmp1, $4  }
0x33: {  	[spmem:s2] =	stream.indirect.scatter.add.f32 [tilespmem:s15], [sflag:$0x2], $0x80, s18, s14, $0xb8;
	[tilespmem:$0x19800] =	vst v63  }
0x34: {  	_ =	swait.ge [sflag:s12], $0x4000  }
0x35: {  	[sflag:s12] =	ssyncset.done $0x0  }
0x36: {  	[sflag:s12] =	ssyncadd.s32 $0xFFFFC000  }
0x37: {  	s3 =	sadd.s32 $0x1, s3  }
0x38: {  	p0 =	sne.s32 s3, s10  }
.Ltmp2:
0x39: {  	[bflag:$0x0] =	sbarrier.arrive $0xFFFF;
	(pc) =	sbr.rel @p0 .LBB2_1-.Ltmp2, $4  }
0x3a: {  	[hbm:s9], [sflag:s6] =	dma.local [spmem:s11], $0x2800  }
0x3b: {  	_ =	swait.ge [sflag:s12], $0x2800  }
0x3c: {  	[sflag:s12] =	ssyncset.done $0x0  }
0x3d: {  	[sflag:s12] =	ssyncadd.s32 $0xFFFFD800  }
0x3e: {  	_ =	sfence.sel $0x180000  }
0x3f: {  	[bflag:$0x0] =	sbarrier.arrive $0xFFFF  }
0x40: {  	p0 =	sne.s32 s0, $0x0;
	_ =	strace $0x90000053  }
0x41: {  	s0 =	sadd.s32 @!p0 $0x100000, s1;
	[bflag:$0x2] =	sbarrier.arrive $0xFFFF  }
0x42: {  	[sflag:s0] =	ssyncadd.tile.s32 @!p0 $0x1;
	_ =	shalt  }
.Lfunc_end2:
_tile_overlayer_lowered:
.L_overlay_start_2:
0x43: {  	(tag) =	ssettag $0x2  }
0x44: {  	s0 =	rddreg [dreg:$0x0];
	s2 =	stileid.u32  }
0x45: {  	s1 =	rddreg [dreg:$0x1];
	p0 =	sne.s32 s2, $0x0  }
0x46: {  	s3 =	rddreg [dreg:$0x2];
	[bflag:$0x3] =	sbarrier.arrive $0xFFFF;
	s2 =	simm.s32 @!p0 $0x1C02  }
0x47: {  	[timem:s3], [sflag:s2] =	dma.local @!p0 [hbm:s0], s1  }
0x48: {  	s0 =	simm.s32 @!p0 $0x2  }
0x49: {  	_ =	swait.ge @!p0 [sflag:s0], s1  }
0x4a: {  	s1 =	ssub.s32 @!p0 $0x0, s1;
	[sflag:s0] =	ssyncset.done @!p0 $0x0  }
0x4b: {  	[sflag:s0] =	ssyncadd.s32 @!p0 s1  }
0x4c: {  	[bflag:$0x3] =	sbarrier.arrive $0xFFFF  }
0x4d: {  	_ =	shalt  }

// kernel: kernel.25.cloned.1.call-start
scs
__scs_entry_jumppad:
0x0: {  	(pc) =	sbr.rel $0x88, $3  }
0x1: {  	(tag) =	ssettag $0x0;
	lr =	simm.s32 $0x1  }
0x2: {  	[smem:$0x3F99] =	sst lr;
	_ =	strace $0xD0000000  }
0x3: {  	_ = 	snop  }
0x4: {  	_ = 	snop  }
0x5: {  	_ = 	snop  }
0x6: {  	_ = 	snop  }
0x7: {  	_ = 	snop  }
__scs_overlays_trampoline_lowered:
0x8: {  	[smem:$0x3FA8] =	sst s0  }
0x9: {  	[smem:$0x3FA9] =	sst s1  }
0xa: {  	[smem:$0x3FAA] =	sst s2  }
0xb: {  	[smem:$0x3FAB] =	sst s3  }
0xc: {  	[smem:$0x3FAC] =	sst s4  }
0xd: {  	[smem:$0x3FAD] =	sst s5  }
0xe: {  	[smem:$0x3FAE] =	sst s6  }
0xf: {  	[smem:$0x3FAF] =	sst s7  }
0x10: {  	[smem:$0x3FB0] =	sst s8  }
0x11: {  	[smem:$0x3FB1] =	sst s9;
	s0 =	simm.s32 @!p0 $0x0  }
0x12: {  	s1 =	sld [smem:$0x3F97];
	s0 =	simm.s32 @p0 $0x1  }
0x13: {  	[smem:$0x3FB2] =	sst s0;
	s0 =	simm.s32 @!p1 $0x0  }
0x14: {  	s2 =	sld [smem:$0x3F96];
	s0 =	simm.s32 @p1 $0x1  }
0x15: {  	[smem:$0x3FB3] =	sst s0;
	s0 =	simm.s32 @!p2 $0x0  }
0x16: {  	s3 =	sld [smem:$0x3FDB];
	s0 =	simm.s32 @p2 $0x1  }
0x17: {  	s4 =	simm.s32 $0x1BF5;
	[smem:$0x3FB5] =	sst s0  }
0x18: {  	s0 =	sld [smem:$0x3F98];
	_ =	swait.ge [sflag:s4], $0x0  }
0x19: {  	s7 =	sld [smem:$0x3F99]  }
0x1a: {  	s8 =	sadd.s32 $0xFFFFE003, lr  }
0x1b: {  	s9 =	sadd.s32 $0xFFFFFEF7, lr;
	s5 =	simm.s32 $0xFFFFFFFF;
	p2 =	slt.u32 s8, $0xFFFFF086  }
0x1c: {  	p1 =	slt.u32 s9, $0xF7A;
	s5 =	simm.s32 @!p2 $0x0  }
0x1d: {  	s5 =	simm.s32 @p1 $0x1;
	p0 =	seq.s32 s7, s2  }
0x1e: {  	s7 =	smul.u32 @!p0 $0xF7A, s2;
	p2 =	seq.s32 @!p0 s5, $0x0  }
0x1f: {  	s9 =	smul.u32 $0xF7A, s1;
	s8 =	simm.s32 @!p0 $0x1BF5;
	p2 =	por !p2, p0  }
0x20: {  	[sflag:s8] =	ssyncset.s32 @!p0 $0xFFFFF086;
	s6 =	sadd.s32 @!p0 s3, s7;
	s7 =	simm.s32 @!p0 $0x108  }
0x21: {  	s3 =	sadd.s32 s3, s9;
	s6 =	sadd.s32 @!p0 $0x88, s6;
	s7 =	simm.s32 @p2 $0x1082  }
0x22: {  	[simem:s7], [sflag:s8] =	dma.local @!p0 [hbm:s6], $0xF7A  }
0x23: {  	s9 =	sor.u32 $0xD0000000, s2;
	s6 =	simm.s32 $0x108;
	_ =	swait.ge @!p0 [sflag:s8], $0x0  }
0x24: {  	s3 =	sadd.s32 $0x88, s3;
	s6 =	simm.s32 @!p1 $0x1082;
	[sflag:s4] =	ssyncset.s32 $0xFFFFF086  }
0x25: {  	[simem:s6], [sflag:s4] =	dma.local [hbm:s3], $0xF7A  }
0x26: {  	[smem:$0x3F99] =	sst s1;
	(tag) =	ssettag s2;
	_ =	strace s9  }
0x27: {  	s1 =	sld [smem:$0x3FA9]  }
0x28: {  	s2 =	sld [smem:$0x3FAA]  }
0x29: {  	s4 =	sld [smem:$0x3FAC]  }
0x2a: {  	p0 =	seq.s32 s5, $0x0;
	s5 =	sld [smem:$0x3FAD]  }
0x2b: {  	s6 =	sld [smem:$0x3FAE]  }
0x2c: {  	s7 =	sld [smem:$0x3FAF]  }
0x2d: {  	s3 =	simm.s32 $0x108;
	s8 =	sld [smem:$0x3FB0]  }
0x2e: {  	s3 =	simm.s32 @!p0 $0x1082;
	s9 =	sld [smem:$0x3FB1]  }
0x2f: {  	lr =	sadd.s32 s0, s3;
	s0 =	sld [smem:$0x3FA8]  }
0x30: {  	s3 =	sld [smem:$0x3FAB]  }
0x31: {  	[smem:$0x3FB4] =	sst s10  }
0x32: {  	s10 =	sld [smem:$0x3FB2];
	_ =	sdelay $0x3  }
0x33: {  	p0 =	seq.s32 s10, $0x1;
	s10 =	sld [smem:$0x3FB4];
	_ =	sdelay $0x3  }
0x34: {  	[smem:$0x3FB4] =	sst s10  }
0x35: {  	s10 =	sld [smem:$0x3FB3];
	_ =	sdelay $0x3  }
0x36: {  	p1 =	seq.s32 s10, $0x1;
	s10 =	sld [smem:$0x3FB4];
	_ =	sdelay $0x3  }
0x37: {  	[smem:$0x3FB4] =	sst s10  }
0x38: {  	s10 =	sld [smem:$0x3FB5]  }
0x39: {  	_ = 	snop;
	(pc) =	sbr.ind lr, $3  }
0x3a: {  	_ = 	snop  }
0x3b: {  	_ = 	snop  }
0x3c: {  	p2 =	seq.s32 s10, $0x1;
	s10 =	sld [smem:$0x3FB4]  }
0x3d: {  	_ =	shalt  }
0x3e: {  	_ =	shalt  }
0x3f: {  	_ =	shalt  }
0x40: {  	_ =	shalt  }
0x41: {  	_ =	shalt  }
0x42: {  	_ =	shalt  }
0x43: {  	_ =	shalt  }
0x44: {  	_ =	shalt  }
0x45: {  	_ =	shalt  }
0x46: {  	_ =	shalt  }
0x47: {  	_ =	shalt  }
0x48: {  	_ =	shalt  }
0x49: {  	_ =	shalt  }
0x4a: {  	_ =	shalt  }
0x4b: {  	_ =	shalt  }
0x4c: {  	_ =	shalt  }
0x4d: {  	_ =	shalt  }
0x4e: {  	_ =	shalt  }
0x4f: {  	_ =	shalt  }
0x50: {  	_ =	shalt  }
0x51: {  	_ =	shalt  }
0x52: {  	_ =	shalt  }
0x53: {  	_ =	shalt  }
0x54: {  	_ =	shalt  }
0x55: {  	_ =	shalt  }
0x56: {  	_ =	shalt  }
0x57: {  	_ =	shalt  }
0x58: {  	_ =	shalt  }
0x59: {  	_ =	shalt  }
0x5a: {  	_ =	shalt  }
0x5b: {  	_ =	shalt  }
0x5c: {  	_ =	shalt  }
0x5d: {  	_ =	shalt  }
0x5e: {  	_ =	shalt  }
0x5f: {  	_ =	shalt  }
0x60: {  	_ =	shalt  }
0x61: {  	_ =	shalt  }
0x62: {  	_ =	shalt  }
0x63: {  	_ =	shalt  }
0x64: {  	_ =	shalt  }
0x65: {  	_ =	shalt  }
0x66: {  	_ =	shalt  }
0x67: {  	_ =	shalt  }
0x68: {  	_ =	shalt  }
0x69: {  	_ =	shalt  }
0x6a: {  	_ =	shalt  }
0x6b: {  	_ =	shalt  }
0x6c: {  	_ =	shalt  }
0x6d: {  	_ =	shalt  }
0x6e: {  	_ =	shalt  }
0x6f: {  	_ =	shalt  }
0x70: {  	_ =	shalt  }
0x71: {  	_ =	shalt  }
0x72: {  	_ =	shalt  }
0x73: {  	_ =	shalt  }
0x74: {  	_ =	shalt  }
0x75: {  	_ =	shalt  }
0x76: {  	_ =	shalt  }
0x77: {  	_ =	shalt  }
0x78: {  	_ =	shalt  }
0x79: {  	_ =	shalt  }
0x7a: {  	_ =	shalt  }
0x7b: {  	_ =	shalt  }
0x7c: {  	_ =	shalt  }
0x7d: {  	_ =	shalt  }
0x7e: {  	_ =	shalt  }
0x7f: {  	_ =	shalt  }
0x80: {  	_ =	shalt  }
0x81: {  	_ =	shalt  }
0x82: {  	_ =	shalt  }
0x83: {  	_ =	shalt  }
0x84: {  	_ =	shalt  }
0x85: {  	_ =	shalt  }
0x86: {  	_ =	shalt  }
0x87: {  	_ =	shalt  }
.Lfunc_end0:
.L_simem_size_0:
called_computation.3_lowered:
.L_overlay_start_0:
0x88: {  	s2 =	sld [smem:$0x3FD9]  }
0x89: {  	s3 =	sld [smem:$0x3FFE];
	_ =	sdelay $0x1  }
0x8a: {  	s1 =	srdreg.scid  }
0x8b: {  	s0 =	sand.u32 $0x1, s1  }
0x8c: {  	s17 =	sshll.u32 s0, $0xA;
	s2 =	sadd.s32 s3, s2  }
0x8d: {  	s2 =	sadd.s32 s2, s17  }
0x8e: {  	[smem:$0x3FC0] =	sst s2  }
0x8f: {  	_ = 	snop  }
0x90: {  	s18 =	sld [smem:$0x3FD0];
	(tm) =	ssettm $0x1  }
0x91: {  	s19 =	sld [smem:$0x3FFB];
	_ =	sdelay $0x3  }
0x92: {  	_ =	strace s19  }
0x93: {  	s2 =	sld [smem:$0x3FFC];
	_ =	sdelay $0x3  }
0x94: {  	_ =	strace s2  }
0x95: {  	s2 =	sld [smem:$0x3FFD];
	_ =	sdelay $0x3  }
0x96: {  	_ =	strace s2  }
0x97: {  	_ =	strace $0x8FFFFFFF  }
0x98: {  	s20 =	sld [smem:$0x3FDB];
	_ =	sdelay $0x1  }
0x99: {  	s4 =	simm.s32 $_scs_section_size  }
0x9a: {  	s5 =	simm.s32 $_size__tile_overlayer_lowered;
	s6 =	simm.s32 $_tile_overlayer_lowered  }
0x9b: {  	s7 =	simm.s32 $0x1BFF;
	s21 =	sshll.u32 s6, $0x1;
	s4 =	sadd.s32 s4, s20  }
0x9c: {  	s22 =	simm.s32 $0x0;
	s5 =	sshll.u32 s5, $0x1;
	s6 =	sadd.s32 s21, s4  }
0x9d: {  	[timem:s22], [sflag:s7] =	dma.local [hbm:s6], s5  }
0x9e: {  	_ =	swait.ge [sflag:s7], s5  }
0x9f: {  	s5 =	ssub.s32 $0x0, s5;
	[sflag:s7] =	ssyncset.done $0x0  }
0xa0: {  	[sflag:s7] =	ssyncadd.s32 s5;
	_ =	sdelay $0x1  }
0xa1: {  	s23 =	simm.s32 $0x1B8B  }
0xa2: {  	_ =	swait.ge [sflag:s23], $0x1  }
0xa3: {  	[sflag:s23] =	ssyncset.done $0x0  }
0xa4: {  	[sflag:s23] =	ssyncadd.s32 $0xFFFFFFFF  }
0xa5: {  	s5 =	sld [smem:$0x0]  }
0xa6: {  	s6 =	sand.u32 $0xFFFFFFFE, s1  }
0xa7: {  	p0 =	sne.s32 s1, s6  }
0xa8: {  	s6 =	sshll.u32 @p0 s6, $0xE  }
0xa9: {  	s6 =	sadd.s32 @p0 $0x11B8D, s6;
	s7 =	sshll.u32 @p0 s5, $0x11  }
0xaa: {  	s6 =	sor.u32 @p0 s7, s6  }
0xab: {  	[sflag:s6] =	ssyncadd.remote.s32 @p0 $0x1;
	_ =	sdelay $0x1  }
0xac: {  	s6 =	simm.s32 @p0 $0x1B8D  }
0xad: {  	_ =	swait.eq @p0 [sflag:s6], $0x1  }
0xae: {  	[sflag:s6] =	ssyncadd.s32 @p0 $0xFFFFFFFF  }
0xaf: {  	s7 =	sshll.u32 @!p0 s1, $0xE  }
0xb0: {  	s7 =	sor.u32 @!p0 $0x4000, s7;
	s6 =	simm.s32 @!p0 $0x1B8D  }
0xb1: {  	s5 =	sshll.u32 @!p0 s5, $0x11;
	s7 =	sadd.s32 @!p0 $0x11B8D, s7;
	_ =	swait.eq @!p0 [sflag:s6], $0x1  }
0xb2: {  	s5 =	sor.u32 @!p0 s5, s7;
	[sflag:s6] =	ssyncadd.s32 @!p0 $0xFFFFFFFF  }
0xb3: {  	s25 =	simm.s32 $0x1B8E;
	s24 =	sld [smem:$0x3FFE];
	[sflag:s5] =	ssyncadd.remote.s32 @!p0 $0x1  }
0xb4: {  	s26 =	simm.s32 $execute0_lowered;
	[smem:$0x3FD2] =	sst s25  }
0xb5: {  	s6 =	sshll.u32 s26, $0x1;
	_ =	strace $0x80000049;
	[dreg:$0x1] =	wrdreg $0xFFFFFFFF  }
0xb6: {  	s28 =	simm.s32 $_size_execute0_lowered;
	s4 =	sadd.s32 s4, s6;
	[dreg:$0x0] =	wrdreg $0x0  }
0xb7: {  	s6 =	sshll.u32 s28, $0x1;
	[dreg:$0x2] =	wrdreg s4  }
0xb8: {  	[dreg:$0x3] =	wrdreg s6  }
0xb9: {  	[dreg:$0x4] =	wrdreg $0xC0  }
0xba: {  	_ =	task [dreg:s22], $0x5FFFF  }
0xbb: {  	[dreg:$0x1] =	wrdreg $0xFFFFFFFF  }
0xbc: {  	[dreg:$0x0] =	wrdreg $0x60  }
0xbd: {  	[dreg:$0x2] =	wrdreg s24  }
0xbe: {  	[dreg:$0x3] =	wrdreg s18  }
0xbf: {  	[dreg:$0x4] =	wrdreg $0x68000  }
0xc0: {  	[dreg:$0x5] =	wrdreg $0xA  }
0xc1: {  	_ =	task.clear_ibuf [dreg:s22], $0x6FFFF;
	_ =	strace $0x90000049  }
0xc2: {  	s29 =	simm.s32 $0xA;
	_ =	strace $0x8000004B  }
0xc3: {  	_ =	swait.ge [sflag:s29], $0x1  }
0xc4: {  	[sflag:s29] =	ssyncadd.s32 $0xFFFFFFFF  }
0xc5: {  	_ =	strace $0x9000004B  }
0xc6: {  	_ =	sfence  }
0xc7: {  	s30 =	sld [smem:$0x0];
	_ =	sdelay $0x2  }
0xc8: {  	s31 =	sshll.u32 s1, $0xD;
	s1 =	sshrl.u32 s1, $0x2  }
0xc9: {  	s4 =	sand.u32 $0x4000, s31;
	s1 =	sadd.s32 s1, s30  }
0xca: {  	s0 =	sor.u32 s4, s0;
	s1 =	sshll.u32 s1, $0x11  }
0xcb: {  	s0 =	sor.u32 s1, s0  }
0xcc: {  	s0 =	sadd.s32 $0x8F2B, s0  }
0xcd: {  	[sflag:s0] =	ssyncadd.remote.s32 $0x1  }
0xce: {  	_ =	sfence.sel $0xFFFF  }
0xcf: {  	[dreg:$0x0] =	wrdreg $0xFFFFFFFF;
	(pc) =	sbr.abs _section_cstart, $3  }
0xd0: {  	[dreg:$0x1] =	wrdreg $0xFFFFFFFF  }
0xd1: {  	_ =	task.clear_ibuf [dreg:s22], $0x2FFFF;
	_ =	strace $0x9FFFFFFF  }
0xd2: {  	(tm) =	ssettm $0x7FFFFFFF  }
0xd3: {  	_ =	shalt  }
tec
execute0_lowered:
.L_overlay_start_1:
0x0: {  	(tag) =	ssettag $0x1  }
0x1: {  	s5 =	rddreg [dreg:$0x0]  }
0x2: {  	s0 =	srdreg.scid;
	s6 =	rddreg [dreg:$0x1]  }
0x3: {  	s2 =	rddreg [dreg:$0x2];
	s4 =	sand.u32 $0x1, s0;
	s0 =	stileid.u32  }
0x4: {  	s3 =	simm.s32 $0x0;
	s13 =	simm.s32 $0x80;
	s8 =	smul.u32 $0x2800, s0  }
0x5: {  	s14 =	simm.s32 $0x0;
	[smem:$0x7FF] =	sst s3;
	s9 =	smul.u32 $0x28000, s4  }
0x6: {  	s1 =	sshll.u32 s4, $0x4;
	s10 =	ssub.s32 $0x2, s4;
	s11 =	smul.u32 $0x50000, s0  }
0x7: {  	s4 =	sadd.s32 $0x10400, s5;
	s31 =	sshll.u32 s0, $0x6;
	s7 =	sor.u32 s0, s1  }
0x8: {  	s1 =	rddreg [dreg:$0x3];
	_ =	strace $0x8000004A;
	s12 =	sshrl.u32 s10, $0x1  }
0x9: {  	s7 =	smul.u32 $0x500, s7;
	s9 =	sadd.s32 s8, s9;
	s10 =	ssub.s32 s10, s12  }
0xa: {  	s30 =	sshrl.u32 s11, $0x2;
	s12 =	simm.s32 $0x2800;
	s9 =	sadd.s32 s9, s5  }
0xb: {  	s11 =	sadd.s32 s30, s2;
	s7 =	sadd.s32 s7, s5;
	s5 =	sadd.s32 s6, s8  }
0xc: {  	s6 =	sor.u32 $0x1C01, s31;
	s8 =	sadd.s32 $0x6AC00, s9;
	s9 =	smax.u32 s10, $0x1  }
0xd: {  	s10 =	sshrl.u32 s11, $0x3;
	s11 =	simm.s32 $0x1;
	s7 =	sadd.s32 $0x60C00, s7  }
.LBB2_1:
0xe: {  	[spmem:s10], [sflag:s6] =	dma.local [hbm:s5], $0x2800  }
0xf: {  	_ =	swait.ge [sflag:s11], $0x2800  }
0x10: {  	[sflag:s11] =	ssyncset.done $0x0  }
0x11: {  	[sflag:s11] =	ssyncadd.s32 $0xFFFFD800  }
0x12: {  	[tilespmem:s3], [sflag:$0x1] =	stream.linear.gather [hbm4b:s7+s3], $0x2800, $0x38;
	[tilespmem:$0x9000] =	vst v63  }
0x13: {  	_ =	swait.ge [sflag:s11], $0x2800  }
0x14: {  	[sflag:s11] =	ssyncset.done $0x0  }
0x15: {  	[sflag:s11] =	ssyncadd.s32 $0xFFFFD800  }
0x16: {  	[tilespmem:s12], [sflag:$0x1] =	stream.linear.gather [hbm4b:s4+s3], $0x4000, $0x38;
	[tilespmem:$0x9000] =	vst v63  }
0x17: {  	_ =	swait.ge [sflag:s11], $0x4000  }
0x18: {  	[sflag:s11] =	ssyncset.done $0x0  }
0x19: {  	[sflag:s11] =	ssyncadd.s32 $0xFFFFC000  }
0x1a: {  	s15 =	simm.s32 $0x0;
	[bflag:$0x0] =	sbarrier.arrive $0xFFFF  }
0x1b: {  	[spmem:s2] =	stream.indirect.scatter.add.f32 [tilespmem:s12], [sflag:$0x1], $0x10, s15, s13, $0xb8;
	[tilespmem:$0x9000] =	vst v63  }
0x1c: {  	_ =	swait.ge [sflag:s11], $0x800  }
0x1d: {  	s15 =	simm.s32 $0x200;
	[sflag:s11] =	ssyncset.done $0x0  }
.LBB2_2:
0x1e: {  	s16 =	sshra.s32 s15, $0x2;
	[sflag:s11] =	ssyncadd.s32 $0xFFFFF800;
	p0 =	sne.s32 s15, $0x9E00  }
0x1f: {  	[spmem:s2] =	stream.indirect.scatter.add.f32 [tilespmem:s12], [sflag:$0x1], $0x10, s16, s13, $0xb8;
	[tilespmem:$0x9000] =	vst v63  }
.Ltmp0:
0x20: {  	_ = 	snop;
	(pc) =	sbr.rel @p0 .LBB2_2-.Ltmp0, $4  }
0x21: {  	_ = 	snop  }
0x22: {  	s15 =	sadd.s32 $0x200, s15  }
0x23: {  	_ =	swait.ge [sflag:s11], $0x800  }
0x24: {  	[sflag:s11] =	ssyncset.done $0x0  }
0x25: {  	s14 =	sadd.s32 $0x1, s14  }
0x26: {  	[sflag:s11] =	ssyncadd.s32 $0xFFFFF800;
	p0 =	sne.s32 s14, s9  }
.Ltmp1:
0x27: {  	[bflag:$0x0] =	sbarrier.arrive $0xFFFF;
	(pc) =	sbr.rel @p0 .LBB2_1-.Ltmp1, $4  }
0x28: {  	[hbm:s8], [sflag:s6] =	dma.local [spmem:s10], $0x2800  }
0x29: {  	_ =	swait.ge [sflag:s11], $0x2800  }
0x2a: {  	[sflag:s11] =	ssyncset.done $0x0  }
0x2b: {  	[sflag:s11] =	ssyncadd.s32 $0xFFFFD800  }
0x2c: {  	_ =	sfence.sel $0x180000  }
0x2d: {  	[bflag:$0x0] =	sbarrier.arrive $0xFFFF  }
0x2e: {  	p0 =	sne.s32 s0, $0x0;
	_ =	strace $0x9000004A  }
0x2f: {  	s0 =	sadd.s32 @!p0 $0x100000, s1;
	[bflag:$0x2] =	sbarrier.arrive $0xFFFF  }
0x30: {  	[sflag:s0] =	ssyncadd.tile.s32 @!p0 $0x1;
	_ =	shalt  }
.Lfunc_end2:
_tile_overlayer_lowered:
.L_overlay_start_2:
0x31: {  	(tag) =	ssettag $0x2  }
0x32: {  	s0 =	rddreg [dreg:$0x0];
	s2 =	stileid.u32  }
0x33: {  	s1 =	rddreg [dreg:$0x1];
	p0 =	sne.s32 s2, $0x0  }
0x34: {  	s3 =	rddreg [dreg:$0x2];
	[bflag:$0x3] =	sbarrier.arrive $0xFFFF;
	s2 =	simm.s32 @!p0 $0x1C01  }
0x35: {  	[timem:s3], [sflag:s2] =	dma.local @!p0 [hbm:s0], s1  }
0x36: {  	s0 =	simm.s32 @!p0 $0x1  }
0x37: {  	_ =	swait.ge @!p0 [sflag:s0], s1  }
0x38: {  	s1 =	ssub.s32 @!p0 $0x0, s1;
	[sflag:s0] =	ssyncset.done @!p0 $0x0  }
0x39: {  	[sflag:s0] =	ssyncadd.s32 @!p0 s1  }
0x3a: {  	[bflag:$0x3] =	sbarrier.arrive $0xFFFF  }
0x3b: {  	_ =	shalt  }

// kernel: kernel.28.cloned.1.call-start
scs
__scs_entry_jumppad:
0x0: {  	(pc) =	sbr.rel $0x88, $3  }
0x1: {  	(tag) =	ssettag $0x0;
	lr =	simm.s32 $0x1  }
0x2: {  	[smem:$0x3F99] =	sst lr;
	_ =	strace $0xD0000000  }
0x3: {  	_ = 	snop  }
0x4: {  	_ = 	snop  }
0x5: {  	_ = 	snop  }
0x6: {  	_ = 	snop  }
0x7: {  	_ = 	snop  }
__scs_overlays_trampoline_lowered:
0x8: {  	[smem:$0x3FA8] =	sst s0  }
0x9: {  	[smem:$0x3FA9] =	sst s1  }
0xa: {  	[smem:$0x3FAA] =	sst s2  }
0xb: {  	[smem:$0x3FAB] =	sst s3  }
0xc: {  	[smem:$0x3FAC] =	sst s4  }
0xd: {  	[smem:$0x3FAD] =	sst s5  }
0xe: {  	[smem:$0x3FAE] =	sst s6  }
0xf: {  	[smem:$0x3FAF] =	sst s7  }
0x10: {  	[smem:$0x3FB0] =	sst s8  }
0x11: {  	[smem:$0x3FB1] =	sst s9;
	s0 =	simm.s32 @!p0 $0x0  }
0x12: {  	s1 =	sld [smem:$0x3F97];
	s0 =	simm.s32 @p0 $0x1  }
0x13: {  	[smem:$0x3FB2] =	sst s0;
	s0 =	simm.s32 @!p1 $0x0  }
0x14: {  	s2 =	sld [smem:$0x3F96];
	s0 =	simm.s32 @p1 $0x1  }
0x15: {  	[smem:$0x3FB3] =	sst s0;
	s0 =	simm.s32 @!p2 $0x0  }
0x16: {  	s3 =	sld [smem:$0x3FDB];
	s0 =	simm.s32 @p2 $0x1  }
0x17: {  	s4 =	simm.s32 $0x1BF5;
	[smem:$0x3FB5] =	sst s0  }
0x18: {  	s0 =	sld [smem:$0x3F98];
	_ =	swait.ge [sflag:s4], $0x0  }
0x19: {  	s7 =	sld [smem:$0x3F99]  }
0x1a: {  	s8 =	sadd.s32 $0xFFFFE003, lr  }
0x1b: {  	s9 =	sadd.s32 $0xFFFFFEF7, lr;
	s5 =	simm.s32 $0xFFFFFFFF;
	p2 =	slt.u32 s8, $0xFFFFF086  }
0x1c: {  	p1 =	slt.u32 s9, $0xF7A;
	s5 =	simm.s32 @!p2 $0x0  }
0x1d: {  	s5 =	simm.s32 @p1 $0x1;
	p0 =	seq.s32 s7, s2  }
0x1e: {  	s7 =	smul.u32 @!p0 $0xF7A, s2;
	p2 =	seq.s32 @!p0 s5, $0x0  }
0x1f: {  	s9 =	smul.u32 $0xF7A, s1;
	s8 =	simm.s32 @!p0 $0x1BF5;
	p2 =	por !p2, p0  }
0x20: {  	[sflag:s8] =	ssyncset.s32 @!p0 $0xFFFFF086;
	s6 =	sadd.s32 @!p0 s3, s7;
	s7 =	simm.s32 @!p0 $0x108  }
0x21: {  	s3 =	sadd.s32 s3, s9;
	s6 =	sadd.s32 @!p0 $0x88, s6;
	s7 =	simm.s32 @p2 $0x1082  }
0x22: {  	[simem:s7], [sflag:s8] =	dma.local @!p0 [hbm:s6], $0xF7A  }
0x23: {  	s9 =	sor.u32 $0xD0000000, s2;
	s6 =	simm.s32 $0x108;
	_ =	swait.ge @!p0 [sflag:s8], $0x0  }
0x24: {  	s3 =	sadd.s32 $0x88, s3;
	s6 =	simm.s32 @!p1 $0x1082;
	[sflag:s4] =	ssyncset.s32 $0xFFFFF086  }
0x25: {  	[simem:s6], [sflag:s4] =	dma.local [hbm:s3], $0xF7A  }
0x26: {  	[smem:$0x3F99] =	sst s1;
	(tag) =	ssettag s2;
	_ =	strace s9  }
0x27: {  	s1 =	sld [smem:$0x3FA9]  }
0x28: {  	s2 =	sld [smem:$0x3FAA]  }
0x29: {  	s4 =	sld [smem:$0x3FAC]  }
0x2a: {  	p0 =	seq.s32 s5, $0x0;
	s5 =	sld [smem:$0x3FAD]  }
0x2b: {  	s6 =	sld [smem:$0x3FAE]  }
0x2c: {  	s7 =	sld [smem:$0x3FAF]  }
0x2d: {  	s3 =	simm.s32 $0x108;
	s8 =	sld [smem:$0x3FB0]  }
0x2e: {  	s3 =	simm.s32 @!p0 $0x1082;
	s9 =	sld [smem:$0x3FB1]  }
0x2f: {  	lr =	sadd.s32 s0, s3;
	s0 =	sld [smem:$0x3FA8]  }
0x30: {  	s3 =	sld [smem:$0x3FAB]  }
0x31: {  	[smem:$0x3FB4] =	sst s10  }
0x32: {  	s10 =	sld [smem:$0x3FB2];
	_ =	sdelay $0x3  }
0x33: {  	p0 =	seq.s32 s10, $0x1;
	s10 =	sld [smem:$0x3FB4];
	_ =	sdelay $0x3  }
0x34: {  	[smem:$0x3FB4] =	sst s10  }
0x35: {  	s10 =	sld [smem:$0x3FB3];
	_ =	sdelay $0x3  }
0x36: {  	p1 =	seq.s32 s10, $0x1;
	s10 =	sld [smem:$0x3FB4];
	_ =	sdelay $0x3  }
0x37: {  	[smem:$0x3FB4] =	sst s10  }
0x38: {  	s10 =	sld [smem:$0x3FB5]  }
0x39: {  	_ = 	snop;
	(pc) =	sbr.ind lr, $3  }
0x3a: {  	_ = 	snop  }
0x3b: {  	_ = 	snop  }
0x3c: {  	p2 =	seq.s32 s10, $0x1;
	s10 =	sld [smem:$0x3FB4]  }
0x3d: {  	_ =	shalt  }
0x3e: {  	_ =	shalt  }
0x3f: {  	_ =	shalt  }
0x40: {  	_ =	shalt  }
0x41: {  	_ =	shalt  }
0x42: {  	_ =	shalt  }
0x43: {  	_ =	shalt  }
0x44: {  	_ =	shalt  }
0x45: {  	_ =	shalt  }
0x46: {  	_ =	shalt  }
0x47: {  	_ =	shalt  }
0x48: {  	_ =	shalt  }
0x49: {  	_ =	shalt  }
0x4a: {  	_ =	shalt  }
0x4b: {  	_ =	shalt  }
0x4c: {  	_ =	shalt  }
0x4d: {  	_ =	shalt  }
0x4e: {  	_ =	shalt  }
0x4f: {  	_ =	shalt  }
0x50: {  	_ =	shalt  }
0x51: {  	_ =	shalt  }
0x52: {  	_ =	shalt  }
0x53: {  	_ =	shalt  }
0x54: {  	_ =	shalt  }
0x55: {  	_ =	shalt  }
0x56: {  	_ =	shalt  }
0x57: {  	_ =	shalt  }
0x58: {  	_ =	shalt  }
0x59: {  	_ =	shalt  }
0x5a: {  	_ =	shalt  }
0x5b: {  	_ =	shalt  }
0x5c: {  	_ =	shalt  }
0x5d: {  	_ =	shalt  }
0x5e: {  	_ =	shalt  }
0x5f: {  	_ =	shalt  }
0x60: {  	_ =	shalt  }
0x61: {  	_ =	shalt  }
0x62: {  	_ =	shalt  }
0x63: {  	_ =	shalt  }
0x64: {  	_ =	shalt  }
0x65: {  	_ =	shalt  }
0x66: {  	_ =	shalt  }
0x67: {  	_ =	shalt  }
0x68: {  	_ =	shalt  }
0x69: {  	_ =	shalt  }
0x6a: {  	_ =	shalt  }
0x6b: {  	_ =	shalt  }
0x6c: {  	_ =	shalt  }
0x6d: {  	_ =	shalt  }
0x6e: {  	_ =	shalt  }
0x6f: {  	_ =	shalt  }
0x70: {  	_ =	shalt  }
0x71: {  	_ =	shalt  }
0x72: {  	_ =	shalt  }
0x73: {  	_ =	shalt  }
0x74: {  	_ =	shalt  }
0x75: {  	_ =	shalt  }
0x76: {  	_ =	shalt  }
0x77: {  	_ =	shalt  }
0x78: {  	_ =	shalt  }
0x79: {  	_ =	shalt  }
0x7a: {  	_ =	shalt  }
0x7b: {  	_ =	shalt  }
0x7c: {  	_ =	shalt  }
0x7d: {  	_ =	shalt  }
0x7e: {  	_ =	shalt  }
0x7f: {  	_ =	shalt  }
0x80: {  	_ =	shalt  }
0x81: {  	_ =	shalt  }
0x82: {  	_ =	shalt  }
0x83: {  	_ =	shalt  }
0x84: {  	_ =	shalt  }
0x85: {  	_ =	shalt  }
0x86: {  	_ =	shalt  }
0x87: {  	_ =	shalt  }
.Lfunc_end0:
.L_simem_size_0:
called_computation.4_lowered:
.L_overlay_start_0:
0x88: {  	s2 =	sld [smem:$0x3FD9]  }
0x89: {  	s3 =	sld [smem:$0x3FFE];
	_ =	sdelay $0x1  }
0x8a: {  	s1 =	srdreg.scid  }
0x8b: {  	s0 =	sand.u32 $0x1, s1  }
0x8c: {  	s17 =	sshll.u32 s0, $0xA;
	s2 =	sadd.s32 s3, s2  }
0x8d: {  	s2 =	sadd.s32 s2, s17  }
0x8e: {  	[smem:$0x3FC0] =	sst s2  }
0x8f: {  	_ = 	snop  }
0x90: {  	s18 =	sld [smem:$0x3FD0];
	(tm) =	ssettm $0x1  }
0x91: {  	s19 =	sld [smem:$0x3FFB];
	_ =	sdelay $0x3  }
0x92: {  	_ =	strace s19  }
0x93: {  	s2 =	sld [smem:$0x3FFC];
	_ =	sdelay $0x3  }
0x94: {  	_ =	strace s2  }
0x95: {  	s2 =	sld [smem:$0x3FFD];
	_ =	sdelay $0x3  }
0x96: {  	_ =	strace s2  }
0x97: {  	_ =	strace $0x8FFFFFFF  }
0x98: {  	s20 =	sld [smem:$0x3FDB];
	_ =	sdelay $0x1  }
0x99: {  	s4 =	simm.s32 $_scs_section_size  }
0x9a: {  	s5 =	simm.s32 $_size__tile_overlayer_lowered;
	s6 =	simm.s32 $_tile_overlayer_lowered  }
0x9b: {  	s7 =	simm.s32 $0x1BFF;
	s21 =	sshll.u32 s6, $0x1;
	s4 =	sadd.s32 s4, s20  }
0x9c: {  	s22 =	simm.s32 $0x0;
	s5 =	sshll.u32 s5, $0x1;
	s6 =	sadd.s32 s21, s4  }
0x9d: {  	[timem:s22], [sflag:s7] =	dma.local [hbm:s6], s5  }
0x9e: {  	_ =	swait.ge [sflag:s7], s5  }
0x9f: {  	s5 =	ssub.s32 $0x0, s5;
	[sflag:s7] =	ssyncset.done $0x0  }
0xa0: {  	[sflag:s7] =	ssyncadd.s32 s5;
	_ =	sdelay $0x1  }
0xa1: {  	s23 =	simm.s32 $0x1B8B  }
0xa2: {  	_ =	swait.ge [sflag:s23], $0x1  }
0xa3: {  	[sflag:s23] =	ssyncset.done $0x0  }
0xa4: {  	[sflag:s23] =	ssyncadd.s32 $0xFFFFFFFF  }
0xa5: {  	s5 =	sld [smem:$0x0]  }
0xa6: {  	s6 =	sand.u32 $0xFFFFFFFE, s1  }
0xa7: {  	p0 =	sne.s32 s1, s6  }
0xa8: {  	s6 =	sshll.u32 @p0 s6, $0xE  }
0xa9: {  	s6 =	sadd.s32 @p0 $0x11B8D, s6;
	s7 =	sshll.u32 @p0 s5, $0x11  }
0xaa: {  	s6 =	sor.u32 @p0 s7, s6  }
0xab: {  	[sflag:s6] =	ssyncadd.remote.s32 @p0 $0x1;
	_ =	sdelay $0x1  }
0xac: {  	s6 =	simm.s32 @p0 $0x1B8D  }
0xad: {  	_ =	swait.eq @p0 [sflag:s6], $0x1  }
0xae: {  	[sflag:s6] =	ssyncadd.s32 @p0 $0xFFFFFFFF  }
0xaf: {  	s7 =	sshll.u32 @!p0 s1, $0xE  }
0xb0: {  	s7 =	sor.u32 @!p0 $0x4000, s7;
	s6 =	simm.s32 @!p0 $0x1B8D  }
0xb1: {  	s5 =	sshll.u32 @!p0 s5, $0x11;
	s7 =	sadd.s32 @!p0 $0x11B8D, s7;
	_ =	swait.eq @!p0 [sflag:s6], $0x1  }
0xb2: {  	s5 =	sor.u32 @!p0 s5, s7;
	[sflag:s6] =	ssyncadd.s32 @!p0 $0xFFFFFFFF  }
0xb3: {  	s25 =	simm.s32 $0x1B8E;
	s24 =	sld [smem:$0x3FFE];
	[sflag:s5] =	ssyncadd.remote.s32 @!p0 $0x1  }
0xb4: {  	s26 =	simm.s32 $execute0_lowered;
	[smem:$0x3FD2] =	sst s25  }
0xb5: {  	s6 =	sshll.u32 s26, $0x1;
	_ =	strace $0x8000004F;
	[dreg:$0x1] =	wrdreg $0xFFFFFFFF  }
0xb6: {  	s28 =	simm.s32 $_size_execute0_lowered;
	s4 =	sadd.s32 s4, s6;
	[dreg:$0x0] =	wrdreg $0x0  }
0xb7: {  	s6 =	sshll.u32 s28, $0x1;
	[dreg:$0x2] =	wrdreg s4  }
0xb8: {  	[dreg:$0x3] =	wrdreg s6  }
0xb9: {  	[dreg:$0x4] =	wrdreg $0xC0  }
0xba: {  	_ =	task [dreg:s22], $0x5FFFF  }
0xbb: {  	[dreg:$0x1] =	wrdreg $0xFFFFFFFF  }
0xbc: {  	[dreg:$0x0] =	wrdreg $0x60  }
0xbd: {  	[dreg:$0x2] =	wrdreg s18  }
0xbe: {  	[dreg:$0x3] =	wrdreg s24  }
0xbf: {  	[dreg:$0x4] =	wrdreg $0x58000  }
0xc0: {  	[dreg:$0x5] =	wrdreg $0xA  }
0xc1: {  	_ =	task.clear_ibuf [dreg:s22], $0x6FFFF;
	_ =	strace $0x9000004F  }
0xc2: {  	s29 =	simm.s32 $0xA;
	_ =	strace $0x80000051  }
0xc3: {  	_ =	swait.ge [sflag:s29], $0x1  }
0xc4: {  	[sflag:s29] =	ssyncadd.s32 $0xFFFFFFFF  }
0xc5: {  	_ =	strace $0x90000051  }
0xc6: {  	_ =	sfence  }
0xc7: {  	s30 =	sld [smem:$0x0];
	_ =	sdelay $0x2  }
0xc8: {  	s31 =	sshll.u32 s1, $0xD;
	s1 =	sshrl.u32 s1, $0x2  }
0xc9: {  	s4 =	sand.u32 $0x4000, s31;
	s1 =	sadd.s32 s1, s30  }
0xca: {  	s0 =	sor.u32 s4, s0;
	s1 =	sshll.u32 s1, $0x11  }
0xcb: {  	s0 =	sor.u32 s1, s0  }
0xcc: {  	s0 =	sadd.s32 $0x8F2B, s0  }
0xcd: {  	[sflag:s0] =	ssyncadd.remote.s32 $0x1  }
0xce: {  	_ =	sfence.sel $0xFFFF  }
0xcf: {  	[dreg:$0x0] =	wrdreg $0xFFFFFFFF;
	(pc) =	sbr.abs _section_cstart, $3  }
0xd0: {  	[dreg:$0x1] =	wrdreg $0xFFFFFFFF  }
0xd1: {  	_ =	task.clear_ibuf [dreg:s22], $0x2FFFF;
	_ =	strace $0x9FFFFFFF  }
0xd2: {  	(tm) =	ssettm $0x7FFFFFFF  }
0xd3: {  	_ =	shalt  }
tec
execute0_lowered:
.L_overlay_start_1:
0x0: {  	(tag) =	ssettag $0x1  }
0x1: {  	s0 =	srdreg.scid;
	s1 =	rddreg [dreg:$0x0]  }
0x2: {  	s6 =	rddreg [dreg:$0x1];
	s5 =	sand.u32 $0x1, s0;
	s0 =	stileid.u32  }
0x3: {  	s3 =	rddreg [dreg:$0x2];
	s8 =	smul.u32 $0xC00, s0  }
0x4: {  	s4 =	simm.s32 $0x0;
	s14 =	simm.s32 $0x80;
	s9 =	smul.u32 $0x2800, s0  }
0x5: {  	s15 =	simm.s32 $0x1800;
	s16 =	simm.s32 $0x1;
	s10 =	smul.u32 $0x28000, s5  }
0x6: {  	[smem:$0x7FF] =	sst s4;
	s2 =	sshll.u32 s5, $0x4;
	s28 =	smul.u32 $0x50000, s0  }
0x7: {  	s5 =	ssub.s32 $0x2, s5;
	s31 =	sshll.u32 s0, $0x6;
	s2 =	sor.u32 s0, s2  }
0x8: {  	s29 =	sshrl.u32 s5, $0x1;
	s7 =	smul.u32 $0xC00, s2;
	s2 =	rddreg [dreg:$0x3]  }
0x9: {  	_ =	strace $0x80000050;
	s26 =	sadd.s32 s8, s6;
	s12 =	sadd.s32 s9, s6  }
0xa: {  	s9 =	sadd.s32 s9, s10;
	s8 =	sshrl.u32 s28, $0x2;
	s30 =	ssub.s32 s5, s29  }
0xb: {  	s9 =	sadd.s32 s9, s6;
	s13 =	sadd.s32 s8, s3;
	s5 =	sadd.s32 $0x38C00, s12  }
0xc: {  	s10 =	smax.u32 s30, $0x1;
	s12 =	simm.s32 $0x2;
	s11 =	sadd.s32 s7, s6  }
0xd: {  	s6 =	sor.u32 $0x1C02, s31;
	s7 =	sadd.s32 $0x1A4000, s26;
	s9 =	sadd.s32 $0x1C8000, s9  }
0xe: {  	s8 =	sadd.s32 $0x1B0000, s11;
	s11 =	sshrl.u32 s13, $0x3;
	s13 =	simm.s32 $0xC00  }
.LBB2_1:
0xf: {  	[spmem:s11], [sflag:s6] =	dma.local [hbm:s5], $0x2800  }
0x10: {  	_ =	swait.ge [sflag:s12], $0x2800  }
0x11: {  	[sflag:s12] =	ssyncset.done $0x0  }
0x12: {  	[sflag:s12] =	ssyncadd.s32 $0xFFFFD800  }
0x13: {  	s17 =	simm.s32 $0x0;
	[bflag:$0x0] =	sbarrier.arrive $0xFFFF  }
.LBB2_2:
0x14: {  	s18 =	smul.u32 $0x180, s17;
	_ =	sdelay $0x1  }
0x15: {  	s20 =	simm.s32 $0x0;
	s19 =	sadd.s32 s18, s7  }
0x16: {  	[tilespmem:s13], [sflag:$0x2] =	stream.linear.gather [hbm4b:s19+s20], $0xA00, $0x38;
	[tilespmem:$0x19800] =	vst v63  }
0x17: {  	_ =	swait.ge [sflag:s12], $0xA00  }
0x18: {  	[sflag:s12] =	ssyncset.done $0x0  }
0x19: {  	s18 =	sadd.s32 s18, s8;
	[sflag:s12] =	ssyncadd.s32 $0xFFFFF600  }
0x1a: {  	[tilespmem:s20], [sflag:$0x2] =	stream.linear.gather [hbm4b:s18+s20], $0xA00, $0x38;
	[tilespmem:$0x19800] =	vst v63  }
0x1b: {  	_ =	swait.ge [sflag:s12], $0xA00  }
0x1c: {  	[sflag:s12] =	ssyncset.done $0x0  }
0x1d: {  	s30 =	simm.s32 $0x0;
	[sflag:s12] =	ssyncadd.s32 $0xFFFFF600  }
0x1e: {  	[tilespmem:s15], [sflag:$0x1] =	stream.indirect.gather [hbm4b:s1+s14], $0x80, s30, s14, $0xb8;
	[tilespmem:$0x19800] =	vst v63  }
0x1f: {  	_ =	swait.ge [sflag:s16], $0x4000  }
0x20: {  	[sflag:s16] =	ssyncset.done $0x0  }
0x21: {  	s31 =	simm.s32 $0xC00;
	[sflag:s16] =	ssyncadd.s32 $0xFFFFC000  }
0x22: {  	[spmem:s3] =	stream.indirect.scatter.add.f32 [tilespmem:s15], [sflag:$0x2], $0x80, s31, s14, $0xb8;
	[tilespmem:$0x19800] =	vst v63  }
0x23: {  	_ =	swait.ge [sflag:s12], $0x4000  }
0x24: {  	s19 =	simm.s32 $0x400;
	s18 =	simm.s32 $0x200;
	[sflag:s12] =	ssyncset.done $0x0  }
.LBB2_3:
0x25: {  	s20 =	sshra.s32 s18, $0x2  }
0x26: {  	[sflag:s12] =	ssyncadd.s32 $0xFFFFC000;
	s18 =	smov.u32 s19;
	s21 =	sadd.s32 $0x200, s19  }
0x27: {  	[tilespmem:s15], [sflag:$0x1] =	stream.indirect.gather [hbm4b:s1+s14], $0x80, s20, s14, $0xb8;
	[tilespmem:$0x19800] =	vst v63  }
0x28: {  	p0 =	sne.s32 s19, $0x2600;
	_ =	swait.ge [sflag:s16], $0x4000  }
.Ltmp0:
0x29: {  	[sflag:s16] =	ssyncset.done $0x0;
	(pc) =	sbr.rel @p0 .LBB2_3-.Ltmp0, $4  }
0x2a: {  	s19 =	sadd.s32 $0xC00, s20;
	[sflag:s16] =	ssyncadd.s32 $0xFFFFC000  }
0x2b: {  	[spmem:s3] =	stream.indirect.scatter.add.f32 [tilespmem:s15], [sflag:$0x2], $0x80, s19, s14, $0xb8;
	[tilespmem:$0x19800] =	vst v63  }
0x2c: {  	_ =	swait.ge [sflag:s12], $0x4000  }
0x2d: {  	s19 =	smov.u32 s21;
	[sflag:s12] =	ssyncset.done $0x0  }
0x2e: {  	s18 =	sshra.s32 s18, $0x2;
	[sflag:s12] =	ssyncadd.s32 $0xFFFFC000  }
0x2f: {  	[tilespmem:s15], [sflag:$0x1] =	stream.indirect.gather [hbm4b:s1+s14], $0x80, s18, s14, $0xb8;
	[tilespmem:$0x19800] =	vst v63  }
0x30: {  	s17 =	sadd.s32 $0x1, s17;
	_ =	swait.ge [sflag:s16], $0x4000  }
0x31: {  	p0 =	sne.s32 s17, $0x8;
	[sflag:s16] =	ssyncset.done $0x0  }
.Ltmp1:
0x32: {  	s18 =	sadd.s32 $0xC00, s18;
	[sflag:s16] =	ssyncadd.s32 $0xFFFFC000;
	(pc) =	sbr.rel @p0 .LBB2_2-.Ltmp1, $4  }
0x33: {  	[spmem:s3] =	stream.indirect.scatter.add.f32 [tilespmem:s15], [sflag:$0x2], $0x80, s18, s14, $0xb8;
	[tilespmem:$0x19800] =	vst v63  }
0x34: {  	_ =	swait.ge [sflag:s12], $0x4000  }
0x35: {  	[sflag:s12] =	ssyncset.done $0x0  }
0x36: {  	[sflag:s12] =	ssyncadd.s32 $0xFFFFC000  }
0x37: {  	s4 =	sadd.s32 $0x1, s4  }
0x38: {  	p0 =	sne.s32 s4, s10  }
.Ltmp2:
0x39: {  	[bflag:$0x0] =	sbarrier.arrive $0xFFFF;
	(pc) =	sbr.rel @p0 .LBB2_1-.Ltmp2, $4  }
0x3a: {  	[hbm:s9], [sflag:s6] =	dma.local [spmem:s11], $0x2800  }
0x3b: {  	_ =	swait.ge [sflag:s12], $0x2800  }
0x3c: {  	[sflag:s12] =	ssyncset.done $0x0  }
0x3d: {  	[sflag:s12] =	ssyncadd.s32 $0xFFFFD800  }
0x3e: {  	_ =	sfence.sel $0x180000  }
0x3f: {  	[bflag:$0x0] =	sbarrier.arrive $0xFFFF  }
0x40: {  	p0 =	sne.s32 s0, $0x0;
	_ =	strace $0x90000050  }
0x41: {  	s0 =	sadd.s32 @!p0 $0x100000, s2;
	[bflag:$0x2] =	sbarrier.arrive $0xFFFF  }
0x42: {  	[sflag:s0] =	ssyncadd.tile.s32 @!p0 $0x1;
	_ =	shalt  }
.Lfunc_end2:
_tile_overlayer_lowered:
.L_overlay_start_2:
0x43: {  	(tag) =	ssettag $0x2  }
0x44: {  	s0 =	rddreg [dreg:$0x0];
	s2 =	stileid.u32  }
0x45: {  	s1 =	rddreg [dreg:$0x1];
	p0 =	sne.s32 s2, $0x0  }
0x46: {  	s3 =	rddreg [dreg:$0x2];
	[bflag:$0x3] =	sbarrier.arrive $0xFFFF;
	s2 =	simm.s32 @!p0 $0x1C02  }
0x47: {  	[timem:s3], [sflag:s2] =	dma.local @!p0 [hbm:s0], s1  }
0x48: {  	s0 =	simm.s32 @!p0 $0x2  }
0x49: {  	_ =	swait.ge @!p0 [sflag:s0], s1  }
0x4a: {  	s1 =	ssub.s32 @!p0 $0x0, s1;
	[sflag:s0] =	ssyncset.done @!p0 $0x0  }
0x4b: {  	[sflag:s0] =	ssyncadd.s32 @!p0 s1  }
0x4c: {  	[bflag:$0x3] =	sbarrier.arrive $0xFFFF  }
0x4d: {  	_ =	shalt  }

// kernel: kernel.31.cloned.1.call-start
scs
__scs_entry_jumppad:
0x0: {  	(pc) =	sbr.rel $0x88, $3  }
0x1: {  	(tag) =	ssettag $0x0;
	lr =	simm.s32 $0x1  }
0x2: {  	[smem:$0x3F99] =	sst lr;
	_ =	strace $0xD0000000  }
0x3: {  	_ = 	snop  }
0x4: {  	_ = 	snop  }
0x5: {  	_ = 	snop  }
0x6: {  	_ = 	snop  }
0x7: {  	_ = 	snop  }
__scs_overlays_trampoline_lowered:
0x8: {  	[smem:$0x3FA8] =	sst s0  }
0x9: {  	[smem:$0x3FA9] =	sst s1  }
0xa: {  	[smem:$0x3FAA] =	sst s2  }
0xb: {  	[smem:$0x3FAB] =	sst s3  }
0xc: {  	[smem:$0x3FAC] =	sst s4  }
0xd: {  	[smem:$0x3FAD] =	sst s5  }
0xe: {  	[smem:$0x3FAE] =	sst s6  }
0xf: {  	[smem:$0x3FAF] =	sst s7  }
0x10: {  	[smem:$0x3FB0] =	sst s8  }
0x11: {  	[smem:$0x3FB1] =	sst s9;
	s0 =	simm.s32 @!p0 $0x0  }
0x12: {  	s1 =	sld [smem:$0x3F97];
	s0 =	simm.s32 @p0 $0x1  }
0x13: {  	[smem:$0x3FB2] =	sst s0;
	s0 =	simm.s32 @!p1 $0x0  }
0x14: {  	s2 =	sld [smem:$0x3F96];
	s0 =	simm.s32 @p1 $0x1  }
0x15: {  	[smem:$0x3FB3] =	sst s0;
	s0 =	simm.s32 @!p2 $0x0  }
0x16: {  	s3 =	sld [smem:$0x3FDB];
	s0 =	simm.s32 @p2 $0x1  }
0x17: {  	s4 =	simm.s32 $0x1BF5;
	[smem:$0x3FB5] =	sst s0  }
0x18: {  	s0 =	sld [smem:$0x3F98];
	_ =	swait.ge [sflag:s4], $0x0  }
0x19: {  	s7 =	sld [smem:$0x3F99]  }
0x1a: {  	s8 =	sadd.s32 $0xFFFFE003, lr  }
0x1b: {  	s9 =	sadd.s32 $0xFFFFFEF7, lr;
	s5 =	simm.s32 $0xFFFFFFFF;
	p2 =	slt.u32 s8, $0xFFFFF086  }
0x1c: {  	p1 =	slt.u32 s9, $0xF7A;
	s5 =	simm.s32 @!p2 $0x0  }
0x1d: {  	s5 =	simm.s32 @p1 $0x1;
	p0 =	seq.s32 s7, s2  }
0x1e: {  	s7 =	smul.u32 @!p0 $0xF7A, s2;
	p2 =	seq.s32 @!p0 s5, $0x0  }
0x1f: {  	s9 =	smul.u32 $0xF7A, s1;
	s8 =	simm.s32 @!p0 $0x1BF5;
	p2 =	por !p2, p0  }
0x20: {  	[sflag:s8] =	ssyncset.s32 @!p0 $0xFFFFF086;
	s6 =	sadd.s32 @!p0 s3, s7;
	s7 =	simm.s32 @!p0 $0x108  }
0x21: {  	s3 =	sadd.s32 s3, s9;
	s6 =	sadd.s32 @!p0 $0x88, s6;
	s7 =	simm.s32 @p2 $0x1082  }
0x22: {  	[simem:s7], [sflag:s8] =	dma.local @!p0 [hbm:s6], $0xF7A  }
0x23: {  	s9 =	sor.u32 $0xD0000000, s2;
	s6 =	simm.s32 $0x108;
	_ =	swait.ge @!p0 [sflag:s8], $0x0  }
0x24: {  	s3 =	sadd.s32 $0x88, s3;
	s6 =	simm.s32 @!p1 $0x1082;
	[sflag:s4] =	ssyncset.s32 $0xFFFFF086  }
0x25: {  	[simem:s6], [sflag:s4] =	dma.local [hbm:s3], $0xF7A  }
0x26: {  	[smem:$0x3F99] =	sst s1;
	(tag) =	ssettag s2;
	_ =	strace s9  }
0x27: {  	s1 =	sld [smem:$0x3FA9]  }
0x28: {  	s2 =	sld [smem:$0x3FAA]  }
0x29: {  	s4 =	sld [smem:$0x3FAC]  }
0x2a: {  	p0 =	seq.s32 s5, $0x0;
	s5 =	sld [smem:$0x3FAD]  }
0x2b: {  	s6 =	sld [smem:$0x3FAE]  }
0x2c: {  	s7 =	sld [smem:$0x3FAF]  }
0x2d: {  	s3 =	simm.s32 $0x108;
	s8 =	sld [smem:$0x3FB0]  }
0x2e: {  	s3 =	simm.s32 @!p0 $0x1082;
	s9 =	sld [smem:$0x3FB1]  }
0x2f: {  	lr =	sadd.s32 s0, s3;
	s0 =	sld [smem:$0x3FA8]  }
0x30: {  	s3 =	sld [smem:$0x3FAB]  }
0x31: {  	[smem:$0x3FB4] =	sst s10  }
0x32: {  	s10 =	sld [smem:$0x3FB2];
	_ =	sdelay $0x3  }
0x33: {  	p0 =	seq.s32 s10, $0x1;
	s10 =	sld [smem:$0x3FB4];
	_ =	sdelay $0x3  }
0x34: {  	[smem:$0x3FB4] =	sst s10  }
0x35: {  	s10 =	sld [smem:$0x3FB3];
	_ =	sdelay $0x3  }
0x36: {  	p1 =	seq.s32 s10, $0x1;
	s10 =	sld [smem:$0x3FB4];
	_ =	sdelay $0x3  }
0x37: {  	[smem:$0x3FB4] =	sst s10  }
0x38: {  	s10 =	sld [smem:$0x3FB5]  }
0x39: {  	_ = 	snop;
	(pc) =	sbr.ind lr, $3  }
0x3a: {  	_ = 	snop  }
0x3b: {  	_ = 	snop  }
0x3c: {  	p2 =	seq.s32 s10, $0x1;
	s10 =	sld [smem:$0x3FB4]  }
0x3d: {  	_ =	shalt  }
0x3e: {  	_ =	shalt  }
0x3f: {  	_ =	shalt  }
0x40: {  	_ =	shalt  }
0x41: {  	_ =	shalt  }
0x42: {  	_ =	shalt  }
0x43: {  	_ =	shalt  }
0x44: {  	_ =	shalt  }
0x45: {  	_ =	shalt  }
0x46: {  	_ =	shalt  }
0x47: {  	_ =	shalt  }
0x48: {  	_ =	shalt  }
0x49: {  	_ =	shalt  }
0x4a: {  	_ =	shalt  }
0x4b: {  	_ =	shalt  }
0x4c: {  	_ =	shalt  }
0x4d: {  	_ =	shalt  }
0x4e: {  	_ =	shalt  }
0x4f: {  	_ =	shalt  }
0x50: {  	_ =	shalt  }
0x51: {  	_ =	shalt  }
0x52: {  	_ =	shalt  }
0x53: {  	_ =	shalt  }
0x54: {  	_ =	shalt  }
0x55: {  	_ =	shalt  }
0x56: {  	_ =	shalt  }
0x57: {  	_ =	shalt  }
0x58: {  	_ =	shalt  }
0x59: {  	_ =	shalt  }
0x5a: {  	_ =	shalt  }
0x5b: {  	_ =	shalt  }
0x5c: {  	_ =	shalt  }
0x5d: {  	_ =	shalt  }
0x5e: {  	_ =	shalt  }
0x5f: {  	_ =	shalt  }
0x60: {  	_ =	shalt  }
0x61: {  	_ =	shalt  }
0x62: {  	_ =	shalt  }
0x63: {  	_ =	shalt  }
0x64: {  	_ =	shalt  }
0x65: {  	_ =	shalt  }
0x66: {  	_ =	shalt  }
0x67: {  	_ =	shalt  }
0x68: {  	_ =	shalt  }
0x69: {  	_ =	shalt  }
0x6a: {  	_ =	shalt  }
0x6b: {  	_ =	shalt  }
0x6c: {  	_ =	shalt  }
0x6d: {  	_ =	shalt  }
0x6e: {  	_ =	shalt  }
0x6f: {  	_ =	shalt  }
0x70: {  	_ =	shalt  }
0x71: {  	_ =	shalt  }
0x72: {  	_ =	shalt  }
0x73: {  	_ =	shalt  }
0x74: {  	_ =	shalt  }
0x75: {  	_ =	shalt  }
0x76: {  	_ =	shalt  }
0x77: {  	_ =	shalt  }
0x78: {  	_ =	shalt  }
0x79: {  	_ =	shalt  }
0x7a: {  	_ =	shalt  }
0x7b: {  	_ =	shalt  }
0x7c: {  	_ =	shalt  }
0x7d: {  	_ =	shalt  }
0x7e: {  	_ =	shalt  }
0x7f: {  	_ =	shalt  }
0x80: {  	_ =	shalt  }
0x81: {  	_ =	shalt  }
0x82: {  	_ =	shalt  }
0x83: {  	_ =	shalt  }
0x84: {  	_ =	shalt  }
0x85: {  	_ =	shalt  }
0x86: {  	_ =	shalt  }
0x87: {  	_ =	shalt  }
.Lfunc_end0:
.L_simem_size_0:
called_computation.5_lowered:
.L_overlay_start_0:
0x88: {  	s2 =	sld [smem:$0x3FD9]  }
0x89: {  	s3 =	sld [smem:$0x3FFE];
	_ =	sdelay $0x1  }
0x8a: {  	s1 =	srdreg.scid  }
0x8b: {  	s0 =	sand.u32 $0x1, s1  }
0x8c: {  	s17 =	sshll.u32 s0, $0xA;
	s2 =	sadd.s32 s3, s2  }
0x8d: {  	s2 =	sadd.s32 s2, s17  }
0x8e: {  	[smem:$0x3FC0] =	sst s2  }
0x8f: {  	_ = 	snop  }
0x90: {  	s18 =	sld [smem:$0x3FD0];
	(tm) =	ssettm $0x1  }
0x91: {  	s19 =	sld [smem:$0x3FFB];
	_ =	sdelay $0x3  }
0x92: {  	_ =	strace s19  }
0x93: {  	s2 =	sld [smem:$0x3FFC];
	_ =	sdelay $0x3  }
0x94: {  	_ =	strace s2  }
0x95: {  	s2 =	sld [smem:$0x3FFD];
	_ =	sdelay $0x3  }
0x96: {  	_ =	strace s2  }
0x97: {  	_ =	strace $0x8FFFFFFF  }
0x98: {  	s20 =	sld [smem:$0x3FDB];
	_ =	sdelay $0x1  }
0x99: {  	s4 =	simm.s32 $_scs_section_size  }
0x9a: {  	s5 =	simm.s32 $_size__tile_overlayer_lowered;
	s6 =	simm.s32 $_tile_overlayer_lowered  }
0x9b: {  	s7 =	simm.s32 $0x1BFF;
	s21 =	sshll.u32 s6, $0x1;
	s4 =	sadd.s32 s4, s20  }
0x9c: {  	s22 =	simm.s32 $0x0;
	s5 =	sshll.u32 s5, $0x1;
	s6 =	sadd.s32 s21, s4  }
0x9d: {  	[timem:s22], [sflag:s7] =	dma.local [hbm:s6], s5  }
0x9e: {  	_ =	swait.ge [sflag:s7], s5  }
0x9f: {  	s5 =	ssub.s32 $0x0, s5;
	[sflag:s7] =	ssyncset.done $0x0  }
0xa0: {  	[sflag:s7] =	ssyncadd.s32 s5;
	_ =	sdelay $0x1  }
0xa1: {  	s23 =	simm.s32 $0x1B8B  }
0xa2: {  	_ =	swait.ge [sflag:s23], $0x1  }
0xa3: {  	[sflag:s23] =	ssyncset.done $0x0  }
0xa4: {  	[sflag:s23] =	ssyncadd.s32 $0xFFFFFFFF  }
0xa5: {  	s5 =	sld [smem:$0x0]  }
0xa6: {  	s6 =	sand.u32 $0xFFFFFFFE, s1  }
0xa7: {  	p0 =	sne.s32 s1, s6  }
0xa8: {  	s6 =	sshll.u32 @p0 s6, $0xE  }
0xa9: {  	s6 =	sadd.s32 @p0 $0x11B8D, s6;
	s7 =	sshll.u32 @p0 s5, $0x11  }
0xaa: {  	s6 =	sor.u32 @p0 s7, s6  }
0xab: {  	[sflag:s6] =	ssyncadd.remote.s32 @p0 $0x1;
	_ =	sdelay $0x1  }
0xac: {  	s6 =	simm.s32 @p0 $0x1B8D  }
0xad: {  	_ =	swait.eq @p0 [sflag:s6], $0x1  }
0xae: {  	[sflag:s6] =	ssyncadd.s32 @p0 $0xFFFFFFFF  }
0xaf: {  	s7 =	sshll.u32 @!p0 s1, $0xE  }
0xb0: {  	s7 =	sor.u32 @!p0 $0x4000, s7;
	s6 =	simm.s32 @!p0 $0x1B8D  }
0xb1: {  	s5 =	sshll.u32 @!p0 s5, $0x11;
	s7 =	sadd.s32 @!p0 $0x11B8D, s7;
	_ =	swait.eq @!p0 [sflag:s6], $0x1  }
0xb2: {  	s5 =	sor.u32 @!p0 s5, s7;
	[sflag:s6] =	ssyncadd.s32 @!p0 $0xFFFFFFFF  }
0xb3: {  	s25 =	simm.s32 $0x1B8E;
	s24 =	sld [smem:$0x3FFE];
	[sflag:s5] =	ssyncadd.remote.s32 @!p0 $0x1  }
0xb4: {  	s26 =	simm.s32 $execute0_lowered;
	[smem:$0x3FD2] =	sst s25  }
0xb5: {  	s6 =	sshll.u32 s26, $0x1;
	_ =	strace $0x80000055;
	[dreg:$0x1] =	wrdreg $0xFFFFFFFF  }
0xb6: {  	s28 =	simm.s32 $_size_execute0_lowered;
	s4 =	sadd.s32 s4, s6;
	[dreg:$0x0] =	wrdreg $0x0  }
0xb7: {  	s6 =	sshll.u32 s28, $0x1;
	[dreg:$0x2] =	wrdreg s4  }
0xb8: {  	[dreg:$0x3] =	wrdreg s6  }
0xb9: {  	[dreg:$0x4] =	wrdreg $0xC0  }
0xba: {  	_ =	task [dreg:s22], $0x5FFFF  }
0xbb: {  	[dreg:$0x1] =	wrdreg $0xFFFFFFFF  }
0xbc: {  	[dreg:$0x0] =	wrdreg $0x60  }
0xbd: {  	[dreg:$0x2] =	wrdreg s18  }
0xbe: {  	[dreg:$0x3] =	wrdreg s24  }
0xbf: {  	[dreg:$0x4] =	wrdreg $0x58000  }
0xc0: {  	[dreg:$0x5] =	wrdreg $0xA  }
0xc1: {  	_ =	task.clear_ibuf [dreg:s22], $0x6FFFF;
	_ =	strace $0x90000055  }
0xc2: {  	s29 =	simm.s32 $0xA;
	_ =	strace $0x80000057  }
0xc3: {  	_ =	swait.ge [sflag:s29], $0x1  }
0xc4: {  	[sflag:s29] =	ssyncadd.s32 $0xFFFFFFFF  }
0xc5: {  	_ =	strace $0x90000057  }
0xc6: {  	_ =	sfence  }
0xc7: {  	s30 =	sld [smem:$0x0];
	_ =	sdelay $0x2  }
0xc8: {  	s31 =	sshll.u32 s1, $0xD;
	s1 =	sshrl.u32 s1, $0x2  }
0xc9: {  	s4 =	sand.u32 $0x4000, s31;
	s1 =	sadd.s32 s1, s30  }
0xca: {  	s0 =	sor.u32 s4, s0;
	s1 =	sshll.u32 s1, $0x11  }
0xcb: {  	s0 =	sor.u32 s1, s0  }
0xcc: {  	s0 =	sadd.s32 $0x8F2B, s0  }
0xcd: {  	[sflag:s0] =	ssyncadd.remote.s32 $0x1  }
0xce: {  	_ =	sfence.sel $0xFFFF  }
0xcf: {  	[dreg:$0x0] =	wrdreg $0xFFFFFFFF;
	(pc) =	sbr.abs _section_cstart, $3  }
0xd0: {  	[dreg:$0x1] =	wrdreg $0xFFFFFFFF  }
0xd1: {  	_ =	task.clear_ibuf [dreg:s22], $0x2FFFF;
	_ =	strace $0x9FFFFFFF  }
0xd2: {  	(tm) =	ssettm $0x7FFFFFFF  }
0xd3: {  	_ =	shalt  }
tec
execute0_lowered:
.L_overlay_start_1:
0x0: {  	(tag) =	ssettag $0x1  }
0x1: {  	s0 =	srdreg.scid;
	s1 =	rddreg [dreg:$0x0]  }
0x2: {  	s6 =	rddreg [dreg:$0x1];
	s5 =	sand.u32 $0x1, s0;
	s0 =	stileid.u32  }
0x3: {  	s3 =	rddreg [dreg:$0x2];
	s8 =	smul.u32 $0xC00, s0  }
0x4: {  	s4 =	simm.s32 $0x0;
	s14 =	simm.s32 $0x80;
	s9 =	smul.u32 $0x2800, s0  }
0x5: {  	s15 =	simm.s32 $0x1800;
	s16 =	simm.s32 $0x1;
	s10 =	smul.u32 $0x28000, s5  }
0x6: {  	[smem:$0x7FF] =	sst s4;
	s2 =	sshll.u32 s5, $0x4;
	s28 =	smul.u32 $0x50000, s0  }
0x7: {  	s5 =	ssub.s32 $0x2, s5;
	s31 =	sshll.u32 s0, $0x6;
	s2 =	sor.u32 s0, s2  }
0x8: {  	s29 =	sshrl.u32 s5, $0x1;
	s7 =	smul.u32 $0xC00, s2;
	s2 =	rddreg [dreg:$0x3]  }
0x9: {  	_ =	strace $0x80000056;
	s26 =	sadd.s32 s8, s6;
	s12 =	sadd.s32 s9, s6  }
0xa: {  	s9 =	sadd.s32 s9, s10;
	s8 =	sshrl.u32 s28, $0x2;
	s30 =	ssub.s32 s5, s29  }
0xb: {  	s9 =	sadd.s32 s9, s6;
	s13 =	sadd.s32 s8, s3;
	s5 =	sadd.s32 $0x38C00, s12  }
0xc: {  	s10 =	smax.u32 s30, $0x1;
	s12 =	simm.s32 $0x2;
	s11 =	sadd.s32 s7, s6  }
0xd: {  	s6 =	sor.u32 $0x1C02, s31;
	s7 =	sadd.s32 $0x1A4000, s26;
	s9 =	sadd.s32 $0x1C8000, s9  }
0xe: {  	s8 =	sadd.s32 $0x1B0000, s11;
	s11 =	sshrl.u32 s13, $0x3;
	s13 =	simm.s32 $0xC00  }
.LBB2_1:
0xf: {  	[spmem:s11], [sflag:s6] =	dma.local [hbm:s5], $0x2800  }
0x10: {  	_ =	swait.ge [sflag:s12], $0x2800  }
0x11: {  	[sflag:s12] =	ssyncset.done $0x0  }
0x12: {  	[sflag:s12] =	ssyncadd.s32 $0xFFFFD800  }
0x13: {  	s17 =	simm.s32 $0x0;
	[bflag:$0x0] =	sbarrier.arrive $0xFFFF  }
.LBB2_2:
0x14: {  	s18 =	smul.u32 $0x180, s17;
	_ =	sdelay $0x1  }
0x15: {  	s20 =	simm.s32 $0x0;
	s19 =	sadd.s32 s18, s7  }
0x16: {  	[tilespmem:s13], [sflag:$0x2] =	stream.linear.gather [hbm4b:s19+s20], $0xA00, $0x38;
	[tilespmem:$0x19800] =	vst v63  }
0x17: {  	_ =	swait.ge [sflag:s12], $0xA00  }
0x18: {  	[sflag:s12] =	ssyncset.done $0x0  }
0x19: {  	s18 =	sadd.s32 s18, s8;
	[sflag:s12] =	ssyncadd.s32 $0xFFFFF600  }
0x1a: {  	[tilespmem:s20], [sflag:$0x2] =	stream.linear.gather [hbm4b:s18+s20], $0xA00, $0x38;
	[tilespmem:$0x19800] =	vst v63  }
0x1b: {  	_ =	swait.ge [sflag:s12], $0xA00  }
0x1c: {  	[sflag:s12] =	ssyncset.done $0x0  }
0x1d: {  	s30 =	simm.s32 $0x0;
	[sflag:s12] =	ssyncadd.s32 $0xFFFFF600  }
0x1e: {  	[tilespmem:s15], [sflag:$0x1] =	stream.indirect.gather [hbm4b:s1+s14], $0x80, s30, s14, $0xb8;
	[tilespmem:$0x19800] =	vst v63  }
0x1f: {  	_ =	swait.ge [sflag:s16], $0x4000  }
0x20: {  	[sflag:s16] =	ssyncset.done $0x0  }
0x21: {  	s31 =	simm.s32 $0xC00;
	[sflag:s16] =	ssyncadd.s32 $0xFFFFC000  }
0x22: {  	[spmem:s3] =	stream.indirect.scatter.add.f32 [tilespmem:s15], [sflag:$0x2], $0x80, s31, s14, $0xb8;
	[tilespmem:$0x19800] =	vst v63  }
0x23: {  	_ =	swait.ge [sflag:s12], $0x4000  }
0x24: {  	s19 =	simm.s32 $0x400;
	s18 =	simm.s32 $0x200;
	[sflag:s12] =	ssyncset.done $0x0  }
.LBB2_3:
0x25: {  	s20 =	sshra.s32 s18, $0x2  }
0x26: {  	[sflag:s12] =	ssyncadd.s32 $0xFFFFC000;
	s18 =	smov.u32 s19;
	s21 =	sadd.s32 $0x200, s19  }
0x27: {  	[tilespmem:s15], [sflag:$0x1] =	stream.indirect.gather [hbm4b:s1+s14], $0x80, s20, s14, $0xb8;
	[tilespmem:$0x19800] =	vst v63  }
0x28: {  	p0 =	sne.s32 s19, $0x2600;
	_ =	swait.ge [sflag:s16], $0x4000  }
.Ltmp0:
0x29: {  	[sflag:s16] =	ssyncset.done $0x0;
	(pc) =	sbr.rel @p0 .LBB2_3-.Ltmp0, $4  }
0x2a: {  	s19 =	sadd.s32 $0xC00, s20;
	[sflag:s16] =	ssyncadd.s32 $0xFFFFC000  }
0x2b: {  	[spmem:s3] =	stream.indirect.scatter.add.f32 [tilespmem:s15], [sflag:$0x2], $0x80, s19, s14, $0xb8;
	[tilespmem:$0x19800] =	vst v63  }
0x2c: {  	_ =	swait.ge [sflag:s12], $0x4000  }
0x2d: {  	s19 =	smov.u32 s21;
	[sflag:s12] =	ssyncset.done $0x0  }
0x2e: {  	s18 =	sshra.s32 s18, $0x2;
	[sflag:s12] =	ssyncadd.s32 $0xFFFFC000  }
0x2f: {  	[tilespmem:s15], [sflag:$0x1] =	stream.indirect.gather [hbm4b:s1+s14], $0x80, s18, s14, $0xb8;
	[tilespmem:$0x19800] =	vst v63  }
0x30: {  	s17 =	sadd.s32 $0x1, s17;
	_ =	swait.ge [sflag:s16], $0x4000  }
0x31: {  	p0 =	sne.s32 s17, $0x8;
	[sflag:s16] =	ssyncset.done $0x0  }
.Ltmp1:
0x32: {  	s18 =	sadd.s32 $0xC00, s18;
	[sflag:s16] =	ssyncadd.s32 $0xFFFFC000;
	(pc) =	sbr.rel @p0 .LBB2_2-.Ltmp1, $4  }
0x33: {  	[spmem:s3] =	stream.indirect.scatter.add.f32 [tilespmem:s15], [sflag:$0x2], $0x80, s18, s14, $0xb8;
	[tilespmem:$0x19800] =	vst v63  }
0x34: {  	_ =	swait.ge [sflag:s12], $0x4000  }
0x35: {  	[sflag:s12] =	ssyncset.done $0x0  }
0x36: {  	[sflag:s12] =	ssyncadd.s32 $0xFFFFC000  }
0x37: {  	s4 =	sadd.s32 $0x1, s4  }
0x38: {  	p0 =	sne.s32 s4, s10  }
.Ltmp2:
0x39: {  	[bflag:$0x0] =	sbarrier.arrive $0xFFFF;
	(pc) =	sbr.rel @p0 .LBB2_1-.Ltmp2, $4  }
0x3a: {  	[hbm:s9], [sflag:s6] =	dma.local [spmem:s11], $0x2800  }
0x3b: {  	_ =	swait.ge [sflag:s12], $0x2800  }
0x3c: {  	[sflag:s12] =	ssyncset.done $0x0  }
0x3d: {  	[sflag:s12] =	ssyncadd.s32 $0xFFFFD800  }
0x3e: {  	_ =	sfence.sel $0x180000  }
0x3f: {  	[bflag:$0x0] =	sbarrier.arrive $0xFFFF  }
0x40: {  	p0 =	sne.s32 s0, $0x0;
	_ =	strace $0x90000056  }
0x41: {  	s0 =	sadd.s32 @!p0 $0x100000, s2;
	[bflag:$0x2] =	sbarrier.arrive $0xFFFF  }
0x42: {  	[sflag:s0] =	ssyncadd.tile.s32 @!p0 $0x1;
	_ =	shalt  }
.Lfunc_end2:
_tile_overlayer_lowered:
.L_overlay_start_2:
0x43: {  	(tag) =	ssettag $0x2  }
0x44: {  	s0 =	rddreg [dreg:$0x0];
	s2 =	stileid.u32  }
0x45: {  	s1 =	rddreg [dreg:$0x1];
	p0 =	sne.s32 s2, $0x0  }
0x46: {  	s3 =	rddreg [dreg:$0x2];
	[bflag:$0x3] =	sbarrier.arrive $0xFFFF;
	s2 =	simm.s32 @!p0 $0x1C02  }
0x47: {  	[timem:s3], [sflag:s2] =	dma.local @!p0 [hbm:s0], s1  }
0x48: {  	s0 =	simm.s32 @!p0 $0x2  }
0x49: {  	_ =	swait.ge @!p0 [sflag:s0], s1  }
0x4a: {  	s1 =	ssub.s32 @!p0 $0x0, s1;
	[sflag:s0] =	ssyncset.done @!p0 $0x0  }
0x4b: {  	[sflag:s0] =	ssyncadd.s32 @!p0 s1  }
0x4c: {  	[bflag:$0x3] =	sbarrier.arrive $0xFFFF  }
0x4d: {  	_ =	shalt  }

</sc_bundles>
